<compile_context>
chip_gen: v7x
topology: tpu7x:2x2x1
jax: 0.10.2.dev20260603
libtpu: 0.0.44.dev20260713+nightly
codegen_flags: <defaults>
</compile_context>

<pallas_src>
import functools

import jax
import jax.numpy as jnp
from jax import lax
from jax.experimental import pallas as pl
from jax.experimental.pallas import tpu as pltpu
from jax.experimental.pallas import tpu_sc as plsc

NC = 2
NS = 16
NW = NC * NS

BATCH = 4096
SEQ = 200
EMB = 64
TOTAL = BATCH * SEQ
PER_W = TOTAL // NW
CHUNK = 128
CHUNKS = PER_W // CHUNK
PAIRS = CHUNK // 2


def _make_gather():
  mesh = plsc.VectorSubcoreMesh(
      core_axis_name="c", subcore_axis_name="s",
      num_cores=NC, num_subcores=NS)

  @functools.partial(
      pl.kernel,
      out_type=jax.ShapeDtypeStruct((TOTAL, EMB), jnp.float32),
      mesh=mesh,
      scratch_types=[
          pltpu.VMEM((CHUNKS, CHUNK), jnp.int32),
          [pltpu.VMEM((CHUNK,), jnp.int32)] * 2,
          [pltpu.VMEM((CHUNK, 2 * EMB), jnp.float32)] * 2,
          [pltpu.VMEM((CHUNK, EMB), jnp.float32)] * 2,
          [pltpu.SemaphoreType.DMA] * 2,
          [pltpu.SemaphoreType.DMA] * 2,
      ],
      compiler_params=pltpu.CompilerParams(use_tc_tiling_on_sc=True),
  )
  def gather_kernel(word_hbm, table_hbm, out_hbm, idx_v, pidx, bufs, stages,
                    gsems, ssems):
    wid = lax.axis_index("s") * NC + lax.axis_index("c")
    pltpu.sync_copy(word_hbm.at[wid], idx_v)

    def fill(j, b):
      for k in range(CHUNK // 16):
        pidx[b][pl.ds(k * 16, 16)] = idx_v[j, pl.ds(k * 16, 16)] >> 1
      pltpu.async_copy(table_hbm.at[pidx[b]], bufs[b], gsems[b])

    def drain_fill(b):
      pltpu.make_async_copy(table_hbm.at[pidx[b]], bufs[b], gsems[b]).wait()

    def compact(j, b):
      def group(g, carry):
        k0 = g * 16
        srcs = (idx_v[j, pl.ds(k0, 16)] & 1) * EMB
        for l in range(16):
          k = k0 + l
          src = srcs[l]
          for c in range(EMB // 16):
            stages[b][k, pl.ds(c * 16, 16)] = (
                bufs[b][k, pl.ds(src + c * 16, 16)])
        return carry
      lax.fori_loop(0, CHUNK // 16, group, 0)

    def store(j, b):
      base = (wid * CHUNKS + j) * CHUNK
      pltpu.async_copy(stages[b], out_hbm.at[pl.ds(base, CHUNK)], ssems[b])

    def wait_store(j, b):
      base = (wid * CHUNKS + j) * CHUNK
      pltpu.make_async_copy(stages[b], out_hbm.at[pl.ds(base, CHUNK)],
                            ssems[b]).wait()

    fill(0, 0)

    def outer(j0, carry):
      for b in range(2):
        j = j0 + b
        nb = 1 - b

        @pl.when(j + 1 < CHUNKS)
        def _():
          fill(j + 1, nb)

        drain_fill(b)

        @pl.when(j >= 2)
        def _():
          wait_store(j - 2, b)
        compact(j, b)
        store(j, b)
      return carry

    lax.fori_loop(0, CHUNKS // 2, lambda i, c: outer(i * 2, c), 0)

    wait_store(CHUNKS - 2, 0)
    wait_store(CHUNKS - 1, 1)

  return gather_kernel


_gather = _make_gather()


def kernel(WORD, word_table):
  idx = WORD.reshape(NW, CHUNKS, CHUNK)
  table2 = word_table.reshape(word_table.shape[0] // 2, 2 * EMB)
  out = _gather(idx, table2)
  return out.reshape(TOTAL, EMB, 1)

# --- scband reference (transcript-rebuilt; emitter-appended) ---
"""Pipeline reference for scband-embedder-76244259438909 (READ-ONLY COPY).

The authoritative reference and input builder live on the scoring server;
editing this copy changes nothing except your own understanding.
"""

import jax, jax.numpy as jnp
import numpy as np

VOCAB = 1000000
EMB_DIM = 64
BATCH = 4096
SEQ = 200

def setup_inputs(seed: int = 0) -> dict:
    key = jax.random.key(seed)
    k1, k2 = jax.random.split(key)
    WORD = jax.random.randint(k1, (BATCH, SEQ), 0, VOCAB, dtype=jnp.int64) if jax.config.jax_enable_x64 else jax.random.randint(k1, (BATCH, SEQ), 0, VOCAB, dtype=jnp.int32)
    word_table = jax.random.normal(k2, (VOCAB, EMB_DIM), dtype=jnp.float32) * 0.02
    return {"WORD": WORD, "word_table": word_table}

def reference(WORD, word_table):
    # Faithful to the WORD branch of Embedder.forward with mode='CONCAT':
    #   word_embs = self.word_embedding(input['WORD']).view(-1, emb_dim).float()
    #   embedded = torch.cat([word_embs], dim=-1)
    #   return embedded.view(word_embs.size()[0], word_embs.size()[1], -1)
    emb_dim = word_table.shape[1]
    word_embs = jnp.take(word_table, WORD, axis=0).reshape(-1, emb_dim).astype(jnp.float32)
    embeddings = [word_embs]
    embedded = jnp.concatenate(embeddings, axis=-1)
    # Note: after the view(-1, emb_dim), word_embs is 2D, so the final view yields
    # shape (B*L, emb_dim, 1), exactly as the torch code would produce.
    return embedded.reshape(word_embs.shape[0], word_embs.shape[1], -1)

if __name__ == "__main__":
    import jax
    _d = setup_inputs()
    print(jax.jit(kernel)(*tuple(_d.values())))

</pallas_src>

<mosaic_0001>
#map = affine_map<(d0, d1) -> (0, 0, 0)>
#map1 = affine_map<(d0, d1) -> (0, 0)>
module attributes {stable_mosaic.version = 14 : i64} {
  func.func @gather_kernel(%arg0: i32, %arg1: i32, %arg2: memref<32x200x128xi32, #tpu.memory_space<hbm>>, %arg3: memref<500000x128xf32, #tpu.memory_space<hbm>>, %arg4: memref<819200x64xf32, #tpu.memory_space<hbm>>, %arg5: memref<200x128xi32, #tpu.memory_space<vmem>>, %arg6: memref<128xi32, #tpu.memory_space<vmem>>, %arg7: memref<128xi32, #tpu.memory_space<vmem>>, %arg8: memref<128x128xf32, #tpu.memory_space<vmem>>, %arg9: memref<128x128xf32, #tpu.memory_space<vmem>>, %arg10: memref<128x64xf32, #tpu.memory_space<vmem>>, %arg11: memref<128x64xf32, #tpu.memory_space<vmem>>, %arg12: memref<!tpu.dma_semaphore, #tpu.memory_space<semaphore_mem>>, %arg13: memref<!tpu.dma_semaphore, #tpu.memory_space<semaphore_mem>>, %arg14: memref<!tpu.dma_semaphore, #tpu.memory_space<semaphore_mem>>, %arg15: memref<!tpu.dma_semaphore, #tpu.memory_space<semaphore_mem>>) attributes {dimension_semantics = [#tpu.dimension_semantics<core_parallel>, #tpu.dimension_semantics<subcore_parallel>], iteration_bounds = array<i64: 2, 16>, scalar_prefetch = 0 : i64, scratch_operands = 11 : i64, tpu.core_type = #tpu.core_type<sc_vector_subcore>, window_params = [{transform_indices = #map}, {transform_indices = #map1}, {transform_indices = #map1}]} {
    %mul3A = arith.constant 2 : i32
    %mul3A_0 = arith.muli %arg1, %mul3A : i32
    %add3A = arith.addi %mul3A_0, %arg0 : i32
    "tpu.region"() ({
      %run_scoped3A = tpu.sem_alloc : memref<!tpu.dma_semaphore, #tpu.memory_space<semaphore_mem>>
      %dma_start3A_120 = arith.constant 0 : i32
      %dma_start3A_121 = arith.constant 0 : i32
      %dma_start3A_122 = tpu.memref_slice %arg2[%add3A, %dma_start3A_120, %dma_start3A_121] : memref<32x200x128xi32, #tpu.memory_space<hbm>> -> memref<1x200x128xi32, #tpu.memory_space<hbm>>
      %dma_start3A_123 = tpu.memref_squeeze %dma_start3A_122 : memref<1x200x128xi32, #tpu.memory_space<hbm>> -> memref<200x128xi32, #tpu.memory_space<hbm>>
      %dma_start3A_124 = arith.constant 0 : i32
      %dma_start3A_125 = arith.constant 0 : i32
      %dma_start3A_126 = tpu.memref_slice %arg2[%add3A, %dma_start3A_124, %dma_start3A_125] : memref<32x200x128xi32, #tpu.memory_space<hbm>> -> memref<1x200x128xi32, #tpu.memory_space<hbm>>
      %dma_start3A_127 = tpu.memref_squeeze %dma_start3A_126 : memref<1x200x128xi32, #tpu.memory_space<hbm>> -> memref<200x128xi32, #tpu.memory_space<hbm>>
      tpu.enqueue_dma source(%dma_start3A_127 : memref<200x128xi32, #tpu.memory_space<hbm>>) target(%arg5 : memref<200x128xi32, #tpu.memory_space<vmem>>) target_semaphore(%run_scoped3A : memref<!tpu.dma_semaphore, #tpu.memory_space<semaphore_mem>>)
      %dma_wait3A_128 = arith.constant 0 : i32
      %dma_wait3A_129 = arith.constant 0 : i32
      %dma_wait3A_130 = tpu.memref_slice %arg2[%add3A, %dma_wait3A_128, %dma_wait3A_129] : memref<32x200x128xi32, #tpu.memory_space<hbm>> -> memref<1x200x128xi32, #tpu.memory_space<hbm>>
      %dma_wait3A_131 = tpu.memref_squeeze %dma_wait3A_130 : memref<1x200x128xi32, #tpu.memory_space<hbm>> -> memref<200x128xi32, #tpu.memory_space<hbm>>
      %dma_wait3A_132 = arith.constant 0 : i32
      %dma_wait3A_133 = arith.constant 0 : i32
      %dma_wait3A_134 = tpu.memref_slice %arg2[%add3A, %dma_wait3A_132, %dma_wait3A_133] : memref<32x200x128xi32, #tpu.memory_space<hbm>> -> memref<1x200x128xi32, #tpu.memory_space<hbm>>
      %dma_wait3A_135 = tpu.memref_squeeze %dma_wait3A_134 : memref<1x200x128xi32, #tpu.memory_space<hbm>> -> memref<200x128xi32, #tpu.memory_space<hbm>>
      tpu.wait_dma2 semaphore(%run_scoped3A : memref<!tpu.dma_semaphore, #tpu.memory_space<semaphore_mem>>) src(%dma_wait3A_135 : memref<200x128xi32, #tpu.memory_space<hbm>>) dst(%arg5 : memref<200x128xi32, #tpu.memory_space<vmem>>)
      tpu.yield
    }) : () -> ()
    %get3A = arith.constant 0 : i32
    %get3A_1 = arith.index_cast %get3A : i32 to index
    %get3A_2 = arith.constant 0 : index
    %get3A_3 = tpu.vector_load %arg5[%get3A_1, %get3A_2] {strides = array<i32>} : memref<200x128xi32, #tpu.memory_space<vmem>>, vector<1x16xi32>,
    %get3A_4 = vector.shape_cast %get3A_3 : vector<1x16xi32> to vector<16xi32>
    %shift_right_arithmetic3A = arith.constant 1 : i32
    %shift_right_arithmetic3A_5 = vector.broadcast %shift_right_arithmetic3A : i32 to vector<16xi32>
    %shift_right_arithmetic3A_6 = arith.shrsi %get3A_4, %shift_right_arithmetic3A_5 : vector<16xi32>
    %swap3A = arith.constant 0 : index
    %swap3A_7 = tpu.vector_load %arg6[%swap3A] {strides = array<i32>} : memref<128xi32, #tpu.memory_space<vmem>>, vector<16xi32>,
    %swap3A_8 = vector.shape_cast %swap3A_7 : vector<16xi32> to vector<16xi32>
    %swap3A_9 = vector.shape_cast %shift_right_arithmetic3A_6 : vector<16xi32> to vector<16xi32>
    tpu.vector_store %arg6[%swap3A], %swap3A_9 {strides = array<i32>} : memref<128xi32, #tpu.memory_space<vmem>>, vector<16xi32>,
    %get3A_10 = arith.constant 0 : i32
    %get3A_11 = arith.index_cast %get3A_10 : i32 to index
    %get3A_12 = arith.constant 16 : index
    %get3A_13 = tpu.vector_load %arg5[%get3A_11, %get3A_12] {strides = array<i32>} : memref<200x128xi32, #tpu.memory_space<vmem>>, vector<1x16xi32>,
    %get3A_14 = vector.shape_cast %get3A_13 : vector<1x16xi32> to vector<16xi32>
    %shift_right_arithmetic3A_15 = arith.constant 1 : i32
    %shift_right_arithmetic3A_16 = vector.broadcast %shift_right_arithmetic3A_15 : i32 to vector<16xi32>
    %shift_right_arithmetic3A_17 = arith.shrsi %get3A_14, %shift_right_arithmetic3A_16 : vector<16xi32>
    %swap3A_18 = arith.constant 16 : index
    %swap3A_19 = tpu.vector_load %arg6[%swap3A_18] {strides = array<i32>} : memref<128xi32, #tpu.memory_space<vmem>>, vector<16xi32>,
    %swap3A_20 = vector.shape_cast %swap3A_19 : vector<16xi32> to vector<16xi32>
    %swap3A_21 = vector.shape_cast %shift_right_arithmetic3A_17 : vector<16xi32> to vector<16xi32>
    tpu.vector_store %arg6[%swap3A_18], %swap3A_21 {strides = array<i32>} : memref<128xi32, #tpu.memory_space<vmem>>, vector<16xi32>,
    %get3A_22 = arith.constant 0 : i32
    %get3A_23 = arith.index_cast %get3A_22 : i32 to index
    %get3A_24 = arith.constant 32 : index
    %get3A_25 = tpu.vector_load %arg5[%get3A_23, %get3A_24] {strides = array<i32>} : memref<200x128xi32, #tpu.memory_space<vmem>>, vector<1x16xi32>,
    %get3A_26 = vector.shape_cast %get3A_25 : vector<1x16xi32> to vector<16xi32>
    %shift_right_arithmetic3A_27 = arith.constant 1 : i32
    %shift_right_arithmetic3A_28 = vector.broadcast %shift_right_arithmetic3A_27 : i32 to vector<16xi32>
    %shift_right_arithmetic3A_29 = arith.shrsi %get3A_26, %shift_right_arithmetic3A_28 : vector<16xi32>
    %swap3A_30 = arith.constant 32 : index
    %swap3A_31 = tpu.vector_load %arg6[%swap3A_30] {strides = array<i32>} : memref<128xi32, #tpu.memory_space<vmem>>, vector<16xi32>,
    %swap3A_32 = vector.shape_cast %swap3A_31 : vector<16xi32> to vector<16xi32>
    %swap3A_33 = vector.shape_cast %shift_right_arithmetic3A_29 : vector<16xi32> to vector<16xi32>
    tpu.vector_store %arg6[%swap3A_30], %swap3A_33 {strides = array<i32>} : memref<128xi32, #tpu.memory_space<vmem>>, vector<16xi32>,
    %get3A_34 = arith.constant 0 : i32
    %get3A_35 = arith.index_cast %get3A_34 : i32 to index
    %get3A_36 = arith.constant 48 : index
    %get3A_37 = tpu.vector_load %arg5[%get3A_35, %get3A_36] {strides = array<i32>} : memref<200x128xi32, #tpu.memory_space<vmem>>, vector<1x16xi32>,
    %get3A_38 = vector.shape_cast %get3A_37 : vector<1x16xi32> to vector<16xi32>
    %shift_right_arithmetic3A_39 = arith.constant 1 : i32
    %shift_right_arithmetic3A_40 = vector.broadcast %shift_right_arithmetic3A_39 : i32 to vector<16xi32>
    %shift_right_arithmetic3A_41 = arith.shrsi %get3A_38, %shift_right_arithmetic3A_40 : vector<16xi32>
    %swap3A_42 = arith.constant 48 : index
    %swap3A_43 = tpu.vector_load %arg6[%swap3A_42] {strides = array<i32>} : memref<128xi32, #tpu.memory_space<vmem>>, vector<16xi32>,
    %swap3A_44 = vector.shape_cast %swap3A_43 : vector<16xi32> to vector<16xi32>
    %swap3A_45 = vector.shape_cast %shift_right_arithmetic3A_41 : vector<16xi32> to vector<16xi32>
    tpu.vector_store %arg6[%swap3A_42], %swap3A_45 {strides = array<i32>} : memref<128xi32, #tpu.memory_space<vmem>>, vector<16xi32>,
    %get3A_46 = arith.constant 0 : i32
    %get3A_47 = arith.index_cast %get3A_46 : i32 to index
    %get3A_48 = arith.constant 64 : index
    %get3A_49 = tpu.vector_load %arg5[%get3A_47, %get3A_48] {strides = array<i32>} : memref<200x128xi32, #tpu.memory_space<vmem>>, vector<1x16xi32>,
    %get3A_50 = vector.shape_cast %get3A_49 : vector<1x16xi32> to vector<16xi32>
    %shift_right_arithmetic3A_51 = arith.constant 1 : i32
    %shift_right_arithmetic3A_52 = vector.broadcast %shift_right_arithmetic3A_51 : i32 to vector<16xi32>
    %shift_right_arithmetic3A_53 = arith.shrsi %get3A_50, %shift_right_arithmetic3A_52 : vector<16xi32>
    %swap3A_54 = arith.constant 64 : index
    %swap3A_55 = tpu.vector_load %arg6[%swap3A_54] {strides = array<i32>} : memref<128xi32, #tpu.memory_space<vmem>>, vector<16xi32>,
    %swap3A_56 = vector.shape_cast %swap3A_55 : vector<16xi32> to vector<16xi32>
    %swap3A_57 = vector.shape_cast %shift_right_arithmetic3A_53 : vector<16xi32> to vector<16xi32>
    tpu.vector_store %arg6[%swap3A_54], %swap3A_57 {strides = array<i32>} : memref<128xi32, #tpu.memory_space<vmem>>, vector<16xi32>,
    %get3A_58 = arith.constant 0 : i32
    %get3A_59 = arith.index_cast %get3A_58 : i32 to index
    %get3A_60 = arith.constant 80 : index
    %get3A_61 = tpu.vector_load %arg5[%get3A_59, %get3A_60] {strides = array<i32>} : memref<200x128xi32, #tpu.memory_space<vmem>>, vector<1x16xi32>,
    %get3A_62 = vector.shape_cast %get3A_61 : vector<1x16xi32> to vector<16xi32>
    %shift_right_arithmetic3A_63 = arith.constant 1 : i32
    %shift_right_arithmetic3A_64 = vector.broadcast %shift_right_arithmetic3A_63 : i32 to vector<16xi32>
    %shift_right_arithmetic3A_65 = arith.shrsi %get3A_62, %shift_right_arithmetic3A_64 : vector<16xi32>
    %swap3A_66 = arith.constant 80 : index
    %swap3A_67 = tpu.vector_load %arg6[%swap3A_66] {strides = array<i32>} : memref<128xi32, #tpu.memory_space<vmem>>, vector<16xi32>,
    %swap3A_68 = vector.shape_cast %swap3A_67 : vector<16xi32> to vector<16xi32>
    %swap3A_69 = vector.shape_cast %shift_right_arithmetic3A_65 : vector<16xi32> to vector<16xi32>
    tpu.vector_store %arg6[%swap3A_66], %swap3A_69 {strides = array<i32>} : memref<128xi32, #tpu.memory_space<vmem>>, vector<16xi32>,
    %get3A_70 = arith.constant 0 : i32
    %get3A_71 = arith.index_cast %get3A_70 : i32 to index
    %get3A_72 = arith.constant 96 : index
    %get3A_73 = tpu.vector_load %arg5[%get3A_71, %get3A_72] {strides = array<i32>} : memref<200x128xi32, #tpu.memory_space<vmem>>, vector<1x16xi32>,
    %get3A_74 = vector.shape_cast %get3A_73 : vector<1x16xi32> to vector<16xi32>
    %shift_right_arithmetic3A_75 = arith.constant 1 : i32
    %shift_right_arithmetic3A_76 = vector.broadcast %shift_right_arithmetic3A_75 : i32 to vector<16xi32>
    %shift_right_arithmetic3A_77 = arith.shrsi %get3A_74, %shift_right_arithmetic3A_76 : vector<16xi32>
    %swap3A_78 = arith.constant 96 : index
    %swap3A_79 = tpu.vector_load %arg6[%swap3A_78] {strides = array<i32>} : memref<128xi32, #tpu.memory_space<vmem>>, vector<16xi32>,
    %swap3A_80 = vector.shape_cast %swap3A_79 : vector<16xi32> to vector<16xi32>
    %swap3A_81 = vector.shape_cast %shift_right_arithmetic3A_77 : vector<16xi32> to vector<16xi32>
    tpu.vector_store %arg6[%swap3A_78], %swap3A_81 {strides = array<i32>} : memref<128xi32, #tpu.memory_space<vmem>>, vector<16xi32>,
    %get3A_82 = arith.constant 0 : i32
    %get3A_83 = arith.index_cast %get3A_82 : i32 to index
    %get3A_84 = arith.constant 112 : index
    %get3A_85 = tpu.vector_load %arg5[%get3A_83, %get3A_84] {strides = array<i32>} : memref<200x128xi32, #tpu.memory_space<vmem>>, vector<1x16xi32>,
    %get3A_86 = vector.shape_cast %get3A_85 : vector<1x16xi32> to vector<16xi32>
    %shift_right_arithmetic3A_87 = arith.constant 1 : i32
    %shift_right_arithmetic3A_88 = vector.broadcast %shift_right_arithmetic3A_87 : i32 to vector<16xi32>
    %shift_right_arithmetic3A_89 = arith.shrsi %get3A_86, %shift_right_arithmetic3A_88 : vector<16xi32>
    %swap3A_90 = arith.constant 112 : index
    %swap3A_91 = tpu.vector_load %arg6[%swap3A_90] {strides = array<i32>} : memref<128xi32, #tpu.memory_space<vmem>>, vector<16xi32>,
    %swap3A_92 = vector.shape_cast %swap3A_91 : vector<16xi32> to vector<16xi32>
    %swap3A_93 = vector.shape_cast %shift_right_arithmetic3A_89 : vector<16xi32> to vector<16xi32>
    tpu.vector_store %arg6[%swap3A_90], %swap3A_93 {strides = array<i32>} : memref<128xi32, #tpu.memory_space<vmem>>, vector<16xi32>,
    %dma_start3A = arith.constant 0 : i32
    %dma_start3A_94 = arith.constant 0 : i32
    %dma_start3A_95 = tpu.memref_slice %arg3[%dma_start3A, %dma_start3A_94] : memref<500000x128xf32, #tpu.memory_space<hbm>> -> memref<500000x128xf32, #tpu.memory_space<hbm>>
    tpu.enqueue_indirect_dma source(%dma_start3A_95 : memref<500000x128xf32, #tpu.memory_space<hbm>>) target(%arg8 : memref<128x128xf32, #tpu.memory_space<vmem>>) offsets(%arg6 : memref<128xi32, #tpu.memory_space<vmem>>) semaphore(%arg12 : memref<!tpu.dma_semaphore, #tpu.memory_space<semaphore_mem>>)
    %scan3A = arith.constant 0 : i32
    %scan3A_96 = arith.constant 0 : i32
    %scan3A_97 = arith.constant 100 : i32
    %scan3A_98 = arith.addi %scan3A_96, %scan3A_97 : i32
    %scan3A_99 = arith.constant 1 : i32
    scf.for %scan3A_120 = %scan3A_96 to %scan3A_98 step %scan3A_99  : i32 {
      %mul3A_121 = arith.constant 2 : i32
      %mul3A_122 = arith.muli %scan3A_120, %mul3A_121 : i32
      %add3A_123 = arith.constant 0 : i32
      %add3A_124 = arith.addi %mul3A_122, %add3A_123 : i32
      %add3A_125 = arith.constant 1 : i32
      %add3A_126 = arith.addi %add3A_124, %add3A_125 : i32
      %lt3A = arith.constant 200 : i32
      %lt3A_127 = arith.cmpi slt, %add3A_126, %lt3A : i32
      %convert_element_type3A = arith.extui %lt3A_127 : i1 to i32
      %cond3A = arith.constant 0 : i32
      %cond3A_128 = arith.cmpi ne, %convert_element_type3A, %cond3A : i32
      scf.if %cond3A_128 {
        %add3A_183 = arith.constant 1 : i32
        %add3A_184 = arith.addi %add3A_124, %add3A_183 : i32
        %get3A_185 = arith.index_cast %add3A_184 : i32 to index
        %get3A_186 = arith.constant 0 : index
        %get3A_187 = tpu.vector_load %arg5[%get3A_185, %get3A_186] {strides = array<i32>} : memref<200x128xi32, #tpu.memory_space<vmem>>, vector<1x16xi32>,
        %get3A_188 = vector.shape_cast %get3A_187 : vector<1x16xi32> to vector<16xi32>
        %shift_right_arithmetic3A_189 = arith.constant 1 : i32
        %shift_right_arithmetic3A_190 = vector.broadcast %shift_right_arithmetic3A_189 : i32 to vector<16xi32>
        %shift_right_arithmetic3A_191 = arith.shrsi %get3A_188, %shift_right_arithmetic3A_190 : vector<16xi32>
        %swap3A_192 = arith.constant 0 : index
        %swap3A_193 = tpu.vector_load %arg7[%swap3A_192] {strides = array<i32>} : memref<128xi32, #tpu.memory_space<vmem>>, vector<16xi32>,
        %swap3A_194 = vector.shape_cast %swap3A_193 : vector<16xi32> to vector<16xi32>
        %swap3A_195 = vector.shape_cast %shift_right_arithmetic3A_191 : vector<16xi32> to vector<16xi32>
        tpu.vector_store %arg7[%swap3A_192], %swap3A_195 {strides = array<i32>} : memref<128xi32, #tpu.memory_space<vmem>>, vector<16xi32>,
        %get3A_196 = arith.index_cast %add3A_184 : i32 to index
        %get3A_197 = arith.constant 16 : index
        %get3A_198 = tpu.vector_load %arg5[%get3A_196, %get3A_197] {strides = array<i32>} : memref<200x128xi32, #tpu.memory_space<vmem>>, vector<1x16xi32>,
        %get3A_199 = vector.shape_cast %get3A_198 : vector<1x16xi32> to vector<16xi32>
        %shift_right_arithmetic3A_200 = arith.constant 1 : i32
        %shift_right_arithmetic3A_201 = vector.broadcast %shift_right_arithmetic3A_200 : i32 to vector<16xi32>
        %shift_right_arithmetic3A_202 = arith.shrsi %get3A_199, %shift_right_arithmetic3A_201 : vector<16xi32>
        %swap3A_203 = arith.constant 16 : index
        %swap3A_204 = tpu.vector_load %arg7[%swap3A_203] {strides = array<i32>} : memref<128xi32, #tpu.memory_space<vmem>>, vector<16xi32>,
        %swap3A_205 = vector.shape_cast %swap3A_204 : vector<16xi32> to vector<16xi32>
        %swap3A_206 = vector.shape_cast %shift_right_arithmetic3A_202 : vector<16xi32> to vector<16xi32>
        tpu.vector_store %arg7[%swap3A_203], %swap3A_206 {strides = array<i32>} : memref<128xi32, #tpu.memory_space<vmem>>, vector<16xi32>,
        %get3A_207 = arith.index_cast %add3A_184 : i32 to index
        %get3A_208 = arith.constant 32 : index
        %get3A_209 = tpu.vector_load %arg5[%get3A_207, %get3A_208] {strides = array<i32>} : memref<200x128xi32, #tpu.memory_space<vmem>>, vector<1x16xi32>,
        %get3A_210 = vector.shape_cast %get3A_209 : vector<1x16xi32> to vector<16xi32>
        %shift_right_arithmetic3A_211 = arith.constant 1 : i32
        %shift_right_arithmetic3A_212 = vector.broadcast %shift_right_arithmetic3A_211 : i32 to vector<16xi32>
        %shift_right_arithmetic3A_213 = arith.shrsi %get3A_210, %shift_right_arithmetic3A_212 : vector<16xi32>
        %swap3A_214 = arith.constant 32 : index
        %swap3A_215 = tpu.vector_load %arg7[%swap3A_214] {strides = array<i32>} : memref<128xi32, #tpu.memory_space<vmem>>, vector<16xi32>,
        %swap3A_216 = vector.shape_cast %swap3A_215 : vector<16xi32> to vector<16xi32>
        %swap3A_217 = vector.shape_cast %shift_right_arithmetic3A_213 : vector<16xi32> to vector<16xi32>
        tpu.vector_store %arg7[%swap3A_214], %swap3A_217 {strides = array<i32>} : memref<128xi32, #tpu.memory_space<vmem>>, vector<16xi32>,
        %get3A_218 = arith.index_cast %add3A_184 : i32 to index
        %get3A_219 = arith.constant 48 : index
        %get3A_220 = tpu.vector_load %arg5[%get3A_218, %get3A_219] {strides = array<i32>} : memref<200x128xi32, #tpu.memory_space<vmem>>, vector<1x16xi32>,
        %get3A_221 = vector.shape_cast %get3A_220 : vector<1x16xi32> to vector<16xi32>
        %shift_right_arithmetic3A_222 = arith.constant 1 : i32
        %shift_right_arithmetic3A_223 = vector.broadcast %shift_right_arithmetic3A_222 : i32 to vector<16xi32>
        %shift_right_arithmetic3A_224 = arith.shrsi %get3A_221, %shift_right_arithmetic3A_223 : vector<16xi32>
        %swap3A_225 = arith.constant 48 : index
        %swap3A_226 = tpu.vector_load %arg7[%swap3A_225] {strides = array<i32>} : memref<128xi32, #tpu.memory_space<vmem>>, vector<16xi32>,
        %swap3A_227 = vector.shape_cast %swap3A_226 : vector<16xi32> to vector<16xi32>
        %swap3A_228 = vector.shape_cast %shift_right_arithmetic3A_224 : vector<16xi32> to vector<16xi32>
        tpu.vector_store %arg7[%swap3A_225], %swap3A_228 {strides = array<i32>} : memref<128xi32, #tpu.memory_space<vmem>>, vector<16xi32>,
        %get3A_229 = arith.index_cast %add3A_184 : i32 to index
        %get3A_230 = arith.constant 64 : index
        %get3A_231 = tpu.vector_load %arg5[%get3A_229, %get3A_230] {strides = array<i32>} : memref<200x128xi32, #tpu.memory_space<vmem>>, vector<1x16xi32>,
        %get3A_232 = vector.shape_cast %get3A_231 : vector<1x16xi32> to vector<16xi32>
        %shift_right_arithmetic3A_233 = arith.constant 1 : i32
        %shift_right_arithmetic3A_234 = vector.broadcast %shift_right_arithmetic3A_233 : i32 to vector<16xi32>
        %shift_right_arithmetic3A_235 = arith.shrsi %get3A_232, %shift_right_arithmetic3A_234 : vector<16xi32>
        %swap3A_236 = arith.constant 64 : index
        %swap3A_237 = tpu.vector_load %arg7[%swap3A_236] {strides = array<i32>} : memref<128xi32, #tpu.memory_space<vmem>>, vector<16xi32>,
        %swap3A_238 = vector.shape_cast %swap3A_237 : vector<16xi32> to vector<16xi32>
        %swap3A_239 = vector.shape_cast %shift_right_arithmetic3A_235 : vector<16xi32> to vector<16xi32>
        tpu.vector_store %arg7[%swap3A_236], %swap3A_239 {strides = array<i32>} : memref<128xi32, #tpu.memory_space<vmem>>, vector<16xi32>,
        %get3A_240 = arith.index_cast %add3A_184 : i32 to index
        %get3A_241 = arith.constant 80 : index
        %get3A_242 = tpu.vector_load %arg5[%get3A_240, %get3A_241] {strides = array<i32>} : memref<200x128xi32, #tpu.memory_space<vmem>>, vector<1x16xi32>,
        %get3A_243 = vector.shape_cast %get3A_242 : vector<1x16xi32> to vector<16xi32>
        %shift_right_arithmetic3A_244 = arith.constant 1 : i32
        %shift_right_arithmetic3A_245 = vector.broadcast %shift_right_arithmetic3A_244 : i32 to vector<16xi32>
        %shift_right_arithmetic3A_246 = arith.shrsi %get3A_243, %shift_right_arithmetic3A_245 : vector<16xi32>
        %swap3A_247 = arith.constant 80 : index
        %swap3A_248 = tpu.vector_load %arg7[%swap3A_247] {strides = array<i32>} : memref<128xi32, #tpu.memory_space<vmem>>, vector<16xi32>,
        %swap3A_249 = vector.shape_cast %swap3A_248 : vector<16xi32> to vector<16xi32>
        %swap3A_250 = vector.shape_cast %shift_right_arithmetic3A_246 : vector<16xi32> to vector<16xi32>
        tpu.vector_store %arg7[%swap3A_247], %swap3A_250 {strides = array<i32>} : memref<128xi32, #tpu.memory_space<vmem>>, vector<16xi32>,
        %get3A_251 = arith.index_cast %add3A_184 : i32 to index
        %get3A_252 = arith.constant 96 : index
        %get3A_253 = tpu.vector_load %arg5[%get3A_251, %get3A_252] {strides = array<i32>} : memref<200x128xi32, #tpu.memory_space<vmem>>, vector<1x16xi32>,
        %get3A_254 = vector.shape_cast %get3A_253 : vector<1x16xi32> to vector<16xi32>
        %shift_right_arithmetic3A_255 = arith.constant 1 : i32
        %shift_right_arithmetic3A_256 = vector.broadcast %shift_right_arithmetic3A_255 : i32 to vector<16xi32>
        %shift_right_arithmetic3A_257 = arith.shrsi %get3A_254, %shift_right_arithmetic3A_256 : vector<16xi32>
        %swap3A_258 = arith.constant 96 : index
        %swap3A_259 = tpu.vector_load %arg7[%swap3A_258] {strides = array<i32>} : memref<128xi32, #tpu.memory_space<vmem>>, vector<16xi32>,
        %swap3A_260 = vector.shape_cast %swap3A_259 : vector<16xi32> to vector<16xi32>
        %swap3A_261 = vector.shape_cast %shift_right_arithmetic3A_257 : vector<16xi32> to vector<16xi32>
        tpu.vector_store %arg7[%swap3A_258], %swap3A_261 {strides = array<i32>} : memref<128xi32, #tpu.memory_space<vmem>>, vector<16xi32>,
        %get3A_262 = arith.index_cast %add3A_184 : i32 to index
        %get3A_263 = arith.constant 112 : index
        %get3A_264 = tpu.vector_load %arg5[%get3A_262, %get3A_263] {strides = array<i32>} : memref<200x128xi32, #tpu.memory_space<vmem>>, vector<1x16xi32>,
        %get3A_265 = vector.shape_cast %get3A_264 : vector<1x16xi32> to vector<16xi32>
        %shift_right_arithmetic3A_266 = arith.constant 1 : i32
        %shift_right_arithmetic3A_267 = vector.broadcast %shift_right_arithmetic3A_266 : i32 to vector<16xi32>
        %shift_right_arithmetic3A_268 = arith.shrsi %get3A_265, %shift_right_arithmetic3A_267 : vector<16xi32>
        %swap3A_269 = arith.constant 112 : index
        %swap3A_270 = tpu.vector_load %arg7[%swap3A_269] {strides = array<i32>} : memref<128xi32, #tpu.memory_space<vmem>>, vector<16xi32>,
        %swap3A_271 = vector.shape_cast %swap3A_270 : vector<16xi32> to vector<16xi32>
        %swap3A_272 = vector.shape_cast %shift_right_arithmetic3A_268 : vector<16xi32> to vector<16xi32>
        tpu.vector_store %arg7[%swap3A_269], %swap3A_272 {strides = array<i32>} : memref<128xi32, #tpu.memory_space<vmem>>, vector<16xi32>,
        %dma_start3A_273 = arith.constant 0 : i32
        %dma_start3A_274 = arith.constant 0 : i32
        %dma_start3A_275 = tpu.memref_slice %arg3[%dma_start3A_273, %dma_start3A_274] : memref<500000x128xf32, #tpu.memory_space<hbm>> -> memref<500000x128xf32, #tpu.memory_space<hbm>>
        tpu.enqueue_indirect_dma source(%dma_start3A_275 : memref<500000x128xf32, #tpu.memory_space<hbm>>) target(%arg9 : memref<128x128xf32, #tpu.memory_space<vmem>>) offsets(%arg7 : memref<128xi32, #tpu.memory_space<vmem>>) semaphore(%arg13 : memref<!tpu.dma_semaphore, #tpu.memory_space<semaphore_mem>>)
      } else {
      }
      %dma_wait3A_129 = arith.constant 0 : i32
      %dma_wait3A_130 = arith.constant 0 : i32
      %dma_wait3A_131 = tpu.memref_slice %arg3[%dma_wait3A_129, %dma_wait3A_130] : memref<500000x128xf32, #tpu.memory_space<hbm>> -> memref<500000x128xf32, #tpu.memory_space<hbm>>
      tpu.wait_indirect_dma semaphore(%arg12 : memref<!tpu.dma_semaphore, #tpu.memory_space<semaphore_mem>>) src(%dma_wait3A_131 : memref<500000x128xf32, #tpu.memory_space<hbm>>) dst(%arg8 : memref<128x128xf32, #tpu.memory_space<vmem>>)
      %ge3A = arith.constant 2 : i32
      %ge3A_132 = arith.cmpi sge, %add3A_124, %ge3A : i32
      %convert_element_type3A_133 = arith.extui %ge3A_132 : i1 to i32
      %cond3A_134 = arith.constant 0 : i32
      %cond3A_135 = arith.cmpi ne, %convert_element_type3A_133, %cond3A_134 : i32
      scf.if %cond3A_135 {
        %sub3A = arith.constant 2 : i32
        %sub3A_183 = arith.subi %add3A_124, %sub3A : i32
        %mul3A_184 = arith.constant 200 : i32
        %mul3A_185 = arith.muli %add3A, %mul3A_184 : i32
        %add3A_186 = arith.addi %mul3A_185, %sub3A_183 : i32
        %mul3A_187 = arith.constant 128 : i32
        %mul3A_188 = arith.muli %add3A_186, %mul3A_187 : i32
        %dma_wait3A_189 = arith.constant 0 : i32
        %dma_wait3A_190 = tpu.memref_slice %arg4[%mul3A_188, %dma_wait3A_189] : memref<819200x64xf32, #tpu.memory_space<hbm>> -> memref<128x64xf32, #tpu.memory_space<hbm>>
        %dma_wait3A_191 = arith.constant 0 : i32
        %dma_wait3A_192 = tpu.memref_slice %arg4[%mul3A_188, %dma_wait3A_191] : memref<819200x64xf32, #tpu.memory_space<hbm>> -> memref<128x64xf32, #tpu.memory_space<hbm>>
        tpu.wait_dma2 semaphore(%arg14 : memref<!tpu.dma_semaphore, #tpu.memory_space<semaphore_mem>>) src(%arg10 : memref<128x64xf32, #tpu.memory_space<vmem>>) dst(%dma_wait3A_192 : memref<128x64xf32, #tpu.memory_space<hbm>>)
      } else {
      }
      %scan3A_136 = arith.constant 0 : i32
      %scan3A_137 = arith.constant 0 : i32
      %scan3A_138 = arith.constant 8 : i32
      %scan3A_139 = arith.addi %scan3A_137, %scan3A_138 : i32
      %scan3A_140 = arith.constant 1 : i32
      scf.for %scan3A_183 = %scan3A_137 to %scan3A_139 step %scan3A_140  : i32 {
        %mul3A_184 = arith.constant 16 : i32
        %mul3A_185 = arith.muli %scan3A_183, %mul3A_184 : i32
        %get3A_186 = arith.index_cast %add3A_124 : i32 to index
        %get3A_187 = arith.index_cast %mul3A_185 : i32 to index
        %get3A_188 = tpu.vector_load %arg5[%get3A_186, %get3A_187] {strides = array<i32>} : memref<200x128xi32, #tpu.memory_space<vmem>>, vector<1x16xi32>,
        %get3A_189 = vector.shape_cast %get3A_188 : vector<1x16xi32> to vector<16xi32>
        %and3A = arith.constant 1 : i32
        %and3A_190 = vector.broadcast %and3A : i32 to vector<16xi32>
        %and3A_191 = arith.andi %get3A_189, %and3A_190 : vector<16xi32>
        %mul3A_192 = arith.constant 64 : i32
        %mul3A_193 = vector.broadcast %mul3A_192 : i32 to vector<16xi32>
        %mul3A_194 = arith.muli %and3A_191, %mul3A_193 : vector<16xi32>
        %add3A_195 = arith.constant 0 : i32
        %add3A_196 = arith.addi %mul3A_185, %add3A_195 : i32
        %slice3A = vector.extract_strided_slice %mul3A_194 {offsets = [0], sizes = [1], strides = [1]} : vector<16xi32> to vector<1xi32>
        %squeeze3A = vector.extract %slice3A[0] : i32 from vector<1xi32>
        %add3A_197 = arith.constant 0 : i32
        %add3A_198 = arith.addi %squeeze3A, %add3A_197 : i32
        %get3A_199 = arith.index_cast %add3A_196 : i32 to index
        %get3A_200 = arith.index_cast %add3A_198 : i32 to index
        %get3A_201 = tpu.vector_load %arg8[%get3A_199, %get3A_200] {strides = array<i32>} : memref<128x128xf32, #tpu.memory_space<vmem>>, vector<1x16xf32>,
        %get3A_202 = vector.shape_cast %get3A_201 : vector<1x16xf32> to vector<16xf32>
        %swap3A_203 = arith.index_cast %add3A_196 : i32 to index
        %swap3A_204 = arith.constant 0 : index
        %swap3A_205 = tpu.vector_load %arg10[%swap3A_203, %swap3A_204] {strides = array<i32>} : memref<128x64xf32, #tpu.memory_space<vmem>>, vector<1x16xf32>,
        %swap3A_206 = vector.shape_cast %swap3A_205 : vector<1x16xf32> to vector<16xf32>
        %swap3A_207 = vector.shape_cast %get3A_202 : vector<16xf32> to vector<1x16xf32>
        tpu.vector_store %arg10[%swap3A_203, %swap3A_204], %swap3A_207 {strides = array<i32>} : memref<128x64xf32, #tpu.memory_space<vmem>>, vector<1x16xf32>,
        %add3A_208 = arith.constant 16 : i32
        %add3A_209 = arith.addi %squeeze3A, %add3A_208 : i32
        %get3A_210 = arith.index_cast %add3A_196 : i32 to index
        %get3A_211 = arith.index_cast %add3A_209 : i32 to index
        %get3A_212 = tpu.vector_load %arg8[%get3A_210, %get3A_211] {strides = array<i32>} : memref<128x128xf32, #tpu.memory_space<vmem>>, vector<1x16xf32>,
        %get3A_213 = vector.shape_cast %get3A_212 : vector<1x16xf32> to vector<16xf32>
        %swap3A_214 = arith.index_cast %add3A_196 : i32 to index
        %swap3A_215 = arith.constant 16 : index
        %swap3A_216 = tpu.vector_load %arg10[%swap3A_214, %swap3A_215] {strides = array<i32>} : memref<128x64xf32, #tpu.memory_space<vmem>>, vector<1x16xf32>,
        %swap3A_217 = vector.shape_cast %swap3A_216 : vector<1x16xf32> to vector<16xf32>
        %swap3A_218 = vector.shape_cast %get3A_213 : vector<16xf32> to vector<1x16xf32>
        tpu.vector_store %arg10[%swap3A_214, %swap3A_215], %swap3A_218 {strides = array<i32>} : memref<128x64xf32, #tpu.memory_space<vmem>>, vector<1x16xf32>,
        %add3A_219 = arith.constant 32 : i32
        %add3A_220 = arith.addi %squeeze3A, %add3A_219 : i32
        %get3A_221 = arith.index_cast %add3A_196 : i32 to index
        %get3A_222 = arith.index_cast %add3A_220 : i32 to index
        %get3A_223 = tpu.vector_load %arg8[%get3A_221, %get3A_222] {strides = array<i32>} : memref<128x128xf32, #tpu.memory_space<vmem>>, vector<1x16xf32>,
        %get3A_224 = vector.shape_cast %get3A_223 : vector<1x16xf32> to vector<16xf32>
        %swap3A_225 = arith.index_cast %add3A_196 : i32 to index
        %swap3A_226 = arith.constant 32 : index
        %swap3A_227 = tpu.vector_load %arg10[%swap3A_225, %swap3A_226] {strides = array<i32>} : memref<128x64xf32, #tpu.memory_space<vmem>>, vector<1x16xf32>,
        %swap3A_228 = vector.shape_cast %swap3A_227 : vector<1x16xf32> to vector<16xf32>
        %swap3A_229 = vector.shape_cast %get3A_224 : vector<16xf32> to vector<1x16xf32>
        tpu.vector_store %arg10[%swap3A_225, %swap3A_226], %swap3A_229 {strides = array<i32>} : memref<128x64xf32, #tpu.memory_space<vmem>>, vector<1x16xf32>,
        %add3A_230 = arith.constant 48 : i32
        %add3A_231 = arith.addi %squeeze3A, %add3A_230 : i32
        %get3A_232 = arith.index_cast %add3A_196 : i32 to index
        %get3A_233 = arith.index_cast %add3A_231 : i32 to index
        %get3A_234 = tpu.vector_load %arg8[%get3A_232, %get3A_233] {strides = array<i32>} : memref<128x128xf32, #tpu.memory_space<vmem>>, vector<1x16xf32>,
        %get3A_235 = vector.shape_cast %get3A_234 : vector<1x16xf32> to vector<16xf32>
        %swap3A_236 = arith.index_cast %add3A_196 : i32 to index
        %swap3A_237 = arith.constant 48 : index
        %swap3A_238 = tpu.vector_load %arg10[%swap3A_236, %swap3A_237] {strides = array<i32>} : memref<128x64xf32, #tpu.memory_space<vmem>>, vector<1x16xf32>,
        %swap3A_239 = vector.shape_cast %swap3A_238 : vector<1x16xf32> to vector<16xf32>
        %swap3A_240 = vector.shape_cast %get3A_235 : vector<16xf32> to vector<1x16xf32>
        tpu.vector_store %arg10[%swap3A_236, %swap3A_237], %swap3A_240 {strides = array<i32>} : memref<128x64xf32, #tpu.memory_space<vmem>>, vector<1x16xf32>,
        %add3A_241 = arith.constant 1 : i32
        %add3A_242 = arith.addi %mul3A_185, %add3A_241 : i32
        %slice3A_243 = vector.extract_strided_slice %mul3A_194 {offsets = [1], sizes = [1], strides = [1]} : vector<16xi32> to vector<1xi32>
        %squeeze3A_244 = vector.extract %slice3A_243[0] : i32 from vector<1xi32>
        %add3A_245 = arith.constant 0 : i32
        %add3A_246 = arith.addi %squeeze3A_244, %add3A_245 : i32
        %get3A_247 = arith.index_cast %add3A_242 : i32 to index
        %get3A_248 = arith.index_cast %add3A_246 : i32 to index
        %get3A_249 = tpu.vector_load %arg8[%get3A_247, %get3A_248] {strides = array<i32>} : memref<128x128xf32, #tpu.memory_space<vmem>>, vector<1x16xf32>,
        %get3A_250 = vector.shape_cast %get3A_249 : vector<1x16xf32> to vector<16xf32>
        %swap3A_251 = arith.index_cast %add3A_242 : i32 to index
        %swap3A_252 = arith.constant 0 : index
        %swap3A_253 = tpu.vector_load %arg10[%swap3A_251, %swap3A_252] {strides = array<i32>} : memref<128x64xf32, #tpu.memory_space<vmem>>, vector<1x16xf32>,
        %swap3A_254 = vector.shape_cast %swap3A_253 : vector<1x16xf32> to vector<16xf32>
        %swap3A_255 = vector.shape_cast %get3A_250 : vector<16xf32> to vector<1x16xf32>
        tpu.vector_store %arg10[%swap3A_251, %swap3A_252], %swap3A_255 {strides = array<i32>} : memref<128x64xf32, #tpu.memory_space<vmem>>, vector<1x16xf32>,
        %add3A_256 = arith.constant 16 : i32
        %add3A_257 = arith.addi %squeeze3A_244, %add3A_256 : i32
        %get3A_258 = arith.index_cast %add3A_242 : i32 to index
        %get3A_259 = arith.index_cast %add3A_257 : i32 to index
        %get3A_260 = tpu.vector_load %arg8[%get3A_258, %get3A_259] {strides = array<i32>} : memref<128x128xf32, #tpu.memory_space<vmem>>, vector<1x16xf32>,
        %get3A_261 = vector.shape_cast %get3A_260 : vector<1x16xf32> to vector<16xf32>
        %swap3A_262 = arith.index_cast %add3A_242 : i32 to index
        %swap3A_263 = arith.constant 16 : index
        %swap3A_264 = tpu.vector_load %arg10[%swap3A_262, %swap3A_263] {strides = array<i32>} : memref<128x64xf32, #tpu.memory_space<vmem>>, vector<1x16xf32>,
        %swap3A_265 = vector.shape_cast %swap3A_264 : vector<1x16xf32> to vector<16xf32>
        %swap3A_266 = vector.shape_cast %get3A_261 : vector<16xf32> to vector<1x16xf32>
        tpu.vector_store %arg10[%swap3A_262, %swap3A_263], %swap3A_266 {strides = array<i32>} : memref<128x64xf32, #tpu.memory_space<vmem>>, vector<1x16xf32>,
        %add3A_267 = arith.constant 32 : i32
        %add3A_268 = arith.addi %squeeze3A_244, %add3A_267 : i32
        %get3A_269 = arith.index_cast %add3A_242 : i32 to index
        %get3A_270 = arith.index_cast %add3A_268 : i32 to index
        %get3A_271 = tpu.vector_load %arg8[%get3A_269, %get3A_270] {strides = array<i32>} : memref<128x128xf32, #tpu.memory_space<vmem>>, vector<1x16xf32>,
        %get3A_272 = vector.shape_cast %get3A_271 : vector<1x16xf32> to vector<16xf32>
        %swap3A_273 = arith.index_cast %add3A_242 : i32 to index
        %swap3A_274 = arith.constant 32 : index
        %swap3A_275 = tpu.vector_load %arg10[%swap3A_273, %swap3A_274] {strides = array<i32>} : memref<128x64xf32, #tpu.memory_space<vmem>>, vector<1x16xf32>,
        %swap3A_276 = vector.shape_cast %swap3A_275 : vector<1x16xf32> to vector<16xf32>
        %swap3A_277 = vector.shape_cast %get3A_272 : vector<16xf32> to vector<1x16xf32>
        tpu.vector_store %arg10[%swap3A_273, %swap3A_274], %swap3A_277 {strides = array<i32>} : memref<128x64xf32, #tpu.memory_space<vmem>>, vector<1x16xf32>,
        %add3A_278 = arith.constant 48 : i32
        %add3A_279 = arith.addi %squeeze3A_244, %add3A_278 : i32
        %get3A_280 = arith.index_cast %add3A_242 : i32 to index
        %get3A_281 = arith.index_cast %add3A_279 : i32 to index
        %get3A_282 = tpu.vector_load %arg8[%get3A_280, %get3A_281] {strides = array<i32>} : memref<128x128xf32, #tpu.memory_space<vmem>>, vector<1x16xf32>,
        %get3A_283 = vector.shape_cast %get3A_282 : vector<1x16xf32> to vector<16xf32>
        %swap3A_284 = arith.index_cast %add3A_242 : i32 to index
        %swap3A_285 = arith.constant 48 : index
        %swap3A_286 = tpu.vector_load %arg10[%swap3A_284, %swap3A_285] {strides = array<i32>} : memref<128x64xf32, #tpu.memory_space<vmem>>, vector<1x16xf32>,
        %swap3A_287 = vector.shape_cast %swap3A_286 : vector<1x16xf32> to vector<16xf32>
        %swap3A_288 = vector.shape_cast %get3A_283 : vector<16xf32> to vector<1x16xf32>
        tpu.vector_store %arg10[%swap3A_284, %swap3A_285], %swap3A_288 {strides = array<i32>} : memref<128x64xf32, #tpu.memory_space<vmem>>, vector<1x16xf32>,
        %add3A_289 = arith.constant 2 : i32
        %add3A_290 = arith.addi %mul3A_185, %add3A_289 : i32
        %slice3A_291 = vector.extract_strided_slice %mul3A_194 {offsets = [2], sizes = [1], strides = [1]} : vector<16xi32> to vector<1xi32>
        %squeeze3A_292 = vector.extract %slice3A_291[0] : i32 from vector<1xi32>
        %add3A_293 = arith.constant 0 : i32
        %add3A_294 = arith.addi %squeeze3A_292, %add3A_293 : i32
        %get3A_295 = arith.index_cast %add3A_290 : i32 to index
        %get3A_296 = arith.index_cast %add3A_294 : i32 to index
        %get3A_297 = tpu.vector_load %arg8[%get3A_295, %get3A_296] {strides = array<i32>} : memref<128x128xf32, #tpu.memory_space<vmem>>, vector<1x16xf32>,
        %get3A_298 = vector.shape_cast %get3A_297 : vector<1x16xf32> to vector<16xf32>
        %swap3A_299 = arith.index_cast %add3A_290 : i32 to index
        %swap3A_300 = arith.constant 0 : index
        %swap3A_301 = tpu.vector_load %arg10[%swap3A_299, %swap3A_300] {strides = array<i32>} : memref<128x64xf32, #tpu.memory_space<vmem>>, vector<1x16xf32>,
        %swap3A_302 = vector.shape_cast %swap3A_301 : vector<1x16xf32> to vector<16xf32>
        %swap3A_303 = vector.shape_cast %get3A_298 : vector<16xf32> to vector<1x16xf32>
        tpu.vector_store %arg10[%swap3A_299, %swap3A_300], %swap3A_303 {strides = array<i32>} : memref<128x64xf32, #tpu.memory_space<vmem>>, vector<1x16xf32>,
        %add3A_304 = arith.constant 16 : i32
        %add3A_305 = arith.addi %squeeze3A_292, %add3A_304 : i32
        %get3A_306 = arith.index_cast %add3A_290 : i32 to index
        %get3A_307 = arith.index_cast %add3A_305 : i32 to index
        %get3A_308 = tpu.vector_load %arg8[%get3A_306, %get3A_307] {strides = array<i32>} : memref<128x128xf32, #tpu.memory_space<vmem>>, vector<1x16xf32>,
        %get3A_309 = vector.shape_cast %get3A_308 : vector<1x16xf32> to vector<16xf32>
        %swap3A_310 = arith.index_cast %add3A_290 : i32 to index
        %swap3A_311 = arith.constant 16 : index
        %swap3A_312 = tpu.vector_load %arg10[%swap3A_310, %swap3A_311] {strides = array<i32>} : memref<128x64xf32, #tpu.memory_space<vmem>>, vector<1x16xf32>,
        %swap3A_313 = vector.shape_cast %swap3A_312 : vector<1x16xf32> to vector<16xf32>
        %swap3A_314 = vector.shape_cast %get3A_309 : vector<16xf32> to vector<1x16xf32>
        tpu.vector_store %arg10[%swap3A_310, %swap3A_311], %swap3A_314 {strides = array<i32>} : memref<128x64xf32, #tpu.memory_space<vmem>>, vector<1x16xf32>,
        %add3A_315 = arith.constant 32 : i32
        %add3A_316 = arith.addi %squeeze3A_292, %add3A_315 : i32
        %get3A_317 = arith.index_cast %add3A_290 : i32 to index
        %get3A_318 = arith.index_cast %add3A_316 : i32 to index
        %get3A_319 = tpu.vector_load %arg8[%get3A_317, %get3A_318] {strides = array<i32>} : memref<128x128xf32, #tpu.memory_space<vmem>>, vector<1x16xf32>,
        %get3A_320 = vector.shape_cast %get3A_319 : vector<1x16xf32> to vector<16xf32>
        %swap3A_321 = arith.index_cast %add3A_290 : i32 to index
        %swap3A_322 = arith.constant 32 : index
        %swap3A_323 = tpu.vector_load %arg10[%swap3A_321, %swap3A_322] {strides = array<i32>} : memref<128x64xf32, #tpu.memory_space<vmem>>, vector<1x16xf32>,
        %swap3A_324 = vector.shape_cast %swap3A_323 : vector<1x16xf32> to vector<16xf32>
        %swap3A_325 = vector.shape_cast %get3A_320 : vector<16xf32> to vector<1x16xf32>
        tpu.vector_store %arg10[%swap3A_321, %swap3A_322], %swap3A_325 {strides = array<i32>} : memref<128x64xf32, #tpu.memory_space<vmem>>, vector<1x16xf32>,
        %add3A_326 = arith.constant 48 : i32
        %add3A_327 = arith.addi %squeeze3A_292, %add3A_326 : i32
        %get3A_328 = arith.index_cast %add3A_290 : i32 to index
        %get3A_329 = arith.index_cast %add3A_327 : i32 to index
        %get3A_330 = tpu.vector_load %arg8[%get3A_328, %get3A_329] {strides = array<i32>} : memref<128x128xf32, #tpu.memory_space<vmem>>, vector<1x16xf32>,
        %get3A_331 = vector.shape_cast %get3A_330 : vector<1x16xf32> to vector<16xf32>
        %swap3A_332 = arith.index_cast %add3A_290 : i32 to index
        %swap3A_333 = arith.constant 48 : index
        %swap3A_334 = tpu.vector_load %arg10[%swap3A_332, %swap3A_333] {strides = array<i32>} : memref<128x64xf32, #tpu.memory_space<vmem>>, vector<1x16xf32>,
        %swap3A_335 = vector.shape_cast %swap3A_334 : vector<1x16xf32> to vector<16xf32>
        %swap3A_336 = vector.shape_cast %get3A_331 : vector<16xf32> to vector<1x16xf32>
        tpu.vector_store %arg10[%swap3A_332, %swap3A_333], %swap3A_336 {strides = array<i32>} : memref<128x64xf32, #tpu.memory_space<vmem>>, vector<1x16xf32>,
        %add3A_337 = arith.constant 3 : i32
        %add3A_338 = arith.addi %mul3A_185, %add3A_337 : i32
        %slice3A_339 = vector.extract_strided_slice %mul3A_194 {offsets = [3], sizes = [1], strides = [1]} : vector<16xi32> to vector<1xi32>
        %squeeze3A_340 = vector.extract %slice3A_339[0] : i32 from vector<1xi32>
        %add3A_341 = arith.constant 0 : i32
        %add3A_342 = arith.addi %squeeze3A_340, %add3A_341 : i32
        %get3A_343 = arith.index_cast %add3A_338 : i32 to index
        %get3A_344 = arith.index_cast %add3A_342 : i32 to index
        %get3A_345 = tpu.vector_load %arg8[%get3A_343, %get3A_344] {strides = array<i32>} : memref<128x128xf32, #tpu.memory_space<vmem>>, vector<1x16xf32>,
        %get3A_346 = vector.shape_cast %get3A_345 : vector<1x16xf32> to vector<16xf32>
        %swap3A_347 = arith.index_cast %add3A_338 : i32 to index
        %swap3A_348 = arith.constant 0 : index
        %swap3A_349 = tpu.vector_load %arg10[%swap3A_347, %swap3A_348] {strides = array<i32>} : memref<128x64xf32, #tpu.memory_space<vmem>>, vector<1x16xf32>,
        %swap3A_350 = vector.shape_cast %swap3A_349 : vector<1x16xf32> to vector<16xf32>
        %swap3A_351 = vector.shape_cast %get3A_346 : vector<16xf32> to vector<1x16xf32>
        tpu.vector_store %arg10[%swap3A_347, %swap3A_348], %swap3A_351 {strides = array<i32>} : memref<128x64xf32, #tpu.memory_space<vmem>>, vector<1x16xf32>,
        %add3A_352 = arith.constant 16 : i32
        %add3A_353 = arith.addi %squeeze3A_340, %add3A_352 : i32
        %get3A_354 = arith.index_cast %add3A_338 : i32 to index
        %get3A_355 = arith.index_cast %add3A_353 : i32 to index
        %get3A_356 = tpu.vector_load %arg8[%get3A_354, %get3A_355] {strides = array<i32>} : memref<128x128xf32, #tpu.memory_space<vmem>>, vector<1x16xf32>,
        %get3A_357 = vector.shape_cast %get3A_356 : vector<1x16xf32> to vector<16xf32>
        %swap3A_358 = arith.index_cast %add3A_338 : i32 to index
        %swap3A_359 = arith.constant 16 : index
        %swap3A_360 = tpu.vector_load %arg10[%swap3A_358, %swap3A_359] {strides = array<i32>} : memref<128x64xf32, #tpu.memory_space<vmem>>, vector<1x16xf32>,
        %swap3A_361 = vector.shape_cast %swap3A_360 : vector<1x16xf32> to vector<16xf32>
        %swap3A_362 = vector.shape_cast %get3A_357 : vector<16xf32> to vector<1x16xf32>
        tpu.vector_store %arg10[%swap3A_358, %swap3A_359], %swap3A_362 {strides = array<i32>} : memref<128x64xf32, #tpu.memory_space<vmem>>, vector<1x16xf32>,
        %add3A_363 = arith.constant 32 : i32
        %add3A_364 = arith.addi %squeeze3A_340, %add3A_363 : i32
        %get3A_365 = arith.index_cast %add3A_338 : i32 to index
        %get3A_366 = arith.index_cast %add3A_364 : i32 to index
        %get3A_367 = tpu.vector_load %arg8[%get3A_365, %get3A_366] {strides = array<i32>} : memref<128x128xf32, #tpu.memory_space<vmem>>, vector<1x16xf32>,
        %get3A_368 = vector.shape_cast %get3A_367 : vector<1x16xf32> to vector<16xf32>
        %swap3A_369 = arith.index_cast %add3A_338 : i32 to index
        %swap3A_370 = arith.constant 32 : index
        %swap3A_371 = tpu.vector_load %arg10[%swap3A_369, %swap3A_370] {strides = array<i32>} : memref<128x64xf32, #tpu.memory_space<vmem>>, vector<1x16xf32>,
        %swap3A_372 = vector.shape_cast %swap3A_371 : vector<1x16xf32> to vector<16xf32>
        %swap3A_373 = vector.shape_cast %get3A_368 : vector<16xf32> to vector<1x16xf32>
        tpu.vector_store %arg10[%swap3A_369, %swap3A_370], %swap3A_373 {strides = array<i32>} : memref<128x64xf32, #tpu.memory_space<vmem>>, vector<1x16xf32>,
        %add3A_374 = arith.constant 48 : i32
        %add3A_375 = arith.addi %squeeze3A_340, %add3A_374 : i32
        %get3A_376 = arith.index_cast %add3A_338 : i32 to index
        %get3A_377 = arith.index_cast %add3A_375 : i32 to index
        %get3A_378 = tpu.vector_load %arg8[%get3A_376, %get3A_377] {strides = array<i32>} : memref<128x128xf32, #tpu.memory_space<vmem>>, vector<1x16xf32>,
        %get3A_379 = vector.shape_cast %get3A_378 : vector<1x16xf32> to vector<16xf32>
        %swap3A_380 = arith.index_cast %add3A_338 : i32 to index
        %swap3A_381 = arith.constant 48 : index
        %swap3A_382 = tpu.vector_load %arg10[%swap3A_380, %swap3A_381] {strides = array<i32>} : memref<128x64xf32, #tpu.memory_space<vmem>>, vector<1x16xf32>,
        %swap3A_383 = vector.shape_cast %swap3A_382 : vector<1x16xf32> to vector<16xf32>
        %swap3A_384 = vector.shape_cast %get3A_379 : vector<16xf32> to vector<1x16xf32>
        tpu.vector_store %arg10[%swap3A_380, %swap3A_381], %swap3A_384 {strides = array<i32>} : memref<128x64xf32, #tpu.memory_space<vmem>>, vector<1x16xf32>,
        %add3A_385 = arith.constant 4 : i32
        %add3A_386 = arith.addi %mul3A_185, %add3A_385 : i32
        %slice3A_387 = vector.extract_strided_slice %mul3A_194 {offsets = [4], sizes = [1], strides = [1]} : vector<16xi32> to vector<1xi32>
        %squeeze3A_388 = vector.extract %slice3A_387[0] : i32 from vector<1xi32>
        %add3A_389 = arith.constant 0 : i32
        %add3A_390 = arith.addi %squeeze3A_388, %add3A_389 : i32
        %get3A_391 = arith.index_cast %add3A_386 : i32 to index
        %get3A_392 = arith.index_cast %add3A_390 : i32 to index
        %get3A_393 = tpu.vector_load %arg8[%get3A_391, %get3A_392] {strides = array<i32>} : memref<128x128xf32, #tpu.memory_space<vmem>>, vector<1x16xf32>,
        %get3A_394 = vector.shape_cast %get3A_393 : vector<1x16xf32> to vector<16xf32>
        %swap3A_395 = arith.index_cast %add3A_386 : i32 to index
        %swap3A_396 = arith.constant 0 : index
        %swap3A_397 = tpu.vector_load %arg10[%swap3A_395, %swap3A_396] {strides = array<i32>} : memref<128x64xf32, #tpu.memory_space<vmem>>, vector<1x16xf32>,
        %swap3A_398 = vector.shape_cast %swap3A_397 : vector<1x16xf32> to vector<16xf32>
        %swap3A_399 = vector.shape_cast %get3A_394 : vector<16xf32> to vector<1x16xf32>
        tpu.vector_store %arg10[%swap3A_395, %swap3A_396], %swap3A_399 {strides = array<i32>} : memref<128x64xf32, #tpu.memory_space<vmem>>, vector<1x16xf32>,
        %add3A_400 = arith.constant 16 : i32
        %add3A_401 = arith.addi %squeeze3A_388, %add3A_400 : i32
        %get3A_402 = arith.index_cast %add3A_386 : i32 to index
        %get3A_403 = arith.index_cast %add3A_401 : i32 to index
        %get3A_404 = tpu.vector_load %arg8[%get3A_402, %get3A_403] {strides = array<i32>} : memref<128x128xf32, #tpu.memory_space<vmem>>, vector<1x16xf32>,
        %get3A_405 = vector.shape_cast %get3A_404 : vector<1x16xf32> to vector<16xf32>
        %swap3A_406 = arith.index_cast %add3A_386 : i32 to index
        %swap3A_407 = arith.constant 16 : index
        %swap3A_408 = tpu.vector_load %arg10[%swap3A_406, %swap3A_407] {strides = array<i32>} : memref<128x64xf32, #tpu.memory_space<vmem>>, vector<1x16xf32>,
        %swap3A_409 = vector.shape_cast %swap3A_408 : vector<1x16xf32> to vector<16xf32>
        %swap3A_410 = vector.shape_cast %get3A_405 : vector<16xf32> to vector<1x16xf32>
        tpu.vector_store %arg10[%swap3A_406, %swap3A_407], %swap3A_410 {strides = array<i32>} : memref<128x64xf32, #tpu.memory_space<vmem>>, vector<1x16xf32>,
        %add3A_411 = arith.constant 32 : i32
        %add3A_412 = arith.addi %squeeze3A_388, %add3A_411 : i32
        %get3A_413 = arith.index_cast %add3A_386 : i32 to index
        %get3A_414 = arith.index_cast %add3A_412 : i32 to index
        %get3A_415 = tpu.vector_load %arg8[%get3A_413, %get3A_414] {strides = array<i32>} : memref<128x128xf32, #tpu.memory_space<vmem>>, vector<1x16xf32>,
        %get3A_416 = vector.shape_cast %get3A_415 : vector<1x16xf32> to vector<16xf32>
        %swap3A_417 = arith.index_cast %add3A_386 : i32 to index
        %swap3A_418 = arith.constant 32 : index
        %swap3A_419 = tpu.vector_load %arg10[%swap3A_417, %swap3A_418] {strides = array<i32>} : memref<128x64xf32, #tpu.memory_space<vmem>>, vector<1x16xf32>,
        %swap3A_420 = vector.shape_cast %swap3A_419 : vector<1x16xf32> to vector<16xf32>
        %swap3A_421 = vector.shape_cast %get3A_416 : vector<16xf32> to vector<1x16xf32>
        tpu.vector_store %arg10[%swap3A_417, %swap3A_418], %swap3A_421 {strides = array<i32>} : memref<128x64xf32, #tpu.memory_space<vmem>>, vector<1x16xf32>,
        %add3A_422 = arith.constant 48 : i32
        %add3A_423 = arith.addi %squeeze3A_388, %add3A_422 : i32
        %get3A_424 = arith.index_cast %add3A_386 : i32 to index
        %get3A_425 = arith.index_cast %add3A_423 : i32 to index
        %get3A_426 = tpu.vector_load %arg8[%get3A_424, %get3A_425] {strides = array<i32>} : memref<128x128xf32, #tpu.memory_space<vmem>>, vector<1x16xf32>,
        %get3A_427 = vector.shape_cast %get3A_426 : vector<1x16xf32> to vector<16xf32>
        %swap3A_428 = arith.index_cast %add3A_386 : i32 to index
        %swap3A_429 = arith.constant 48 : index
        %swap3A_430 = tpu.vector_load %arg10[%swap3A_428, %swap3A_429] {strides = array<i32>} : memref<128x64xf32, #tpu.memory_space<vmem>>, vector<1x16xf32>,
        %swap3A_431 = vector.shape_cast %swap3A_430 : vector<1x16xf32> to vector<16xf32>
        %swap3A_432 = vector.shape_cast %get3A_427 : vector<16xf32> to vector<1x16xf32>
        tpu.vector_store %arg10[%swap3A_428, %swap3A_429], %swap3A_432 {strides = array<i32>} : memref<128x64xf32, #tpu.memory_space<vmem>>, vector<1x16xf32>,
        %add3A_433 = arith.constant 5 : i32
        %add3A_434 = arith.addi %mul3A_185, %add3A_433 : i32
        %slice3A_435 = vector.extract_strided_slice %mul3A_194 {offsets = [5], sizes = [1], strides = [1]} : vector<16xi32> to vector<1xi32>
        %squeeze3A_436 = vector.extract %slice3A_435[0] : i32 from vector<1xi32>
        %add3A_437 = arith.constant 0 : i32
        %add3A_438 = arith.addi %squeeze3A_436, %add3A_437 : i32
        %get3A_439 = arith.index_cast %add3A_434 : i32 to index
        %get3A_440 = arith.index_cast %add3A_438 : i32 to index
        %get3A_441 = tpu.vector_load %arg8[%get3A_439, %get3A_440] {strides = array<i32>} : memref<128x128xf32, #tpu.memory_space<vmem>>, vector<1x16xf32>,
        %get3A_442 = vector.shape_cast %get3A_441 : vector<1x16xf32> to vector<16xf32>
        %swap3A_443 = arith.index_cast %add3A_434 : i32 to index
        %swap3A_444 = arith.constant 0 : index
        %swap3A_445 = tpu.vector_load %arg10[%swap3A_443, %swap3A_444] {strides = array<i32>} : memref<128x64xf32, #tpu.memory_space<vmem>>, vector<1x16xf32>,
        %swap3A_446 = vector.shape_cast %swap3A_445 : vector<1x16xf32> to vector<16xf32>
        %swap3A_447 = vector.shape_cast %get3A_442 : vector<16xf32> to vector<1x16xf32>
        tpu.vector_store %arg10[%swap3A_443, %swap3A_444], %swap3A_447 {strides = array<i32>} : memref<128x64xf32, #tpu.memory_space<vmem>>, vector<1x16xf32>,
        %add3A_448 = arith.constant 16 : i32
        %add3A_449 = arith.addi %squeeze3A_436, %add3A_448 : i32
        %get3A_450 = arith.index_cast %add3A_434 : i32 to index
        %get3A_451 = arith.index_cast %add3A_449 : i32 to index
        %get3A_452 = tpu.vector_load %arg8[%get3A_450, %get3A_451] {strides = array<i32>} : memref<128x128xf32, #tpu.memory_space<vmem>>, vector<1x16xf32>,
        %get3A_453 = vector.shape_cast %get3A_452 : vector<1x16xf32> to vector<16xf32>
        %swap3A_454 = arith.index_cast %add3A_434 : i32 to index
        %swap3A_455 = arith.constant 16 : index
        %swap3A_456 = tpu.vector_load %arg10[%swap3A_454, %swap3A_455] {strides = array<i32>} : memref<128x64xf32, #tpu.memory_space<vmem>>, vector<1x16xf32>,
        %swap3A_457 = vector.shape_cast %swap3A_456 : vector<1x16xf32> to vector<16xf32>
        %swap3A_458 = vector.shape_cast %get3A_453 : vector<16xf32> to vector<1x16xf32>
        tpu.vector_store %arg10[%swap3A_454, %swap3A_455], %swap3A_458 {strides = array<i32>} : memref<128x64xf32, #tpu.memory_space<vmem>>, vector<1x16xf32>,
        %add3A_459 = arith.constant 32 : i32
        %add3A_460 = arith.addi %squeeze3A_436, %add3A_459 : i32
        %get3A_461 = arith.index_cast %add3A_434 : i32 to index
        %get3A_462 = arith.index_cast %add3A_460 : i32 to index
        %get3A_463 = tpu.vector_load %arg8[%get3A_461, %get3A_462] {strides = array<i32>} : memref<128x128xf32, #tpu.memory_space<vmem>>, vector<1x16xf32>,
        %get3A_464 = vector.shape_cast %get3A_463 : vector<1x16xf32> to vector<16xf32>
        %swap3A_465 = arith.index_cast %add3A_434 : i32 to index
        %swap3A_466 = arith.constant 32 : index
        %swap3A_467 = tpu.vector_load %arg10[%swap3A_465, %swap3A_466] {strides = array<i32>} : memref<128x64xf32, #tpu.memory_space<vmem>>, vector<1x16xf32>,
        %swap3A_468 = vector.shape_cast %swap3A_467 : vector<1x16xf32> to vector<16xf32>
        %swap3A_469 = vector.shape_cast %get3A_464 : vector<16xf32> to vector<1x16xf32>
        tpu.vector_store %arg10[%swap3A_465, %swap3A_466], %swap3A_469 {strides = array<i32>} : memref<128x64xf32, #tpu.memory_space<vmem>>, vector<1x16xf32>,
        %add3A_470 = arith.constant 48 : i32
        %add3A_471 = arith.addi %squeeze3A_436, %add3A_470 : i32
        %get3A_472 = arith.index_cast %add3A_434 : i32 to index
        %get3A_473 = arith.index_cast %add3A_471 : i32 to index
        %get3A_474 = tpu.vector_load %arg8[%get3A_472, %get3A_473] {strides = array<i32>} : memref<128x128xf32, #tpu.memory_space<vmem>>, vector<1x16xf32>,
        %get3A_475 = vector.shape_cast %get3A_474 : vector<1x16xf32> to vector<16xf32>
        %swap3A_476 = arith.index_cast %add3A_434 : i32 to index
        %swap3A_477 = arith.constant 48 : index
        %swap3A_478 = tpu.vector_load %arg10[%swap3A_476, %swap3A_477] {strides = array<i32>} : memref<128x64xf32, #tpu.memory_space<vmem>>, vector<1x16xf32>,
        %swap3A_479 = vector.shape_cast %swap3A_478 : vector<1x16xf32> to vector<16xf32>
        %swap3A_480 = vector.shape_cast %get3A_475 : vector<16xf32> to vector<1x16xf32>
        tpu.vector_store %arg10[%swap3A_476, %swap3A_477], %swap3A_480 {strides = array<i32>} : memref<128x64xf32, #tpu.memory_space<vmem>>, vector<1x16xf32>,
        %add3A_481 = arith.constant 6 : i32
        %add3A_482 = arith.addi %mul3A_185, %add3A_481 : i32
        %slice3A_483 = vector.extract_strided_slice %mul3A_194 {offsets = [6], sizes = [1], strides = [1]} : vector<16xi32> to vector<1xi32>
        %squeeze3A_484 = vector.extract %slice3A_483[0] : i32 from vector<1xi32>
        %add3A_485 = arith.constant 0 : i32
        %add3A_486 = arith.addi %squeeze3A_484, %add3A_485 : i32
        %get3A_487 = arith.index_cast %add3A_482 : i32 to index
        %get3A_488 = arith.index_cast %add3A_486 : i32 to index
        %get3A_489 = tpu.vector_load %arg8[%get3A_487, %get3A_488] {strides = array<i32>} : memref<128x128xf32, #tpu.memory_space<vmem>>, vector<1x16xf32>,
        %get3A_490 = vector.shape_cast %get3A_489 : vector<1x16xf32> to vector<16xf32>
        %swap3A_491 = arith.index_cast %add3A_482 : i32 to index
        %swap3A_492 = arith.constant 0 : index
        %swap3A_493 = tpu.vector_load %arg10[%swap3A_491, %swap3A_492] {strides = array<i32>} : memref<128x64xf32, #tpu.memory_space<vmem>>, vector<1x16xf32>,
        %swap3A_494 = vector.shape_cast %swap3A_493 : vector<1x16xf32> to vector<16xf32>
        %swap3A_495 = vector.shape_cast %get3A_490 : vector<16xf32> to vector<1x16xf32>
        tpu.vector_store %arg10[%swap3A_491, %swap3A_492], %swap3A_495 {strides = array<i32>} : memref<128x64xf32, #tpu.memory_space<vmem>>, vector<1x16xf32>,
        %add3A_496 = arith.constant 16 : i32
        %add3A_497 = arith.addi %squeeze3A_484, %add3A_496 : i32
        %get3A_498 = arith.index_cast %add3A_482 : i32 to index
        %get3A_499 = arith.index_cast %add3A_497 : i32 to index
        %get3A_500 = tpu.vector_load %arg8[%get3A_498, %get3A_499] {strides = array<i32>} : memref<128x128xf32, #tpu.memory_space<vmem>>, vector<1x16xf32>,
        %get3A_501 = vector.shape_cast %get3A_500 : vector<1x16xf32> to vector<16xf32>
        %swap3A_502 = arith.index_cast %add3A_482 : i32 to index
        %swap3A_503 = arith.constant 16 : index
        %swap3A_504 = tpu.vector_load %arg10[%swap3A_502, %swap3A_503] {strides = array<i32>} : memref<128x64xf32, #tpu.memory_space<vmem>>, vector<1x16xf32>,
        %swap3A_505 = vector.shape_cast %swap3A_504 : vector<1x16xf32> to vector<16xf32>
        %swap3A_506 = vector.shape_cast %get3A_501 : vector<16xf32> to vector<1x16xf32>
        tpu.vector_store %arg10[%swap3A_502, %swap3A_503], %swap3A_506 {strides = array<i32>} : memref<128x64xf32, #tpu.memory_space<vmem>>, vector<1x16xf32>,
        %add3A_507 = arith.constant 32 : i32
        %add3A_508 = arith.addi %squeeze3A_484, %add3A_507 : i32
        %get3A_509 = arith.index_cast %add3A_482 : i32 to index
        %get3A_510 = arith.index_cast %add3A_508 : i32 to index
        %get3A_511 = tpu.vector_load %arg8[%get3A_509, %get3A_510] {strides = array<i32>} : memref<128x128xf32, #tpu.memory_space<vmem>>, vector<1x16xf32>,
        %get3A_512 = vector.shape_cast %get3A_511 : vector<1x16xf32> to vector<16xf32>
        %swap3A_513 = arith.index_cast %add3A_482 : i32 to index
        %swap3A_514 = arith.constant 32 : index
        %swap3A_515 = tpu.vector_load %arg10[%swap3A_513, %swap3A_514] {strides = array<i32>} : memref<128x64xf32, #tpu.memory_space<vmem>>, vector<1x16xf32>,
        %swap3A_516 = vector.shape_cast %swap3A_515 : vector<1x16xf32> to vector<16xf32>
        %swap3A_517 = vector.shape_cast %get3A_512 : vector<16xf32> to vector<1x16xf32>
        tpu.vector_store %arg10[%swap3A_513, %swap3A_514], %swap3A_517 {strides = array<i32>} : memref<128x64xf32, #tpu.memory_space<vmem>>, vector<1x16xf32>,
        %add3A_518 = arith.constant 48 : i32
        %add3A_519 = arith.addi %squeeze3A_484, %add3A_518 : i32
        %get3A_520 = arith.index_cast %add3A_482 : i32 to index
        %get3A_521 = arith.index_cast %add3A_519 : i32 to index
        %get3A_522 = tpu.vector_load %arg8[%get3A_520, %get3A_521] {strides = array<i32>} : memref<128x128xf32, #tpu.memory_space<vmem>>, vector<1x16xf32>,
        %get3A_523 = vector.shape_cast %get3A_522 : vector<1x16xf32> to vector<16xf32>
        %swap3A_524 = arith.index_cast %add3A_482 : i32 to index
        %swap3A_525 = arith.constant 48 : index
        %swap3A_526 = tpu.vector_load %arg10[%swap3A_524, %swap3A_525] {strides = array<i32>} : memref<128x64xf32, #tpu.memory_space<vmem>>, vector<1x16xf32>,
        %swap3A_527 = vector.shape_cast %swap3A_526 : vector<1x16xf32> to vector<16xf32>
        %swap3A_528 = vector.shape_cast %get3A_523 : vector<16xf32> to vector<1x16xf32>
        tpu.vector_store %arg10[%swap3A_524, %swap3A_525], %swap3A_528 {strides = array<i32>} : memref<128x64xf32, #tpu.memory_space<vmem>>, vector<1x16xf32>,
        %add3A_529 = arith.constant 7 : i32
        %add3A_530 = arith.addi %mul3A_185, %add3A_529 : i32
        %slice3A_531 = vector.extract_strided_slice %mul3A_194 {offsets = [7], sizes = [1], strides = [1]} : vector<16xi32> to vector<1xi32>
        %squeeze3A_532 = vector.extract %slice3A_531[0] : i32 from vector<1xi32>
        %add3A_533 = arith.constant 0 : i32
        %add3A_534 = arith.addi %squeeze3A_532, %add3A_533 : i32
        %get3A_535 = arith.index_cast %add3A_530 : i32 to index
        %get3A_536 = arith.index_cast %add3A_534 : i32 to index
        %get3A_537 = tpu.vector_load %arg8[%get3A_535, %get3A_536] {strides = array<i32>} : memref<128x128xf32, #tpu.memory_space<vmem>>, vector<1x16xf32>,
        %get3A_538 = vector.shape_cast %get3A_537 : vector<1x16xf32> to vector<16xf32>
        %swap3A_539 = arith.index_cast %add3A_530 : i32 to index
        %swap3A_540 = arith.constant 0 : index
        %swap3A_541 = tpu.vector_load %arg10[%swap3A_539, %swap3A_540] {strides = array<i32>} : memref<128x64xf32, #tpu.memory_space<vmem>>, vector<1x16xf32>,
        %swap3A_542 = vector.shape_cast %swap3A_541 : vector<1x16xf32> to vector<16xf32>
        %swap3A_543 = vector.shape_cast %get3A_538 : vector<16xf32> to vector<1x16xf32>
        tpu.vector_store %arg10[%swap3A_539, %swap3A_540], %swap3A_543 {strides = array<i32>} : memref<128x64xf32, #tpu.memory_space<vmem>>, vector<1x16xf32>,
        %add3A_544 = arith.constant 16 : i32
        %add3A_545 = arith.addi %squeeze3A_532, %add3A_544 : i32
        %get3A_546 = arith.index_cast %add3A_530 : i32 to index
        %get3A_547 = arith.index_cast %add3A_545 : i32 to index
        %get3A_548 = tpu.vector_load %arg8[%get3A_546, %get3A_547] {strides = array<i32>} : memref<128x128xf32, #tpu.memory_space<vmem>>, vector<1x16xf32>,
        %get3A_549 = vector.shape_cast %get3A_548 : vector<1x16xf32> to vector<16xf32>
        %swap3A_550 = arith.index_cast %add3A_530 : i32 to index
        %swap3A_551 = arith.constant 16 : index
        %swap3A_552 = tpu.vector_load %arg10[%swap3A_550, %swap3A_551] {strides = array<i32>} : memref<128x64xf32, #tpu.memory_space<vmem>>, vector<1x16xf32>,
        %swap3A_553 = vector.shape_cast %swap3A_552 : vector<1x16xf32> to vector<16xf32>
        %swap3A_554 = vector.shape_cast %get3A_549 : vector<16xf32> to vector<1x16xf32>
        tpu.vector_store %arg10[%swap3A_550, %swap3A_551], %swap3A_554 {strides = array<i32>} : memref<128x64xf32, #tpu.memory_space<vmem>>, vector<1x16xf32>,
        %add3A_555 = arith.constant 32 : i32
        %add3A_556 = arith.addi %squeeze3A_532, %add3A_555 : i32
        %get3A_557 = arith.index_cast %add3A_530 : i32 to index
        %get3A_558 = arith.index_cast %add3A_556 : i32 to index
        %get3A_559 = tpu.vector_load %arg8[%get3A_557, %get3A_558] {strides = array<i32>} : memref<128x128xf32, #tpu.memory_space<vmem>>, vector<1x16xf32>,
        %get3A_560 = vector.shape_cast %get3A_559 : vector<1x16xf32> to vector<16xf32>
        %swap3A_561 = arith.index_cast %add3A_530 : i32 to index
        %swap3A_562 = arith.constant 32 : index
        %swap3A_563 = tpu.vector_load %arg10[%swap3A_561, %swap3A_562] {strides = array<i32>} : memref<128x64xf32, #tpu.memory_space<vmem>>, vector<1x16xf32>,
        %swap3A_564 = vector.shape_cast %swap3A_563 : vector<1x16xf32> to vector<16xf32>
        %swap3A_565 = vector.shape_cast %get3A_560 : vector<16xf32> to vector<1x16xf32>
        tpu.vector_store %arg10[%swap3A_561, %swap3A_562], %swap3A_565 {strides = array<i32>} : memref<128x64xf32, #tpu.memory_space<vmem>>, vector<1x16xf32>,
        %add3A_566 = arith.constant 48 : i32
        %add3A_567 = arith.addi %squeeze3A_532, %add3A_566 : i32
        %get3A_568 = arith.index_cast %add3A_530 : i32 to index
        %get3A_569 = arith.index_cast %add3A_567 : i32 to index
        %get3A_570 = tpu.vector_load %arg8[%get3A_568, %get3A_569] {strides = array<i32>} : memref<128x128xf32, #tpu.memory_space<vmem>>, vector<1x16xf32>,
        %get3A_571 = vector.shape_cast %get3A_570 : vector<1x16xf32> to vector<16xf32>
        %swap3A_572 = arith.index_cast %add3A_530 : i32 to index
        %swap3A_573 = arith.constant 48 : index
        %swap3A_574 = tpu.vector_load %arg10[%swap3A_572, %swap3A_573] {strides = array<i32>} : memref<128x64xf32, #tpu.memory_space<vmem>>, vector<1x16xf32>,
        %swap3A_575 = vector.shape_cast %swap3A_574 : vector<1x16xf32> to vector<16xf32>
        %swap3A_576 = vector.shape_cast %get3A_571 : vector<16xf32> to vector<1x16xf32>
        tpu.vector_store %arg10[%swap3A_572, %swap3A_573], %swap3A_576 {strides = array<i32>} : memref<128x64xf32, #tpu.memory_space<vmem>>, vector<1x16xf32>,
        %add3A_577 = arith.constant 8 : i32
        %add3A_578 = arith.addi %mul3A_185, %add3A_577 : i32
        %slice3A_579 = vector.extract_strided_slice %mul3A_194 {offsets = [8], sizes = [1], strides = [1]} : vector<16xi32> to vector<1xi32>
        %squeeze3A_580 = vector.extract %slice3A_579[0] : i32 from vector<1xi32>
        %add3A_581 = arith.constant 0 : i32
        %add3A_582 = arith.addi %squeeze3A_580, %add3A_581 : i32
        %get3A_583 = arith.index_cast %add3A_578 : i32 to index
        %get3A_584 = arith.index_cast %add3A_582 : i32 to index
        %get3A_585 = tpu.vector_load %arg8[%get3A_583, %get3A_584] {strides = array<i32>} : memref<128x128xf32, #tpu.memory_space<vmem>>, vector<1x16xf32>,
        %get3A_586 = vector.shape_cast %get3A_585 : vector<1x16xf32> to vector<16xf32>
        %swap3A_587 = arith.index_cast %add3A_578 : i32 to index
        %swap3A_588 = arith.constant 0 : index
        %swap3A_589 = tpu.vector_load %arg10[%swap3A_587, %swap3A_588] {strides = array<i32>} : memref<128x64xf32, #tpu.memory_space<vmem>>, vector<1x16xf32>,
        %swap3A_590 = vector.shape_cast %swap3A_589 : vector<1x16xf32> to vector<16xf32>
        %swap3A_591 = vector.shape_cast %get3A_586 : vector<16xf32> to vector<1x16xf32>
        tpu.vector_store %arg10[%swap3A_587, %swap3A_588], %swap3A_591 {strides = array<i32>} : memref<128x64xf32, #tpu.memory_space<vmem>>, vector<1x16xf32>,
        %add3A_592 = arith.constant 16 : i32
        %add3A_593 = arith.addi %squeeze3A_580, %add3A_592 : i32
        %get3A_594 = arith.index_cast %add3A_578 : i32 to index
        %get3A_595 = arith.index_cast %add3A_593 : i32 to index
        %get3A_596 = tpu.vector_load %arg8[%get3A_594, %get3A_595] {strides = array<i32>} : memref<128x128xf32, #tpu.memory_space<vmem>>, vector<1x16xf32>,
        %get3A_597 = vector.shape_cast %get3A_596 : vector<1x16xf32> to vector<16xf32>
        %swap3A_598 = arith.index_cast %add3A_578 : i32 to index
        %swap3A_599 = arith.constant 16 : index
        %swap3A_600 = tpu.vector_load %arg10[%swap3A_598, %swap3A_599] {strides = array<i32>} : memref<128x64xf32, #tpu.memory_space<vmem>>, vector<1x16xf32>,
        %swap3A_601 = vector.shape_cast %swap3A_600 : vector<1x16xf32> to vector<16xf32>
        %swap3A_602 = vector.shape_cast %get3A_597 : vector<16xf32> to vector<1x16xf32>
        tpu.vector_store %arg10[%swap3A_598, %swap3A_599], %swap3A_602 {strides = array<i32>} : memref<128x64xf32, #tpu.memory_space<vmem>>, vector<1x16xf32>,
        %add3A_603 = arith.constant 32 : i32
        %add3A_604 = arith.addi %squeeze3A_580, %add3A_603 : i32
        %get3A_605 = arith.index_cast %add3A_578 : i32 to index
        %get3A_606 = arith.index_cast %add3A_604 : i32 to index
        %get3A_607 = tpu.vector_load %arg8[%get3A_605, %get3A_606] {strides = array<i32>} : memref<128x128xf32, #tpu.memory_space<vmem>>, vector<1x16xf32>,
        %get3A_608 = vector.shape_cast %get3A_607 : vector<1x16xf32> to vector<16xf32>
        %swap3A_609 = arith.index_cast %add3A_578 : i32 to index
        %swap3A_610 = arith.constant 32 : index
        %swap3A_611 = tpu.vector_load %arg10[%swap3A_609, %swap3A_610] {strides = array<i32>} : memref<128x64xf32, #tpu.memory_space<vmem>>, vector<1x16xf32>,
        %swap3A_612 = vector.shape_cast %swap3A_611 : vector<1x16xf32> to vector<16xf32>
        %swap3A_613 = vector.shape_cast %get3A_608 : vector<16xf32> to vector<1x16xf32>
        tpu.vector_store %arg10[%swap3A_609, %swap3A_610], %swap3A_613 {strides = array<i32>} : memref<128x64xf32, #tpu.memory_space<vmem>>, vector<1x16xf32>,
        %add3A_614 = arith.constant 48 : i32
        %add3A_615 = arith.addi %squeeze3A_580, %add3A_614 : i32
        %get3A_616 = arith.index_cast %add3A_578 : i32 to index
        %get3A_617 = arith.index_cast %add3A_615 : i32 to index
        %get3A_618 = tpu.vector_load %arg8[%get3A_616, %get3A_617] {strides = array<i32>} : memref<128x128xf32, #tpu.memory_space<vmem>>, vector<1x16xf32>,
        %get3A_619 = vector.shape_cast %get3A_618 : vector<1x16xf32> to vector<16xf32>
        %swap3A_620 = arith.index_cast %add3A_578 : i32 to index
        %swap3A_621 = arith.constant 48 : index
        %swap3A_622 = tpu.vector_load %arg10[%swap3A_620, %swap3A_621] {strides = array<i32>} : memref<128x64xf32, #tpu.memory_space<vmem>>, vector<1x16xf32>,
        %swap3A_623 = vector.shape_cast %swap3A_622 : vector<1x16xf32> to vector<16xf32>
        %swap3A_624 = vector.shape_cast %get3A_619 : vector<16xf32> to vector<1x16xf32>
        tpu.vector_store %arg10[%swap3A_620, %swap3A_621], %swap3A_624 {strides = array<i32>} : memref<128x64xf32, #tpu.memory_space<vmem>>, vector<1x16xf32>,
        %add3A_625 = arith.constant 9 : i32
        %add3A_626 = arith.addi %mul3A_185, %add3A_625 : i32
        %slice3A_627 = vector.extract_strided_slice %mul3A_194 {offsets = [9], sizes = [1], strides = [1]} : vector<16xi32> to vector<1xi32>
        %squeeze3A_628 = vector.extract %slice3A_627[0] : i32 from vector<1xi32>
        %add3A_629 = arith.constant 0 : i32
        %add3A_630 = arith.addi %squeeze3A_628, %add3A_629 : i32
        %get3A_631 = arith.index_cast %add3A_626 : i32 to index
        %get3A_632 = arith.index_cast %add3A_630 : i32 to index
        %get3A_633 = tpu.vector_load %arg8[%get3A_631, %get3A_632] {strides = array<i32>} : memref<128x128xf32, #tpu.memory_space<vmem>>, vector<1x16xf32>,
        %get3A_634 = vector.shape_cast %get3A_633 : vector<1x16xf32> to vector<16xf32>
        %swap3A_635 = arith.index_cast %add3A_626 : i32 to index
        %swap3A_636 = arith.constant 0 : index
        %swap3A_637 = tpu.vector_load %arg10[%swap3A_635, %swap3A_636] {strides = array<i32>} : memref<128x64xf32, #tpu.memory_space<vmem>>, vector<1x16xf32>,
        %swap3A_638 = vector.shape_cast %swap3A_637 : vector<1x16xf32> to vector<16xf32>
        %swap3A_639 = vector.shape_cast %get3A_634 : vector<16xf32> to vector<1x16xf32>
        tpu.vector_store %arg10[%swap3A_635, %swap3A_636], %swap3A_639 {strides = array<i32>} : memref<128x64xf32, #tpu.memory_space<vmem>>, vector<1x16xf32>,
        %add3A_640 = arith.constant 16 : i32
        %add3A_641 = arith.addi %squeeze3A_628, %add3A_640 : i32
        %get3A_642 = arith.index_cast %add3A_626 : i32 to index
        %get3A_643 = arith.index_cast %add3A_641 : i32 to index
        %get3A_644 = tpu.vector_load %arg8[%get3A_642, %get3A_643] {strides = array<i32>} : memref<128x128xf32, #tpu.memory_space<vmem>>, vector<1x16xf32>,
        %get3A_645 = vector.shape_cast %get3A_644 : vector<1x16xf32> to vector<16xf32>
        %swap3A_646 = arith.index_cast %add3A_626 : i32 to index
        %swap3A_647 = arith.constant 16 : index
        %swap3A_648 = tpu.vector_load %arg10[%swap3A_646, %swap3A_647] {strides = array<i32>} : memref<128x64xf32, #tpu.memory_space<vmem>>, vector<1x16xf32>,
        %swap3A_649 = vector.shape_cast %swap3A_648 : vector<1x16xf32> to vector<16xf32>
        %swap3A_650 = vector.shape_cast %get3A_645 : vector<16xf32> to vector<1x16xf32>
        tpu.vector_store %arg10[%swap3A_646, %swap3A_647], %swap3A_650 {strides = array<i32>} : memref<128x64xf32, #tpu.memory_space<vmem>>, vector<1x16xf32>,
        %add3A_651 = arith.constant 32 : i32
        %add3A_652 = arith.addi %squeeze3A_628, %add3A_651 : i32
        %get3A_653 = arith.index_cast %add3A_626 : i32 to index
        %get3A_654 = arith.index_cast %add3A_652 : i32 to index
        %get3A_655 = tpu.vector_load %arg8[%get3A_653, %get3A_654] {strides = array<i32>} : memref<128x128xf32, #tpu.memory_space<vmem>>, vector<1x16xf32>,
        %get3A_656 = vector.shape_cast %get3A_655 : vector<1x16xf32> to vector<16xf32>
        %swap3A_657 = arith.index_cast %add3A_626 : i32 to index
        %swap3A_658 = arith.constant 32 : index
        %swap3A_659 = tpu.vector_load %arg10[%swap3A_657, %swap3A_658] {strides = array<i32>} : memref<128x64xf32, #tpu.memory_space<vmem>>, vector<1x16xf32>,
        %swap3A_660 = vector.shape_cast %swap3A_659 : vector<1x16xf32> to vector<16xf32>
        %swap3A_661 = vector.shape_cast %get3A_656 : vector<16xf32> to vector<1x16xf32>
        tpu.vector_store %arg10[%swap3A_657, %swap3A_658], %swap3A_661 {strides = array<i32>} : memref<128x64xf32, #tpu.memory_space<vmem>>, vector<1x16xf32>,
        %add3A_662 = arith.constant 48 : i32
        %add3A_663 = arith.addi %squeeze3A_628, %add3A_662 : i32
        %get3A_664 = arith.index_cast %add3A_626 : i32 to index
        %get3A_665 = arith.index_cast %add3A_663 : i32 to index
        %get3A_666 = tpu.vector_load %arg8[%get3A_664, %get3A_665] {strides = array<i32>} : memref<128x128xf32, #tpu.memory_space<vmem>>, vector<1x16xf32>,
        %get3A_667 = vector.shape_cast %get3A_666 : vector<1x16xf32> to vector<16xf32>
        %swap3A_668 = arith.index_cast %add3A_626 : i32 to index
        %swap3A_669 = arith.constant 48 : index
        %swap3A_670 = tpu.vector_load %arg10[%swap3A_668, %swap3A_669] {strides = array<i32>} : memref<128x64xf32, #tpu.memory_space<vmem>>, vector<1x16xf32>,
        %swap3A_671 = vector.shape_cast %swap3A_670 : vector<1x16xf32> to vector<16xf32>
        %swap3A_672 = vector.shape_cast %get3A_667 : vector<16xf32> to vector<1x16xf32>
        tpu.vector_store %arg10[%swap3A_668, %swap3A_669], %swap3A_672 {strides = array<i32>} : memref<128x64xf32, #tpu.memory_space<vmem>>, vector<1x16xf32>,
        %add3A_673 = arith.constant 10 : i32
        %add3A_674 = arith.addi %mul3A_185, %add3A_673 : i32
        %slice3A_675 = vector.extract_strided_slice %mul3A_194 {offsets = [10], sizes = [1], strides = [1]} : vector<16xi32> to vector<1xi32>
        %squeeze3A_676 = vector.extract %slice3A_675[0] : i32 from vector<1xi32>
        %add3A_677 = arith.constant 0 : i32
        %add3A_678 = arith.addi %squeeze3A_676, %add3A_677 : i32
        %get3A_679 = arith.index_cast %add3A_674 : i32 to index
        %get3A_680 = arith.index_cast %add3A_678 : i32 to index
        %get3A_681 = tpu.vector_load %arg8[%get3A_679, %get3A_680] {strides = array<i32>} : memref<128x128xf32, #tpu.memory_space<vmem>>, vector<1x16xf32>,
        %get3A_682 = vector.shape_cast %get3A_681 : vector<1x16xf32> to vector<16xf32>
        %swap3A_683 = arith.index_cast %add3A_674 : i32 to index
        %swap3A_684 = arith.constant 0 : index
        %swap3A_685 = tpu.vector_load %arg10[%swap3A_683, %swap3A_684] {strides = array<i32>} : memref<128x64xf32, #tpu.memory_space<vmem>>, vector<1x16xf32>,
        %swap3A_686 = vector.shape_cast %swap3A_685 : vector<1x16xf32> to vector<16xf32>
        %swap3A_687 = vector.shape_cast %get3A_682 : vector<16xf32> to vector<1x16xf32>
        tpu.vector_store %arg10[%swap3A_683, %swap3A_684], %swap3A_687 {strides = array<i32>} : memref<128x64xf32, #tpu.memory_space<vmem>>, vector<1x16xf32>,
        %add3A_688 = arith.constant 16 : i32
        %add3A_689 = arith.addi %squeeze3A_676, %add3A_688 : i32
        %get3A_690 = arith.index_cast %add3A_674 : i32 to index
        %get3A_691 = arith.index_cast %add3A_689 : i32 to index
        %get3A_692 = tpu.vector_load %arg8[%get3A_690, %get3A_691] {strides = array<i32>} : memref<128x128xf32, #tpu.memory_space<vmem>>, vector<1x16xf32>,
        %get3A_693 = vector.shape_cast %get3A_692 : vector<1x16xf32> to vector<16xf32>
        %swap3A_694 = arith.index_cast %add3A_674 : i32 to index
        %swap3A_695 = arith.constant 16 : index
        %swap3A_696 = tpu.vector_load %arg10[%swap3A_694, %swap3A_695] {strides = array<i32>} : memref<128x64xf32, #tpu.memory_space<vmem>>, vector<1x16xf32>,
        %swap3A_697 = vector.shape_cast %swap3A_696 : vector<1x16xf32> to vector<16xf32>
        %swap3A_698 = vector.shape_cast %get3A_693 : vector<16xf32> to vector<1x16xf32>
        tpu.vector_store %arg10[%swap3A_694, %swap3A_695], %swap3A_698 {strides = array<i32>} : memref<128x64xf32, #tpu.memory_space<vmem>>, vector<1x16xf32>,
        %add3A_699 = arith.constant 32 : i32
        %add3A_700 = arith.addi %squeeze3A_676, %add3A_699 : i32
        %get3A_701 = arith.index_cast %add3A_674 : i32 to index
        %get3A_702 = arith.index_cast %add3A_700 : i32 to index
        %get3A_703 = tpu.vector_load %arg8[%get3A_701, %get3A_702] {strides = array<i32>} : memref<128x128xf32, #tpu.memory_space<vmem>>, vector<1x16xf32>,
        %get3A_704 = vector.shape_cast %get3A_703 : vector<1x16xf32> to vector<16xf32>
        %swap3A_705 = arith.index_cast %add3A_674 : i32 to index
        %swap3A_706 = arith.constant 32 : index
        %swap3A_707 = tpu.vector_load %arg10[%swap3A_705, %swap3A_706] {strides = array<i32>} : memref<128x64xf32, #tpu.memory_space<vmem>>, vector<1x16xf32>,
        %swap3A_708 = vector.shape_cast %swap3A_707 : vector<1x16xf32> to vector<16xf32>
        %swap3A_709 = vector.shape_cast %get3A_704 : vector<16xf32> to vector<1x16xf32>
        tpu.vector_store %arg10[%swap3A_705, %swap3A_706], %swap3A_709 {strides = array<i32>} : memref<128x64xf32, #tpu.memory_space<vmem>>, vector<1x16xf32>,
        %add3A_710 = arith.constant 48 : i32
        %add3A_711 = arith.addi %squeeze3A_676, %add3A_710 : i32
        %get3A_712 = arith.index_cast %add3A_674 : i32 to index
        %get3A_713 = arith.index_cast %add3A_711 : i32 to index
        %get3A_714 = tpu.vector_load %arg8[%get3A_712, %get3A_713] {strides = array<i32>} : memref<128x128xf32, #tpu.memory_space<vmem>>, vector<1x16xf32>,
        %get3A_715 = vector.shape_cast %get3A_714 : vector<1x16xf32> to vector<16xf32>
        %swap3A_716 = arith.index_cast %add3A_674 : i32 to index
        %swap3A_717 = arith.constant 48 : index
        %swap3A_718 = tpu.vector_load %arg10[%swap3A_716, %swap3A_717] {strides = array<i32>} : memref<128x64xf32, #tpu.memory_space<vmem>>, vector<1x16xf32>,
        %swap3A_719 = vector.shape_cast %swap3A_718 : vector<1x16xf32> to vector<16xf32>
        %swap3A_720 = vector.shape_cast %get3A_715 : vector<16xf32> to vector<1x16xf32>
        tpu.vector_store %arg10[%swap3A_716, %swap3A_717], %swap3A_720 {strides = array<i32>} : memref<128x64xf32, #tpu.memory_space<vmem>>, vector<1x16xf32>,
        %add3A_721 = arith.constant 11 : i32
        %add3A_722 = arith.addi %mul3A_185, %add3A_721 : i32
        %slice3A_723 = vector.extract_strided_slice %mul3A_194 {offsets = [11], sizes = [1], strides = [1]} : vector<16xi32> to vector<1xi32>
        %squeeze3A_724 = vector.extract %slice3A_723[0] : i32 from vector<1xi32>
        %add3A_725 = arith.constant 0 : i32
        %add3A_726 = arith.addi %squeeze3A_724, %add3A_725 : i32
        %get3A_727 = arith.index_cast %add3A_722 : i32 to index
        %get3A_728 = arith.index_cast %add3A_726 : i32 to index
        %get3A_729 = tpu.vector_load %arg8[%get3A_727, %get3A_728] {strides = array<i32>} : memref<128x128xf32, #tpu.memory_space<vmem>>, vector<1x16xf32>,
        %get3A_730 = vector.shape_cast %get3A_729 : vector<1x16xf32> to vector<16xf32>
        %swap3A_731 = arith.index_cast %add3A_722 : i32 to index
        %swap3A_732 = arith.constant 0 : index
        %swap3A_733 = tpu.vector_load %arg10[%swap3A_731, %swap3A_732] {strides = array<i32>} : memref<128x64xf32, #tpu.memory_space<vmem>>, vector<1x16xf32>,
        %swap3A_734 = vector.shape_cast %swap3A_733 : vector<1x16xf32> to vector<16xf32>
        %swap3A_735 = vector.shape_cast %get3A_730 : vector<16xf32> to vector<1x16xf32>
        tpu.vector_store %arg10[%swap3A_731, %swap3A_732], %swap3A_735 {strides = array<i32>} : memref<128x64xf32, #tpu.memory_space<vmem>>, vector<1x16xf32>,
        %add3A_736 = arith.constant 16 : i32
        %add3A_737 = arith.addi %squeeze3A_724, %add3A_736 : i32
        %get3A_738 = arith.index_cast %add3A_722 : i32 to index
        %get3A_739 = arith.index_cast %add3A_737 : i32 to index
        %get3A_740 = tpu.vector_load %arg8[%get3A_738, %get3A_739] {strides = array<i32>} : memref<128x128xf32, #tpu.memory_space<vmem>>, vector<1x16xf32>,
        %get3A_741 = vector.shape_cast %get3A_740 : vector<1x16xf32> to vector<16xf32>
        %swap3A_742 = arith.index_cast %add3A_722 : i32 to index
        %swap3A_743 = arith.constant 16 : index
        %swap3A_744 = tpu.vector_load %arg10[%swap3A_742, %swap3A_743] {strides = array<i32>} : memref<128x64xf32, #tpu.memory_space<vmem>>, vector<1x16xf32>,
        %swap3A_745 = vector.shape_cast %swap3A_744 : vector<1x16xf32> to vector<16xf32>
        %swap3A_746 = vector.shape_cast %get3A_741 : vector<16xf32> to vector<1x16xf32>
        tpu.vector_store %arg10[%swap3A_742, %swap3A_743], %swap3A_746 {strides = array<i32>} : memref<128x64xf32, #tpu.memory_space<vmem>>, vector<1x16xf32>,
        %add3A_747 = arith.constant 32 : i32
        %add3A_748 = arith.addi %squeeze3A_724, %add3A_747 : i32
        %get3A_749 = arith.index_cast %add3A_722 : i32 to index
        %get3A_750 = arith.index_cast %add3A_748 : i32 to index
        %get3A_751 = tpu.vector_load %arg8[%get3A_749, %get3A_750] {strides = array<i32>} : memref<128x128xf32, #tpu.memory_space<vmem>>, vector<1x16xf32>,
        %get3A_752 = vector.shape_cast %get3A_751 : vector<1x16xf32> to vector<16xf32>
        %swap3A_753 = arith.index_cast %add3A_722 : i32 to index
        %swap3A_754 = arith.constant 32 : index
        %swap3A_755 = tpu.vector_load %arg10[%swap3A_753, %swap3A_754] {strides = array<i32>} : memref<128x64xf32, #tpu.memory_space<vmem>>, vector<1x16xf32>,
        %swap3A_756 = vector.shape_cast %swap3A_755 : vector<1x16xf32> to vector<16xf32>
        %swap3A_757 = vector.shape_cast %get3A_752 : vector<16xf32> to vector<1x16xf32>
        tpu.vector_store %arg10[%swap3A_753, %swap3A_754], %swap3A_757 {strides = array<i32>} : memref<128x64xf32, #tpu.memory_space<vmem>>, vector<1x16xf32>,
        %add3A_758 = arith.constant 48 : i32
        %add3A_759 = arith.addi %squeeze3A_724, %add3A_758 : i32
        %get3A_760 = arith.index_cast %add3A_722 : i32 to index
        %get3A_761 = arith.index_cast %add3A_759 : i32 to index
        %get3A_762 = tpu.vector_load %arg8[%get3A_760, %get3A_761] {strides = array<i32>} : memref<128x128xf32, #tpu.memory_space<vmem>>, vector<1x16xf32>,
        %get3A_763 = vector.shape_cast %get3A_762 : vector<1x16xf32> to vector<16xf32>
        %swap3A_764 = arith.index_cast %add3A_722 : i32 to index
        %swap3A_765 = arith.constant 48 : index
        %swap3A_766 = tpu.vector_load %arg10[%swap3A_764, %swap3A_765] {strides = array<i32>} : memref<128x64xf32, #tpu.memory_space<vmem>>, vector<1x16xf32>,
        %swap3A_767 = vector.shape_cast %swap3A_766 : vector<1x16xf32> to vector<16xf32>
        %swap3A_768 = vector.shape_cast %get3A_763 : vector<16xf32> to vector<1x16xf32>
        tpu.vector_store %arg10[%swap3A_764, %swap3A_765], %swap3A_768 {strides = array<i32>} : memref<128x64xf32, #tpu.memory_space<vmem>>, vector<1x16xf32>,
        %add3A_769 = arith.constant 12 : i32
        %add3A_770 = arith.addi %mul3A_185, %add3A_769 : i32
        %slice3A_771 = vector.extract_strided_slice %mul3A_194 {offsets = [12], sizes = [1], strides = [1]} : vector<16xi32> to vector<1xi32>
        %squeeze3A_772 = vector.extract %slice3A_771[0] : i32 from vector<1xi32>
        %add3A_773 = arith.constant 0 : i32
        %add3A_774 = arith.addi %squeeze3A_772, %add3A_773 : i32
        %get3A_775 = arith.index_cast %add3A_770 : i32 to index
        %get3A_776 = arith.index_cast %add3A_774 : i32 to index
        %get3A_777 = tpu.vector_load %arg8[%get3A_775, %get3A_776] {strides = array<i32>} : memref<128x128xf32, #tpu.memory_space<vmem>>, vector<1x16xf32>,
        %get3A_778 = vector.shape_cast %get3A_777 : vector<1x16xf32> to vector<16xf32>
        %swap3A_779 = arith.index_cast %add3A_770 : i32 to index
        %swap3A_780 = arith.constant 0 : index
        %swap3A_781 = tpu.vector_load %arg10[%swap3A_779, %swap3A_780] {strides = array<i32>} : memref<128x64xf32, #tpu.memory_space<vmem>>, vector<1x16xf32>,
        %swap3A_782 = vector.shape_cast %swap3A_781 : vector<1x16xf32> to vector<16xf32>
        %swap3A_783 = vector.shape_cast %get3A_778 : vector<16xf32> to vector<1x16xf32>
        tpu.vector_store %arg10[%swap3A_779, %swap3A_780], %swap3A_783 {strides = array<i32>} : memref<128x64xf32, #tpu.memory_space<vmem>>, vector<1x16xf32>,
        %add3A_784 = arith.constant 16 : i32
        %add3A_785 = arith.addi %squeeze3A_772, %add3A_784 : i32
        %get3A_786 = arith.index_cast %add3A_770 : i32 to index
        %get3A_787 = arith.index_cast %add3A_785 : i32 to index
        %get3A_788 = tpu.vector_load %arg8[%get3A_786, %get3A_787] {strides = array<i32>} : memref<128x128xf32, #tpu.memory_space<vmem>>, vector<1x16xf32>,
        %get3A_789 = vector.shape_cast %get3A_788 : vector<1x16xf32> to vector<16xf32>
        %swap3A_790 = arith.index_cast %add3A_770 : i32 to index
        %swap3A_791 = arith.constant 16 : index
        %swap3A_792 = tpu.vector_load %arg10[%swap3A_790, %swap3A_791] {strides = array<i32>} : memref<128x64xf32, #tpu.memory_space<vmem>>, vector<1x16xf32>,
        %swap3A_793 = vector.shape_cast %swap3A_792 : vector<1x16xf32> to vector<16xf32>
        %swap3A_794 = vector.shape_cast %get3A_789 : vector<16xf32> to vector<1x16xf32>
        tpu.vector_store %arg10[%swap3A_790, %swap3A_791], %swap3A_794 {strides = array<i32>} : memref<128x64xf32, #tpu.memory_space<vmem>>, vector<1x16xf32>,
        %add3A_795 = arith.constant 32 : i32
        %add3A_796 = arith.addi %squeeze3A_772, %add3A_795 : i32
        %get3A_797 = arith.index_cast %add3A_770 : i32 to index
        %get3A_798 = arith.index_cast %add3A_796 : i32 to index
        %get3A_799 = tpu.vector_load %arg8[%get3A_797, %get3A_798] {strides = array<i32>} : memref<128x128xf32, #tpu.memory_space<vmem>>, vector<1x16xf32>,
        %get3A_800 = vector.shape_cast %get3A_799 : vector<1x16xf32> to vector<16xf32>
        %swap3A_801 = arith.index_cast %add3A_770 : i32 to index
        %swap3A_802 = arith.constant 32 : index
        %swap3A_803 = tpu.vector_load %arg10[%swap3A_801, %swap3A_802] {strides = array<i32>} : memref<128x64xf32, #tpu.memory_space<vmem>>, vector<1x16xf32>,
        %swap3A_804 = vector.shape_cast %swap3A_803 : vector<1x16xf32> to vector<16xf32>
        %swap3A_805 = vector.shape_cast %get3A_800 : vector<16xf32> to vector<1x16xf32>
        tpu.vector_store %arg10[%swap3A_801, %swap3A_802], %swap3A_805 {strides = array<i32>} : memref<128x64xf32, #tpu.memory_space<vmem>>, vector<1x16xf32>,
        %add3A_806 = arith.constant 48 : i32
        %add3A_807 = arith.addi %squeeze3A_772, %add3A_806 : i32
        %get3A_808 = arith.index_cast %add3A_770 : i32 to index
        %get3A_809 = arith.index_cast %add3A_807 : i32 to index
        %get3A_810 = tpu.vector_load %arg8[%get3A_808, %get3A_809] {strides = array<i32>} : memref<128x128xf32, #tpu.memory_space<vmem>>, vector<1x16xf32>,
        %get3A_811 = vector.shape_cast %get3A_810 : vector<1x16xf32> to vector<16xf32>
        %swap3A_812 = arith.index_cast %add3A_770 : i32 to index
        %swap3A_813 = arith.constant 48 : index
        %swap3A_814 = tpu.vector_load %arg10[%swap3A_812, %swap3A_813] {strides = array<i32>} : memref<128x64xf32, #tpu.memory_space<vmem>>, vector<1x16xf32>,
        %swap3A_815 = vector.shape_cast %swap3A_814 : vector<1x16xf32> to vector<16xf32>
        %swap3A_816 = vector.shape_cast %get3A_811 : vector<16xf32> to vector<1x16xf32>
        tpu.vector_store %arg10[%swap3A_812, %swap3A_813], %swap3A_816 {strides = array<i32>} : memref<128x64xf32, #tpu.memory_space<vmem>>, vector<1x16xf32>,
        %add3A_817 = arith.constant 13 : i32
        %add3A_818 = arith.addi %mul3A_185, %add3A_817 : i32
        %slice3A_819 = vector.extract_strided_slice %mul3A_194 {offsets = [13], sizes = [1], strides = [1]} : vector<16xi32> to vector<1xi32>
        %squeeze3A_820 = vector.extract %slice3A_819[0] : i32 from vector<1xi32>
        %add3A_821 = arith.constant 0 : i32
        %add3A_822 = arith.addi %squeeze3A_820, %add3A_821 : i32
        %get3A_823 = arith.index_cast %add3A_818 : i32 to index
        %get3A_824 = arith.index_cast %add3A_822 : i32 to index
        %get3A_825 = tpu.vector_load %arg8[%get3A_823, %get3A_824] {strides = array<i32>} : memref<128x128xf32, #tpu.memory_space<vmem>>, vector<1x16xf32>,
        %get3A_826 = vector.shape_cast %get3A_825 : vector<1x16xf32> to vector<16xf32>
        %swap3A_827 = arith.index_cast %add3A_818 : i32 to index
        %swap3A_828 = arith.constant 0 : index
        %swap3A_829 = tpu.vector_load %arg10[%swap3A_827, %swap3A_828] {strides = array<i32>} : memref<128x64xf32, #tpu.memory_space<vmem>>, vector<1x16xf32>,
        %swap3A_830 = vector.shape_cast %swap3A_829 : vector<1x16xf32> to vector<16xf32>
        %swap3A_831 = vector.shape_cast %get3A_826 : vector<16xf32> to vector<1x16xf32>
        tpu.vector_store %arg10[%swap3A_827, %swap3A_828], %swap3A_831 {strides = array<i32>} : memref<128x64xf32, #tpu.memory_space<vmem>>, vector<1x16xf32>,
        %add3A_832 = arith.constant 16 : i32
        %add3A_833 = arith.addi %squeeze3A_820, %add3A_832 : i32
        %get3A_834 = arith.index_cast %add3A_818 : i32 to index
        %get3A_835 = arith.index_cast %add3A_833 : i32 to index
        %get3A_836 = tpu.vector_load %arg8[%get3A_834, %get3A_835] {strides = array<i32>} : memref<128x128xf32, #tpu.memory_space<vmem>>, vector<1x16xf32>,
        %get3A_837 = vector.shape_cast %get3A_836 : vector<1x16xf32> to vector<16xf32>
        %swap3A_838 = arith.index_cast %add3A_818 : i32 to index
        %swap3A_839 = arith.constant 16 : index
        %swap3A_840 = tpu.vector_load %arg10[%swap3A_838, %swap3A_839] {strides = array<i32>} : memref<128x64xf32, #tpu.memory_space<vmem>>, vector<1x16xf32>,
        %swap3A_841 = vector.shape_cast %swap3A_840 : vector<1x16xf32> to vector<16xf32>
        %swap3A_842 = vector.shape_cast %get3A_837 : vector<16xf32> to vector<1x16xf32>
        tpu.vector_store %arg10[%swap3A_838, %swap3A_839], %swap3A_842 {strides = array<i32>} : memref<128x64xf32, #tpu.memory_space<vmem>>, vector<1x16xf32>,
        %add3A_843 = arith.constant 32 : i32
        %add3A_844 = arith.addi %squeeze3A_820, %add3A_843 : i32
        %get3A_845 = arith.index_cast %add3A_818 : i32 to index
        %get3A_846 = arith.index_cast %add3A_844 : i32 to index
        %get3A_847 = tpu.vector_load %arg8[%get3A_845, %get3A_846] {strides = array<i32>} : memref<128x128xf32, #tpu.memory_space<vmem>>, vector<1x16xf32>,
        %get3A_848 = vector.shape_cast %get3A_847 : vector<1x16xf32> to vector<16xf32>
        %swap3A_849 = arith.index_cast %add3A_818 : i32 to index
        %swap3A_850 = arith.constant 32 : index
        %swap3A_851 = tpu.vector_load %arg10[%swap3A_849, %swap3A_850] {strides = array<i32>} : memref<128x64xf32, #tpu.memory_space<vmem>>, vector<1x16xf32>,
        %swap3A_852 = vector.shape_cast %swap3A_851 : vector<1x16xf32> to vector<16xf32>
        %swap3A_853 = vector.shape_cast %get3A_848 : vector<16xf32> to vector<1x16xf32>
        tpu.vector_store %arg10[%swap3A_849, %swap3A_850], %swap3A_853 {strides = array<i32>} : memref<128x64xf32, #tpu.memory_space<vmem>>, vector<1x16xf32>,
        %add3A_854 = arith.constant 48 : i32
        %add3A_855 = arith.addi %squeeze3A_820, %add3A_854 : i32
        %get3A_856 = arith.index_cast %add3A_818 : i32 to index
        %get3A_857 = arith.index_cast %add3A_855 : i32 to index
        %get3A_858 = tpu.vector_load %arg8[%get3A_856, %get3A_857] {strides = array<i32>} : memref<128x128xf32, #tpu.memory_space<vmem>>, vector<1x16xf32>,
        %get3A_859 = vector.shape_cast %get3A_858 : vector<1x16xf32> to vector<16xf32>
        %swap3A_860 = arith.index_cast %add3A_818 : i32 to index
        %swap3A_861 = arith.constant 48 : index
        %swap3A_862 = tpu.vector_load %arg10[%swap3A_860, %swap3A_861] {strides = array<i32>} : memref<128x64xf32, #tpu.memory_space<vmem>>, vector<1x16xf32>,
        %swap3A_863 = vector.shape_cast %swap3A_862 : vector<1x16xf32> to vector<16xf32>
        %swap3A_864 = vector.shape_cast %get3A_859 : vector<16xf32> to vector<1x16xf32>
        tpu.vector_store %arg10[%swap3A_860, %swap3A_861], %swap3A_864 {strides = array<i32>} : memref<128x64xf32, #tpu.memory_space<vmem>>, vector<1x16xf32>,
        %add3A_865 = arith.constant 14 : i32
        %add3A_866 = arith.addi %mul3A_185, %add3A_865 : i32
        %slice3A_867 = vector.extract_strided_slice %mul3A_194 {offsets = [14], sizes = [1], strides = [1]} : vector<16xi32> to vector<1xi32>
        %squeeze3A_868 = vector.extract %slice3A_867[0] : i32 from vector<1xi32>
        %add3A_869 = arith.constant 0 : i32
        %add3A_870 = arith.addi %squeeze3A_868, %add3A_869 : i32
        %get3A_871 = arith.index_cast %add3A_866 : i32 to index
        %get3A_872 = arith.index_cast %add3A_870 : i32 to index
        %get3A_873 = tpu.vector_load %arg8[%get3A_871, %get3A_872] {strides = array<i32>} : memref<128x128xf32, #tpu.memory_space<vmem>>, vector<1x16xf32>,
        %get3A_874 = vector.shape_cast %get3A_873 : vector<1x16xf32> to vector<16xf32>
        %swap3A_875 = arith.index_cast %add3A_866 : i32 to index
        %swap3A_876 = arith.constant 0 : index
        %swap3A_877 = tpu.vector_load %arg10[%swap3A_875, %swap3A_876] {strides = array<i32>} : memref<128x64xf32, #tpu.memory_space<vmem>>, vector<1x16xf32>,
        %swap3A_878 = vector.shape_cast %swap3A_877 : vector<1x16xf32> to vector<16xf32>
        %swap3A_879 = vector.shape_cast %get3A_874 : vector<16xf32> to vector<1x16xf32>
        tpu.vector_store %arg10[%swap3A_875, %swap3A_876], %swap3A_879 {strides = array<i32>} : memref<128x64xf32, #tpu.memory_space<vmem>>, vector<1x16xf32>,
        %add3A_880 = arith.constant 16 : i32
        %add3A_881 = arith.addi %squeeze3A_868, %add3A_880 : i32
        %get3A_882 = arith.index_cast %add3A_866 : i32 to index
        %get3A_883 = arith.index_cast %add3A_881 : i32 to index
        %get3A_884 = tpu.vector_load %arg8[%get3A_882, %get3A_883] {strides = array<i32>} : memref<128x128xf32, #tpu.memory_space<vmem>>, vector<1x16xf32>,
        %get3A_885 = vector.shape_cast %get3A_884 : vector<1x16xf32> to vector<16xf32>
        %swap3A_886 = arith.index_cast %add3A_866 : i32 to index
        %swap3A_887 = arith.constant 16 : index
        %swap3A_888 = tpu.vector_load %arg10[%swap3A_886, %swap3A_887] {strides = array<i32>} : memref<128x64xf32, #tpu.memory_space<vmem>>, vector<1x16xf32>,
        %swap3A_889 = vector.shape_cast %swap3A_888 : vector<1x16xf32> to vector<16xf32>
        %swap3A_890 = vector.shape_cast %get3A_885 : vector<16xf32> to vector<1x16xf32>
        tpu.vector_store %arg10[%swap3A_886, %swap3A_887], %swap3A_890 {strides = array<i32>} : memref<128x64xf32, #tpu.memory_space<vmem>>, vector<1x16xf32>,
        %add3A_891 = arith.constant 32 : i32
        %add3A_892 = arith.addi %squeeze3A_868, %add3A_891 : i32
        %get3A_893 = arith.index_cast %add3A_866 : i32 to index
        %get3A_894 = arith.index_cast %add3A_892 : i32 to index
        %get3A_895 = tpu.vector_load %arg8[%get3A_893, %get3A_894] {strides = array<i32>} : memref<128x128xf32, #tpu.memory_space<vmem>>, vector<1x16xf32>,
        %get3A_896 = vector.shape_cast %get3A_895 : vector<1x16xf32> to vector<16xf32>
        %swap3A_897 = arith.index_cast %add3A_866 : i32 to index
        %swap3A_898 = arith.constant 32 : index
        %swap3A_899 = tpu.vector_load %arg10[%swap3A_897, %swap3A_898] {strides = array<i32>} : memref<128x64xf32, #tpu.memory_space<vmem>>, vector<1x16xf32>,
        %swap3A_900 = vector.shape_cast %swap3A_899 : vector<1x16xf32> to vector<16xf32>
        %swap3A_901 = vector.shape_cast %get3A_896 : vector<16xf32> to vector<1x16xf32>
        tpu.vector_store %arg10[%swap3A_897, %swap3A_898], %swap3A_901 {strides = array<i32>} : memref<128x64xf32, #tpu.memory_space<vmem>>, vector<1x16xf32>,
        %add3A_902 = arith.constant 48 : i32
        %add3A_903 = arith.addi %squeeze3A_868, %add3A_902 : i32
        %get3A_904 = arith.index_cast %add3A_866 : i32 to index
        %get3A_905 = arith.index_cast %add3A_903 : i32 to index
        %get3A_906 = tpu.vector_load %arg8[%get3A_904, %get3A_905] {strides = array<i32>} : memref<128x128xf32, #tpu.memory_space<vmem>>, vector<1x16xf32>,
        %get3A_907 = vector.shape_cast %get3A_906 : vector<1x16xf32> to vector<16xf32>
        %swap3A_908 = arith.index_cast %add3A_866 : i32 to index
        %swap3A_909 = arith.constant 48 : index
        %swap3A_910 = tpu.vector_load %arg10[%swap3A_908, %swap3A_909] {strides = array<i32>} : memref<128x64xf32, #tpu.memory_space<vmem>>, vector<1x16xf32>,
        %swap3A_911 = vector.shape_cast %swap3A_910 : vector<1x16xf32> to vector<16xf32>
        %swap3A_912 = vector.shape_cast %get3A_907 : vector<16xf32> to vector<1x16xf32>
        tpu.vector_store %arg10[%swap3A_908, %swap3A_909], %swap3A_912 {strides = array<i32>} : memref<128x64xf32, #tpu.memory_space<vmem>>, vector<1x16xf32>,
        %add3A_913 = arith.constant 15 : i32
        %add3A_914 = arith.addi %mul3A_185, %add3A_913 : i32
        %slice3A_915 = vector.extract_strided_slice %mul3A_194 {offsets = [15], sizes = [1], strides = [1]} : vector<16xi32> to vector<1xi32>
        %squeeze3A_916 = vector.extract %slice3A_915[0] : i32 from vector<1xi32>
        %add3A_917 = arith.constant 0 : i32
        %add3A_918 = arith.addi %squeeze3A_916, %add3A_917 : i32
        %get3A_919 = arith.index_cast %add3A_914 : i32 to index
        %get3A_920 = arith.index_cast %add3A_918 : i32 to index
        %get3A_921 = tpu.vector_load %arg8[%get3A_919, %get3A_920] {strides = array<i32>} : memref<128x128xf32, #tpu.memory_space<vmem>>, vector<1x16xf32>,
        %get3A_922 = vector.shape_cast %get3A_921 : vector<1x16xf32> to vector<16xf32>
        %swap3A_923 = arith.index_cast %add3A_914 : i32 to index
        %swap3A_924 = arith.constant 0 : index
        %swap3A_925 = tpu.vector_load %arg10[%swap3A_923, %swap3A_924] {strides = array<i32>} : memref<128x64xf32, #tpu.memory_space<vmem>>, vector<1x16xf32>,
        %swap3A_926 = vector.shape_cast %swap3A_925 : vector<1x16xf32> to vector<16xf32>
        %swap3A_927 = vector.shape_cast %get3A_922 : vector<16xf32> to vector<1x16xf32>
        tpu.vector_store %arg10[%swap3A_923, %swap3A_924], %swap3A_927 {strides = array<i32>} : memref<128x64xf32, #tpu.memory_space<vmem>>, vector<1x16xf32>,
        %add3A_928 = arith.constant 16 : i32
        %add3A_929 = arith.addi %squeeze3A_916, %add3A_928 : i32
        %get3A_930 = arith.index_cast %add3A_914 : i32 to index
        %get3A_931 = arith.index_cast %add3A_929 : i32 to index
        %get3A_932 = tpu.vector_load %arg8[%get3A_930, %get3A_931] {strides = array<i32>} : memref<128x128xf32, #tpu.memory_space<vmem>>, vector<1x16xf32>,
        %get3A_933 = vector.shape_cast %get3A_932 : vector<1x16xf32> to vector<16xf32>
        %swap3A_934 = arith.index_cast %add3A_914 : i32 to index
        %swap3A_935 = arith.constant 16 : index
        %swap3A_936 = tpu.vector_load %arg10[%swap3A_934, %swap3A_935] {strides = array<i32>} : memref<128x64xf32, #tpu.memory_space<vmem>>, vector<1x16xf32>,
        %swap3A_937 = vector.shape_cast %swap3A_936 : vector<1x16xf32> to vector<16xf32>
        %swap3A_938 = vector.shape_cast %get3A_933 : vector<16xf32> to vector<1x16xf32>
        tpu.vector_store %arg10[%swap3A_934, %swap3A_935], %swap3A_938 {strides = array<i32>} : memref<128x64xf32, #tpu.memory_space<vmem>>, vector<1x16xf32>,
        %add3A_939 = arith.constant 32 : i32
        %add3A_940 = arith.addi %squeeze3A_916, %add3A_939 : i32
        %get3A_941 = arith.index_cast %add3A_914 : i32 to index
        %get3A_942 = arith.index_cast %add3A_940 : i32 to index
        %get3A_943 = tpu.vector_load %arg8[%get3A_941, %get3A_942] {strides = array<i32>} : memref<128x128xf32, #tpu.memory_space<vmem>>, vector<1x16xf32>,
        %get3A_944 = vector.shape_cast %get3A_943 : vector<1x16xf32> to vector<16xf32>
        %swap3A_945 = arith.index_cast %add3A_914 : i32 to index
        %swap3A_946 = arith.constant 32 : index
        %swap3A_947 = tpu.vector_load %arg10[%swap3A_945, %swap3A_946] {strides = array<i32>} : memref<128x64xf32, #tpu.memory_space<vmem>>, vector<1x16xf32>,
        %swap3A_948 = vector.shape_cast %swap3A_947 : vector<1x16xf32> to vector<16xf32>
        %swap3A_949 = vector.shape_cast %get3A_944 : vector<16xf32> to vector<1x16xf32>
        tpu.vector_store %arg10[%swap3A_945, %swap3A_946], %swap3A_949 {strides = array<i32>} : memref<128x64xf32, #tpu.memory_space<vmem>>, vector<1x16xf32>,
        %add3A_950 = arith.constant 48 : i32
        %add3A_951 = arith.addi %squeeze3A_916, %add3A_950 : i32
        %get3A_952 = arith.index_cast %add3A_914 : i32 to index
        %get3A_953 = arith.index_cast %add3A_951 : i32 to index
        %get3A_954 = tpu.vector_load %arg8[%get3A_952, %get3A_953] {strides = array<i32>} : memref<128x128xf32, #tpu.memory_space<vmem>>, vector<1x16xf32>,
        %get3A_955 = vector.shape_cast %get3A_954 : vector<1x16xf32> to vector<16xf32>
        %swap3A_956 = arith.index_cast %add3A_914 : i32 to index
        %swap3A_957 = arith.constant 48 : index
        %swap3A_958 = tpu.vector_load %arg10[%swap3A_956, %swap3A_957] {strides = array<i32>} : memref<128x64xf32, #tpu.memory_space<vmem>>, vector<1x16xf32>,
        %swap3A_959 = vector.shape_cast %swap3A_958 : vector<1x16xf32> to vector<16xf32>
        %swap3A_960 = vector.shape_cast %get3A_955 : vector<16xf32> to vector<1x16xf32>
        tpu.vector_store %arg10[%swap3A_956, %swap3A_957], %swap3A_960 {strides = array<i32>} : memref<128x64xf32, #tpu.memory_space<vmem>>, vector<1x16xf32>,
      }
      %scan3A_141 = arith.constant 8 : i32
      %mul3A_142 = arith.constant 200 : i32
      %mul3A_143 = arith.muli %add3A, %mul3A_142 : i32
      %add3A_144 = arith.addi %mul3A_143, %add3A_124 : i32
      %mul3A_145 = arith.constant 128 : i32
      %mul3A_146 = arith.muli %add3A_144, %mul3A_145 : i32
      %dma_start3A_147 = arith.constant 0 : i32
      %dma_start3A_148 = tpu.memref_slice %arg4[%mul3A_146, %dma_start3A_147] : memref<819200x64xf32, #tpu.memory_space<hbm>> -> memref<128x64xf32, #tpu.memory_space<hbm>>
      %dma_start3A_149 = arith.constant 0 : i32
      %dma_start3A_150 = tpu.memref_slice %arg4[%mul3A_146, %dma_start3A_149] : memref<819200x64xf32, #tpu.memory_space<hbm>> -> memref<128x64xf32, #tpu.memory_space<hbm>>
      tpu.enqueue_dma source(%arg10 : memref<128x64xf32, #tpu.memory_space<vmem>>) target(%dma_start3A_150 : memref<128x64xf32, #tpu.memory_space<hbm>>) target_semaphore(%arg14 : memref<!tpu.dma_semaphore, #tpu.memory_space<semaphore_mem>>)
      %add3A_151 = arith.constant 1 : i32
      %add3A_152 = arith.addi %mul3A_122, %add3A_151 : i32
      %add3A_153 = arith.constant 1 : i32
      %add3A_154 = arith.addi %add3A_152, %add3A_153 : i32
      %lt3A_155 = arith.constant 200 : i32
      %lt3A_156 = arith.cmpi slt, %add3A_154, %lt3A_155 : i32
      %convert_element_type3A_157 = arith.extui %lt3A_156 : i1 to i32
      %cond3A_158 = arith.constant 0 : i32
      %cond3A_159 = arith.cmpi ne, %convert_element_type3A_157, %cond3A_158 : i32
      scf.if %cond3A_159 {
        %add3A_183 = arith.constant 1 : i32
        %add3A_184 = arith.addi %add3A_152, %add3A_183 : i32
        %get3A_185 = arith.index_cast %add3A_184 : i32 to index
        %get3A_186 = arith.constant 0 : index
        %get3A_187 = tpu.vector_load %arg5[%get3A_185, %get3A_186] {strides = array<i32>} : memref<200x128xi32, #tpu.memory_space<vmem>>, vector<1x16xi32>,
        %get3A_188 = vector.shape_cast %get3A_187 : vector<1x16xi32> to vector<16xi32>
        %shift_right_arithmetic3A_189 = arith.constant 1 : i32
        %shift_right_arithmetic3A_190 = vector.broadcast %shift_right_arithmetic3A_189 : i32 to vector<16xi32>
        %shift_right_arithmetic3A_191 = arith.shrsi %get3A_188, %shift_right_arithmetic3A_190 : vector<16xi32>
        %swap3A_192 = arith.constant 0 : index
        %swap3A_193 = tpu.vector_load %arg6[%swap3A_192] {strides = array<i32>} : memref<128xi32, #tpu.memory_space<vmem>>, vector<16xi32>,
        %swap3A_194 = vector.shape_cast %swap3A_193 : vector<16xi32> to vector<16xi32>
        %swap3A_195 = vector.shape_cast %shift_right_arithmetic3A_191 : vector<16xi32> to vector<16xi32>
        tpu.vector_store %arg6[%swap3A_192], %swap3A_195 {strides = array<i32>} : memref<128xi32, #tpu.memory_space<vmem>>, vector<16xi32>,
        %get3A_196 = arith.index_cast %add3A_184 : i32 to index
        %get3A_197 = arith.constant 16 : index
        %get3A_198 = tpu.vector_load %arg5[%get3A_196, %get3A_197] {strides = array<i32>} : memref<200x128xi32, #tpu.memory_space<vmem>>, vector<1x16xi32>,
        %get3A_199 = vector.shape_cast %get3A_198 : vector<1x16xi32> to vector<16xi32>
        %shift_right_arithmetic3A_200 = arith.constant 1 : i32
        %shift_right_arithmetic3A_201 = vector.broadcast %shift_right_arithmetic3A_200 : i32 to vector<16xi32>
        %shift_right_arithmetic3A_202 = arith.shrsi %get3A_199, %shift_right_arithmetic3A_201 : vector<16xi32>
        %swap3A_203 = arith.constant 16 : index
        %swap3A_204 = tpu.vector_load %arg6[%swap3A_203] {strides = array<i32>} : memref<128xi32, #tpu.memory_space<vmem>>, vector<16xi32>,
        %swap3A_205 = vector.shape_cast %swap3A_204 : vector<16xi32> to vector<16xi32>
        %swap3A_206 = vector.shape_cast %shift_right_arithmetic3A_202 : vector<16xi32> to vector<16xi32>
        tpu.vector_store %arg6[%swap3A_203], %swap3A_206 {strides = array<i32>} : memref<128xi32, #tpu.memory_space<vmem>>, vector<16xi32>,
        %get3A_207 = arith.index_cast %add3A_184 : i32 to index
        %get3A_208 = arith.constant 32 : index
        %get3A_209 = tpu.vector_load %arg5[%get3A_207, %get3A_208] {strides = array<i32>} : memref<200x128xi32, #tpu.memory_space<vmem>>, vector<1x16xi32>,
        %get3A_210 = vector.shape_cast %get3A_209 : vector<1x16xi32> to vector<16xi32>
        %shift_right_arithmetic3A_211 = arith.constant 1 : i32
        %shift_right_arithmetic3A_212 = vector.broadcast %shift_right_arithmetic3A_211 : i32 to vector<16xi32>
        %shift_right_arithmetic3A_213 = arith.shrsi %get3A_210, %shift_right_arithmetic3A_212 : vector<16xi32>
        %swap3A_214 = arith.constant 32 : index
        %swap3A_215 = tpu.vector_load %arg6[%swap3A_214] {strides = array<i32>} : memref<128xi32, #tpu.memory_space<vmem>>, vector<16xi32>,
        %swap3A_216 = vector.shape_cast %swap3A_215 : vector<16xi32> to vector<16xi32>
        %swap3A_217 = vector.shape_cast %shift_right_arithmetic3A_213 : vector<16xi32> to vector<16xi32>
        tpu.vector_store %arg6[%swap3A_214], %swap3A_217 {strides = array<i32>} : memref<128xi32, #tpu.memory_space<vmem>>, vector<16xi32>,
        %get3A_218 = arith.index_cast %add3A_184 : i32 to index
        %get3A_219 = arith.constant 48 : index
        %get3A_220 = tpu.vector_load %arg5[%get3A_218, %get3A_219] {strides = array<i32>} : memref<200x128xi32, #tpu.memory_space<vmem>>, vector<1x16xi32>,
        %get3A_221 = vector.shape_cast %get3A_220 : vector<1x16xi32> to vector<16xi32>
        %shift_right_arithmetic3A_222 = arith.constant 1 : i32
        %shift_right_arithmetic3A_223 = vector.broadcast %shift_right_arithmetic3A_222 : i32 to vector<16xi32>
        %shift_right_arithmetic3A_224 = arith.shrsi %get3A_221, %shift_right_arithmetic3A_223 : vector<16xi32>
        %swap3A_225 = arith.constant 48 : index
        %swap3A_226 = tpu.vector_load %arg6[%swap3A_225] {strides = array<i32>} : memref<128xi32, #tpu.memory_space<vmem>>, vector<16xi32>,
        %swap3A_227 = vector.shape_cast %swap3A_226 : vector<16xi32> to vector<16xi32>
        %swap3A_228 = vector.shape_cast %shift_right_arithmetic3A_224 : vector<16xi32> to vector<16xi32>
        tpu.vector_store %arg6[%swap3A_225], %swap3A_228 {strides = array<i32>} : memref<128xi32, #tpu.memory_space<vmem>>, vector<16xi32>,
        %get3A_229 = arith.index_cast %add3A_184 : i32 to index
        %get3A_230 = arith.constant 64 : index
        %get3A_231 = tpu.vector_load %arg5[%get3A_229, %get3A_230] {strides = array<i32>} : memref<200x128xi32, #tpu.memory_space<vmem>>, vector<1x16xi32>,
        %get3A_232 = vector.shape_cast %get3A_231 : vector<1x16xi32> to vector<16xi32>
        %shift_right_arithmetic3A_233 = arith.constant 1 : i32
        %shift_right_arithmetic3A_234 = vector.broadcast %shift_right_arithmetic3A_233 : i32 to vector<16xi32>
        %shift_right_arithmetic3A_235 = arith.shrsi %get3A_232, %shift_right_arithmetic3A_234 : vector<16xi32>
        %swap3A_236 = arith.constant 64 : index
        %swap3A_237 = tpu.vector_load %arg6[%swap3A_236] {strides = array<i32>} : memref<128xi32, #tpu.memory_space<vmem>>, vector<16xi32>,
        %swap3A_238 = vector.shape_cast %swap3A_237 : vector<16xi32> to vector<16xi32>
        %swap3A_239 = vector.shape_cast %shift_right_arithmetic3A_235 : vector<16xi32> to vector<16xi32>
        tpu.vector_store %arg6[%swap3A_236], %swap3A_239 {strides = array<i32>} : memref<128xi32, #tpu.memory_space<vmem>>, vector<16xi32>,
        %get3A_240 = arith.index_cast %add3A_184 : i32 to index
        %get3A_241 = arith.constant 80 : index
        %get3A_242 = tpu.vector_load %arg5[%get3A_240, %get3A_241] {strides = array<i32>} : memref<200x128xi32, #tpu.memory_space<vmem>>, vector<1x16xi32>,
        %get3A_243 = vector.shape_cast %get3A_242 : vector<1x16xi32> to vector<16xi32>
        %shift_right_arithmetic3A_244 = arith.constant 1 : i32
        %shift_right_arithmetic3A_245 = vector.broadcast %shift_right_arithmetic3A_244 : i32 to vector<16xi32>
        %shift_right_arithmetic3A_246 = arith.shrsi %get3A_243, %shift_right_arithmetic3A_245 : vector<16xi32>
        %swap3A_247 = arith.constant 80 : index
        %swap3A_248 = tpu.vector_load %arg6[%swap3A_247] {strides = array<i32>} : memref<128xi32, #tpu.memory_space<vmem>>, vector<16xi32>,
        %swap3A_249 = vector.shape_cast %swap3A_248 : vector<16xi32> to vector<16xi32>
        %swap3A_250 = vector.shape_cast %shift_right_arithmetic3A_246 : vector<16xi32> to vector<16xi32>
        tpu.vector_store %arg6[%swap3A_247], %swap3A_250 {strides = array<i32>} : memref<128xi32, #tpu.memory_space<vmem>>, vector<16xi32>,
        %get3A_251 = arith.index_cast %add3A_184 : i32 to index
        %get3A_252 = arith.constant 96 : index
        %get3A_253 = tpu.vector_load %arg5[%get3A_251, %get3A_252] {strides = array<i32>} : memref<200x128xi32, #tpu.memory_space<vmem>>, vector<1x16xi32>,
        %get3A_254 = vector.shape_cast %get3A_253 : vector<1x16xi32> to vector<16xi32>
        %shift_right_arithmetic3A_255 = arith.constant 1 : i32
        %shift_right_arithmetic3A_256 = vector.broadcast %shift_right_arithmetic3A_255 : i32 to vector<16xi32>
        %shift_right_arithmetic3A_257 = arith.shrsi %get3A_254, %shift_right_arithmetic3A_256 : vector<16xi32>
        %swap3A_258 = arith.constant 96 : index
        %swap3A_259 = tpu.vector_load %arg6[%swap3A_258] {strides = array<i32>} : memref<128xi32, #tpu.memory_space<vmem>>, vector<16xi32>,
        %swap3A_260 = vector.shape_cast %swap3A_259 : vector<16xi32> to vector<16xi32>
        %swap3A_261 = vector.shape_cast %shift_right_arithmetic3A_257 : vector<16xi32> to vector<16xi32>
        tpu.vector_store %arg6[%swap3A_258], %swap3A_261 {strides = array<i32>} : memref<128xi32, #tpu.memory_space<vmem>>, vector<16xi32>,
        %get3A_262 = arith.index_cast %add3A_184 : i32 to index
        %get3A_263 = arith.constant 112 : index
        %get3A_264 = tpu.vector_load %arg5[%get3A_262, %get3A_263] {strides = array<i32>} : memref<200x128xi32, #tpu.memory_space<vmem>>, vector<1x16xi32>,
        %get3A_265 = vector.shape_cast %get3A_264 : vector<1x16xi32> to vector<16xi32>
        %shift_right_arithmetic3A_266 = arith.constant 1 : i32
        %shift_right_arithmetic3A_267 = vector.broadcast %shift_right_arithmetic3A_266 : i32 to vector<16xi32>
        %shift_right_arithmetic3A_268 = arith.shrsi %get3A_265, %shift_right_arithmetic3A_267 : vector<16xi32>
        %swap3A_269 = arith.constant 112 : index
        %swap3A_270 = tpu.vector_load %arg6[%swap3A_269] {strides = array<i32>} : memref<128xi32, #tpu.memory_space<vmem>>, vector<16xi32>,
        %swap3A_271 = vector.shape_cast %swap3A_270 : vector<16xi32> to vector<16xi32>
        %swap3A_272 = vector.shape_cast %shift_right_arithmetic3A_268 : vector<16xi32> to vector<16xi32>
        tpu.vector_store %arg6[%swap3A_269], %swap3A_272 {strides = array<i32>} : memref<128xi32, #tpu.memory_space<vmem>>, vector<16xi32>,
        %dma_start3A_273 = arith.constant 0 : i32
        %dma_start3A_274 = arith.constant 0 : i32
        %dma_start3A_275 = tpu.memref_slice %arg3[%dma_start3A_273, %dma_start3A_274] : memref<500000x128xf32, #tpu.memory_space<hbm>> -> memref<500000x128xf32, #tpu.memory_space<hbm>>
        tpu.enqueue_indirect_dma source(%dma_start3A_275 : memref<500000x128xf32, #tpu.memory_space<hbm>>) target(%arg8 : memref<128x128xf32, #tpu.memory_space<vmem>>) offsets(%arg6 : memref<128xi32, #tpu.memory_space<vmem>>) semaphore(%arg12 : memref<!tpu.dma_semaphore, #tpu.memory_space<semaphore_mem>>)
      } else {
      }
      %dma_wait3A_160 = arith.constant 0 : i32
      %dma_wait3A_161 = arith.constant 0 : i32
      %dma_wait3A_162 = tpu.memref_slice %arg3[%dma_wait3A_160, %dma_wait3A_161] : memref<500000x128xf32, #tpu.memory_space<hbm>> -> memref<500000x128xf32, #tpu.memory_space<hbm>>
      tpu.wait_indirect_dma semaphore(%arg13 : memref<!tpu.dma_semaphore, #tpu.memory_space<semaphore_mem>>) src(%dma_wait3A_162 : memref<500000x128xf32, #tpu.memory_space<hbm>>) dst(%arg9 : memref<128x128xf32, #tpu.memory_space<vmem>>)
      %ge3A_163 = arith.constant 2 : i32
      %ge3A_164 = arith.cmpi sge, %add3A_152, %ge3A_163 : i32
      %convert_element_type3A_165 = arith.extui %ge3A_164 : i1 to i32
      %cond3A_166 = arith.constant 0 : i32
      %cond3A_167 = arith.cmpi ne, %convert_element_type3A_165, %cond3A_166 : i32
      scf.if %cond3A_167 {
        %sub3A = arith.constant 2 : i32
        %sub3A_183 = arith.subi %add3A_152, %sub3A : i32
        %mul3A_184 = arith.constant 200 : i32
        %mul3A_185 = arith.muli %add3A, %mul3A_184 : i32
        %add3A_186 = arith.addi %mul3A_185, %sub3A_183 : i32
        %mul3A_187 = arith.constant 128 : i32
        %mul3A_188 = arith.muli %add3A_186, %mul3A_187 : i32
        %dma_wait3A_189 = arith.constant 0 : i32
        %dma_wait3A_190 = tpu.memref_slice %arg4[%mul3A_188, %dma_wait3A_189] : memref<819200x64xf32, #tpu.memory_space<hbm>> -> memref<128x64xf32, #tpu.memory_space<hbm>>
        %dma_wait3A_191 = arith.constant 0 : i32
        %dma_wait3A_192 = tpu.memref_slice %arg4[%mul3A_188, %dma_wait3A_191] : memref<819200x64xf32, #tpu.memory_space<hbm>> -> memref<128x64xf32, #tpu.memory_space<hbm>>
        tpu.wait_dma2 semaphore(%arg15 : memref<!tpu.dma_semaphore, #tpu.memory_space<semaphore_mem>>) src(%arg11 : memref<128x64xf32, #tpu.memory_space<vmem>>) dst(%dma_wait3A_192 : memref<128x64xf32, #tpu.memory_space<hbm>>)
      } else {
      }
      %scan3A_168 = arith.constant 0 : i32
      %scan3A_169 = arith.constant 0 : i32
      %scan3A_170 = arith.constant 8 : i32
      %scan3A_171 = arith.addi %scan3A_169, %scan3A_170 : i32
      %scan3A_172 = arith.constant 1 : i32
      scf.for %scan3A_183 = %scan3A_169 to %scan3A_171 step %scan3A_172  : i32 {
        %mul3A_184 = arith.constant 16 : i32
        %mul3A_185 = arith.muli %scan3A_183, %mul3A_184 : i32
        %get3A_186 = arith.index_cast %add3A_152 : i32 to index
        %get3A_187 = arith.index_cast %mul3A_185 : i32 to index
        %get3A_188 = tpu.vector_load %arg5[%get3A_186, %get3A_187] {strides = array<i32>} : memref<200x128xi32, #tpu.memory_space<vmem>>, vector<1x16xi32>,
        %get3A_189 = vector.shape_cast %get3A_188 : vector<1x16xi32> to vector<16xi32>
        %and3A = arith.constant 1 : i32
        %and3A_190 = vector.broadcast %and3A : i32 to vector<16xi32>
        %and3A_191 = arith.andi %get3A_189, %and3A_190 : vector<16xi32>
        %mul3A_192 = arith.constant 64 : i32
        %mul3A_193 = vector.broadcast %mul3A_192 : i32 to vector<16xi32>
        %mul3A_194 = arith.muli %and3A_191, %mul3A_193 : vector<16xi32>
        %add3A_195 = arith.constant 0 : i32
        %add3A_196 = arith.addi %mul3A_185, %add3A_195 : i32
        %slice3A = vector.extract_strided_slice %mul3A_194 {offsets = [0], sizes = [1], strides = [1]} : vector<16xi32> to vector<1xi32>
        %squeeze3A = vector.extract %slice3A[0] : i32 from vector<1xi32>
        %add3A_197 = arith.constant 0 : i32
        %add3A_198 = arith.addi %squeeze3A, %add3A_197 : i32
        %get3A_199 = arith.index_cast %add3A_196 : i32 to index
        %get3A_200 = arith.index_cast %add3A_198 : i32 to index
        %get3A_201 = tpu.vector_load %arg9[%get3A_199, %get3A_200] {strides = array<i32>} : memref<128x128xf32, #tpu.memory_space<vmem>>, vector<1x16xf32>,
        %get3A_202 = vector.shape_cast %get3A_201 : vector<1x16xf32> to vector<16xf32>
        %swap3A_203 = arith.index_cast %add3A_196 : i32 to index
        %swap3A_204 = arith.constant 0 : index
        %swap3A_205 = tpu.vector_load %arg11[%swap3A_203, %swap3A_204] {strides = array<i32>} : memref<128x64xf32, #tpu.memory_space<vmem>>, vector<1x16xf32>,
        %swap3A_206 = vector.shape_cast %swap3A_205 : vector<1x16xf32> to vector<16xf32>
        %swap3A_207 = vector.shape_cast %get3A_202 : vector<16xf32> to vector<1x16xf32>
        tpu.vector_store %arg11[%swap3A_203, %swap3A_204], %swap3A_207 {strides = array<i32>} : memref<128x64xf32, #tpu.memory_space<vmem>>, vector<1x16xf32>,
        %add3A_208 = arith.constant 16 : i32
        %add3A_209 = arith.addi %squeeze3A, %add3A_208 : i32
        %get3A_210 = arith.index_cast %add3A_196 : i32 to index
        %get3A_211 = arith.index_cast %add3A_209 : i32 to index
        %get3A_212 = tpu.vector_load %arg9[%get3A_210, %get3A_211] {strides = array<i32>} : memref<128x128xf32, #tpu.memory_space<vmem>>, vector<1x16xf32>,
        %get3A_213 = vector.shape_cast %get3A_212 : vector<1x16xf32> to vector<16xf32>
        %swap3A_214 = arith.index_cast %add3A_196 : i32 to index
        %swap3A_215 = arith.constant 16 : index
        %swap3A_216 = tpu.vector_load %arg11[%swap3A_214, %swap3A_215] {strides = array<i32>} : memref<128x64xf32, #tpu.memory_space<vmem>>, vector<1x16xf32>,
        %swap3A_217 = vector.shape_cast %swap3A_216 : vector<1x16xf32> to vector<16xf32>
        %swap3A_218 = vector.shape_cast %get3A_213 : vector<16xf32> to vector<1x16xf32>
        tpu.vector_store %arg11[%swap3A_214, %swap3A_215], %swap3A_218 {strides = array<i32>} : memref<128x64xf32, #tpu.memory_space<vmem>>, vector<1x16xf32>,
        %add3A_219 = arith.constant 32 : i32
        %add3A_220 = arith.addi %squeeze3A, %add3A_219 : i32
        %get3A_221 = arith.index_cast %add3A_196 : i32 to index
        %get3A_222 = arith.index_cast %add3A_220 : i32 to index
        %get3A_223 = tpu.vector_load %arg9[%get3A_221, %get3A_222] {strides = array<i32>} : memref<128x128xf32, #tpu.memory_space<vmem>>, vector<1x16xf32>,
        %get3A_224 = vector.shape_cast %get3A_223 : vector<1x16xf32> to vector<16xf32>
        %swap3A_225 = arith.index_cast %add3A_196 : i32 to index
        %swap3A_226 = arith.constant 32 : index
        %swap3A_227 = tpu.vector_load %arg11[%swap3A_225, %swap3A_226] {strides = array<i32>} : memref<128x64xf32, #tpu.memory_space<vmem>>, vector<1x16xf32>,
        %swap3A_228 = vector.shape_cast %swap3A_227 : vector<1x16xf32> to vector<16xf32>
        %swap3A_229 = vector.shape_cast %get3A_224 : vector<16xf32> to vector<1x16xf32>
        tpu.vector_store %arg11[%swap3A_225, %swap3A_226], %swap3A_229 {strides = array<i32>} : memref<128x64xf32, #tpu.memory_space<vmem>>, vector<1x16xf32>,
        %add3A_230 = arith.constant 48 : i32
        %add3A_231 = arith.addi %squeeze3A, %add3A_230 : i32
        %get3A_232 = arith.index_cast %add3A_196 : i32 to index
        %get3A_233 = arith.index_cast %add3A_231 : i32 to index
        %get3A_234 = tpu.vector_load %arg9[%get3A_232, %get3A_233] {strides = array<i32>} : memref<128x128xf32, #tpu.memory_space<vmem>>, vector<1x16xf32>,
        %get3A_235 = vector.shape_cast %get3A_234 : vector<1x16xf32> to vector<16xf32>
        %swap3A_236 = arith.index_cast %add3A_196 : i32 to index
        %swap3A_237 = arith.constant 48 : index
        %swap3A_238 = tpu.vector_load %arg11[%swap3A_236, %swap3A_237] {strides = array<i32>} : memref<128x64xf32, #tpu.memory_space<vmem>>, vector<1x16xf32>,
        %swap3A_239 = vector.shape_cast %swap3A_238 : vector<1x16xf32> to vector<16xf32>
        %swap3A_240 = vector.shape_cast %get3A_235 : vector<16xf32> to vector<1x16xf32>
        tpu.vector_store %arg11[%swap3A_236, %swap3A_237], %swap3A_240 {strides = array<i32>} : memref<128x64xf32, #tpu.memory_space<vmem>>, vector<1x16xf32>,
        %add3A_241 = arith.constant 1 : i32
        %add3A_242 = arith.addi %mul3A_185, %add3A_241 : i32
        %slice3A_243 = vector.extract_strided_slice %mul3A_194 {offsets = [1], sizes = [1], strides = [1]} : vector<16xi32> to vector<1xi32>
        %squeeze3A_244 = vector.extract %slice3A_243[0] : i32 from vector<1xi32>
        %add3A_245 = arith.constant 0 : i32
        %add3A_246 = arith.addi %squeeze3A_244, %add3A_245 : i32
        %get3A_247 = arith.index_cast %add3A_242 : i32 to index
        %get3A_248 = arith.index_cast %add3A_246 : i32 to index
        %get3A_249 = tpu.vector_load %arg9[%get3A_247, %get3A_248] {strides = array<i32>} : memref<128x128xf32, #tpu.memory_space<vmem>>, vector<1x16xf32>,
        %get3A_250 = vector.shape_cast %get3A_249 : vector<1x16xf32> to vector<16xf32>
        %swap3A_251 = arith.index_cast %add3A_242 : i32 to index
        %swap3A_252 = arith.constant 0 : index
        %swap3A_253 = tpu.vector_load %arg11[%swap3A_251, %swap3A_252] {strides = array<i32>} : memref<128x64xf32, #tpu.memory_space<vmem>>, vector<1x16xf32>,
        %swap3A_254 = vector.shape_cast %swap3A_253 : vector<1x16xf32> to vector<16xf32>
        %swap3A_255 = vector.shape_cast %get3A_250 : vector<16xf32> to vector<1x16xf32>
        tpu.vector_store %arg11[%swap3A_251, %swap3A_252], %swap3A_255 {strides = array<i32>} : memref<128x64xf32, #tpu.memory_space<vmem>>, vector<1x16xf32>,
        %add3A_256 = arith.constant 16 : i32
        %add3A_257 = arith.addi %squeeze3A_244, %add3A_256 : i32
        %get3A_258 = arith.index_cast %add3A_242 : i32 to index
        %get3A_259 = arith.index_cast %add3A_257 : i32 to index
        %get3A_260 = tpu.vector_load %arg9[%get3A_258, %get3A_259] {strides = array<i32>} : memref<128x128xf32, #tpu.memory_space<vmem>>, vector<1x16xf32>,
        %get3A_261 = vector.shape_cast %get3A_260 : vector<1x16xf32> to vector<16xf32>
        %swap3A_262 = arith.index_cast %add3A_242 : i32 to index
        %swap3A_263 = arith.constant 16 : index
        %swap3A_264 = tpu.vector_load %arg11[%swap3A_262, %swap3A_263] {strides = array<i32>} : memref<128x64xf32, #tpu.memory_space<vmem>>, vector<1x16xf32>,
        %swap3A_265 = vector.shape_cast %swap3A_264 : vector<1x16xf32> to vector<16xf32>
        %swap3A_266 = vector.shape_cast %get3A_261 : vector<16xf32> to vector<1x16xf32>
        tpu.vector_store %arg11[%swap3A_262, %swap3A_263], %swap3A_266 {strides = array<i32>} : memref<128x64xf32, #tpu.memory_space<vmem>>, vector<1x16xf32>,
        %add3A_267 = arith.constant 32 : i32
        %add3A_268 = arith.addi %squeeze3A_244, %add3A_267 : i32
        %get3A_269 = arith.index_cast %add3A_242 : i32 to index
        %get3A_270 = arith.index_cast %add3A_268 : i32 to index
        %get3A_271 = tpu.vector_load %arg9[%get3A_269, %get3A_270] {strides = array<i32>} : memref<128x128xf32, #tpu.memory_space<vmem>>, vector<1x16xf32>,
        %get3A_272 = vector.shape_cast %get3A_271 : vector<1x16xf32> to vector<16xf32>
        %swap3A_273 = arith.index_cast %add3A_242 : i32 to index
        %swap3A_274 = arith.constant 32 : index
        %swap3A_275 = tpu.vector_load %arg11[%swap3A_273, %swap3A_274] {strides = array<i32>} : memref<128x64xf32, #tpu.memory_space<vmem>>, vector<1x16xf32>,
        %swap3A_276 = vector.shape_cast %swap3A_275 : vector<1x16xf32> to vector<16xf32>
        %swap3A_277 = vector.shape_cast %get3A_272 : vector<16xf32> to vector<1x16xf32>
        tpu.vector_store %arg11[%swap3A_273, %swap3A_274], %swap3A_277 {strides = array<i32>} : memref<128x64xf32, #tpu.memory_space<vmem>>, vector<1x16xf32>,
        %add3A_278 = arith.constant 48 : i32
        %add3A_279 = arith.addi %squeeze3A_244, %add3A_278 : i32
        %get3A_280 = arith.index_cast %add3A_242 : i32 to index
        %get3A_281 = arith.index_cast %add3A_279 : i32 to index
        %get3A_282 = tpu.vector_load %arg9[%get3A_280, %get3A_281] {strides = array<i32>} : memref<128x128xf32, #tpu.memory_space<vmem>>, vector<1x16xf32>,
        %get3A_283 = vector.shape_cast %get3A_282 : vector<1x16xf32> to vector<16xf32>
        %swap3A_284 = arith.index_cast %add3A_242 : i32 to index
        %swap3A_285 = arith.constant 48 : index
        %swap3A_286 = tpu.vector_load %arg11[%swap3A_284, %swap3A_285] {strides = array<i32>} : memref<128x64xf32, #tpu.memory_space<vmem>>, vector<1x16xf32>,
        %swap3A_287 = vector.shape_cast %swap3A_286 : vector<1x16xf32> to vector<16xf32>
        %swap3A_288 = vector.shape_cast %get3A_283 : vector<16xf32> to vector<1x16xf32>
        tpu.vector_store %arg11[%swap3A_284, %swap3A_285], %swap3A_288 {strides = array<i32>} : memref<128x64xf32, #tpu.memory_space<vmem>>, vector<1x16xf32>,
        %add3A_289 = arith.constant 2 : i32
        %add3A_290 = arith.addi %mul3A_185, %add3A_289 : i32
        %slice3A_291 = vector.extract_strided_slice %mul3A_194 {offsets = [2], sizes = [1], strides = [1]} : vector<16xi32> to vector<1xi32>
        %squeeze3A_292 = vector.extract %slice3A_291[0] : i32 from vector<1xi32>
        %add3A_293 = arith.constant 0 : i32
        %add3A_294 = arith.addi %squeeze3A_292, %add3A_293 : i32
        %get3A_295 = arith.index_cast %add3A_290 : i32 to index
        %get3A_296 = arith.index_cast %add3A_294 : i32 to index
        %get3A_297 = tpu.vector_load %arg9[%get3A_295, %get3A_296] {strides = array<i32>} : memref<128x128xf32, #tpu.memory_space<vmem>>, vector<1x16xf32>,
        %get3A_298 = vector.shape_cast %get3A_297 : vector<1x16xf32> to vector<16xf32>
        %swap3A_299 = arith.index_cast %add3A_290 : i32 to index
        %swap3A_300 = arith.constant 0 : index
        %swap3A_301 = tpu.vector_load %arg11[%swap3A_299, %swap3A_300] {strides = array<i32>} : memref<128x64xf32, #tpu.memory_space<vmem>>, vector<1x16xf32>,
        %swap3A_302 = vector.shape_cast %swap3A_301 : vector<1x16xf32> to vector<16xf32>
        %swap3A_303 = vector.shape_cast %get3A_298 : vector<16xf32> to vector<1x16xf32>
        tpu.vector_store %arg11[%swap3A_299, %swap3A_300], %swap3A_303 {strides = array<i32>} : memref<128x64xf32, #tpu.memory_space<vmem>>, vector<1x16xf32>,
        %add3A_304 = arith.constant 16 : i32
        %add3A_305 = arith.addi %squeeze3A_292, %add3A_304 : i32
        %get3A_306 = arith.index_cast %add3A_290 : i32 to index
        %get3A_307 = arith.index_cast %add3A_305 : i32 to index
        %get3A_308 = tpu.vector_load %arg9[%get3A_306, %get3A_307] {strides = array<i32>} : memref<128x128xf32, #tpu.memory_space<vmem>>, vector<1x16xf32>,
        %get3A_309 = vector.shape_cast %get3A_308 : vector<1x16xf32> to vector<16xf32>
        %swap3A_310 = arith.index_cast %add3A_290 : i32 to index
        %swap3A_311 = arith.constant 16 : index
        %swap3A_312 = tpu.vector_load %arg11[%swap3A_310, %swap3A_311] {strides = array<i32>} : memref<128x64xf32, #tpu.memory_space<vmem>>, vector<1x16xf32>,
        %swap3A_313 = vector.shape_cast %swap3A_312 : vector<1x16xf32> to vector<16xf32>
        %swap3A_314 = vector.shape_cast %get3A_309 : vector<16xf32> to vector<1x16xf32>
        tpu.vector_store %arg11[%swap3A_310, %swap3A_311], %swap3A_314 {strides = array<i32>} : memref<128x64xf32, #tpu.memory_space<vmem>>, vector<1x16xf32>,
        %add3A_315 = arith.constant 32 : i32
        %add3A_316 = arith.addi %squeeze3A_292, %add3A_315 : i32
        %get3A_317 = arith.index_cast %add3A_290 : i32 to index
        %get3A_318 = arith.index_cast %add3A_316 : i32 to index
        %get3A_319 = tpu.vector_load %arg9[%get3A_317, %get3A_318] {strides = array<i32>} : memref<128x128xf32, #tpu.memory_space<vmem>>, vector<1x16xf32>,
        %get3A_320 = vector.shape_cast %get3A_319 : vector<1x16xf32> to vector<16xf32>
        %swap3A_321 = arith.index_cast %add3A_290 : i32 to index
        %swap3A_322 = arith.constant 32 : index
        %swap3A_323 = tpu.vector_load %arg11[%swap3A_321, %swap3A_322] {strides = array<i32>} : memref<128x64xf32, #tpu.memory_space<vmem>>, vector<1x16xf32>,
        %swap3A_324 = vector.shape_cast %swap3A_323 : vector<1x16xf32> to vector<16xf32>
        %swap3A_325 = vector.shape_cast %get3A_320 : vector<16xf32> to vector<1x16xf32>
        tpu.vector_store %arg11[%swap3A_321, %swap3A_322], %swap3A_325 {strides = array<i32>} : memref<128x64xf32, #tpu.memory_space<vmem>>, vector<1x16xf32>,
        %add3A_326 = arith.constant 48 : i32
        %add3A_327 = arith.addi %squeeze3A_292, %add3A_326 : i32
        %get3A_328 = arith.index_cast %add3A_290 : i32 to index
        %get3A_329 = arith.index_cast %add3A_327 : i32 to index
        %get3A_330 = tpu.vector_load %arg9[%get3A_328, %get3A_329] {strides = array<i32>} : memref<128x128xf32, #tpu.memory_space<vmem>>, vector<1x16xf32>,
        %get3A_331 = vector.shape_cast %get3A_330 : vector<1x16xf32> to vector<16xf32>
        %swap3A_332 = arith.index_cast %add3A_290 : i32 to index
        %swap3A_333 = arith.constant 48 : index
        %swap3A_334 = tpu.vector_load %arg11[%swap3A_332, %swap3A_333] {strides = array<i32>} : memref<128x64xf32, #tpu.memory_space<vmem>>, vector<1x16xf32>,
        %swap3A_335 = vector.shape_cast %swap3A_334 : vector<1x16xf32> to vector<16xf32>
        %swap3A_336 = vector.shape_cast %get3A_331 : vector<16xf32> to vector<1x16xf32>
        tpu.vector_store %arg11[%swap3A_332, %swap3A_333], %swap3A_336 {strides = array<i32>} : memref<128x64xf32, #tpu.memory_space<vmem>>, vector<1x16xf32>,
        %add3A_337 = arith.constant 3 : i32
        %add3A_338 = arith.addi %mul3A_185, %add3A_337 : i32
        %slice3A_339 = vector.extract_strided_slice %mul3A_194 {offsets = [3], sizes = [1], strides = [1]} : vector<16xi32> to vector<1xi32>
        %squeeze3A_340 = vector.extract %slice3A_339[0] : i32 from vector<1xi32>
        %add3A_341 = arith.constant 0 : i32
        %add3A_342 = arith.addi %squeeze3A_340, %add3A_341 : i32
        %get3A_343 = arith.index_cast %add3A_338 : i32 to index
        %get3A_344 = arith.index_cast %add3A_342 : i32 to index
        %get3A_345 = tpu.vector_load %arg9[%get3A_343, %get3A_344] {strides = array<i32>} : memref<128x128xf32, #tpu.memory_space<vmem>>, vector<1x16xf32>,
        %get3A_346 = vector.shape_cast %get3A_345 : vector<1x16xf32> to vector<16xf32>
        %swap3A_347 = arith.index_cast %add3A_338 : i32 to index
        %swap3A_348 = arith.constant 0 : index
        %swap3A_349 = tpu.vector_load %arg11[%swap3A_347, %swap3A_348] {strides = array<i32>} : memref<128x64xf32, #tpu.memory_space<vmem>>, vector<1x16xf32>,
        %swap3A_350 = vector.shape_cast %swap3A_349 : vector<1x16xf32> to vector<16xf32>
        %swap3A_351 = vector.shape_cast %get3A_346 : vector<16xf32> to vector<1x16xf32>
        tpu.vector_store %arg11[%swap3A_347, %swap3A_348], %swap3A_351 {strides = array<i32>} : memref<128x64xf32, #tpu.memory_space<vmem>>, vector<1x16xf32>,
        %add3A_352 = arith.constant 16 : i32
        %add3A_353 = arith.addi %squeeze3A_340, %add3A_352 : i32
        %get3A_354 = arith.index_cast %add3A_338 : i32 to index
        %get3A_355 = arith.index_cast %add3A_353 : i32 to index
        %get3A_356 = tpu.vector_load %arg9[%get3A_354, %get3A_355] {strides = array<i32>} : memref<128x128xf32, #tpu.memory_space<vmem>>, vector<1x16xf32>,
        %get3A_357 = vector.shape_cast %get3A_356 : vector<1x16xf32> to vector<16xf32>
        %swap3A_358 = arith.index_cast %add3A_338 : i32 to index
        %swap3A_359 = arith.constant 16 : index
        %swap3A_360 = tpu.vector_load %arg11[%swap3A_358, %swap3A_359] {strides = array<i32>} : memref<128x64xf32, #tpu.memory_space<vmem>>, vector<1x16xf32>,
        %swap3A_361 = vector.shape_cast %swap3A_360 : vector<1x16xf32> to vector<16xf32>
        %swap3A_362 = vector.shape_cast %get3A_357 : vector<16xf32> to vector<1x16xf32>
        tpu.vector_store %arg11[%swap3A_358, %swap3A_359], %swap3A_362 {strides = array<i32>} : memref<128x64xf32, #tpu.memory_space<vmem>>, vector<1x16xf32>,
        %add3A_363 = arith.constant 32 : i32
        %add3A_364 = arith.addi %squeeze3A_340, %add3A_363 : i32
        %get3A_365 = arith.index_cast %add3A_338 : i32 to index
        %get3A_366 = arith.index_cast %add3A_364 : i32 to index
        %get3A_367 = tpu.vector_load %arg9[%get3A_365, %get3A_366] {strides = array<i32>} : memref<128x128xf32, #tpu.memory_space<vmem>>, vector<1x16xf32>,
        %get3A_368 = vector.shape_cast %get3A_367 : vector<1x16xf32> to vector<16xf32>
        %swap3A_369 = arith.index_cast %add3A_338 : i32 to index
        %swap3A_370 = arith.constant 32 : index
        %swap3A_371 = tpu.vector_load %arg11[%swap3A_369, %swap3A_370] {strides = array<i32>} : memref<128x64xf32, #tpu.memory_space<vmem>>, vector<1x16xf32>,
        %swap3A_372 = vector.shape_cast %swap3A_371 : vector<1x16xf32> to vector<16xf32>
        %swap3A_373 = vector.shape_cast %get3A_368 : vector<16xf32> to vector<1x16xf32>
        tpu.vector_store %arg11[%swap3A_369, %swap3A_370], %swap3A_373 {strides = array<i32>} : memref<128x64xf32, #tpu.memory_space<vmem>>, vector<1x16xf32>,
        %add3A_374 = arith.constant 48 : i32
        %add3A_375 = arith.addi %squeeze3A_340, %add3A_374 : i32
        %get3A_376 = arith.index_cast %add3A_338 : i32 to index
        %get3A_377 = arith.index_cast %add3A_375 : i32 to index
        %get3A_378 = tpu.vector_load %arg9[%get3A_376, %get3A_377] {strides = array<i32>} : memref<128x128xf32, #tpu.memory_space<vmem>>, vector<1x16xf32>,
        %get3A_379 = vector.shape_cast %get3A_378 : vector<1x16xf32> to vector<16xf32>
        %swap3A_380 = arith.index_cast %add3A_338 : i32 to index
        %swap3A_381 = arith.constant 48 : index
        %swap3A_382 = tpu.vector_load %arg11[%swap3A_380, %swap3A_381] {strides = array<i32>} : memref<128x64xf32, #tpu.memory_space<vmem>>, vector<1x16xf32>,
        %swap3A_383 = vector.shape_cast %swap3A_382 : vector<1x16xf32> to vector<16xf32>
        %swap3A_384 = vector.shape_cast %get3A_379 : vector<16xf32> to vector<1x16xf32>
        tpu.vector_store %arg11[%swap3A_380, %swap3A_381], %swap3A_384 {strides = array<i32>} : memref<128x64xf32, #tpu.memory_space<vmem>>, vector<1x16xf32>,
        %add3A_385 = arith.constant 4 : i32
        %add3A_386 = arith.addi %mul3A_185, %add3A_385 : i32
        %slice3A_387 = vector.extract_strided_slice %mul3A_194 {offsets = [4], sizes = [1], strides = [1]} : vector<16xi32> to vector<1xi32>
        %squeeze3A_388 = vector.extract %slice3A_387[0] : i32 from vector<1xi32>
        %add3A_389 = arith.constant 0 : i32
        %add3A_390 = arith.addi %squeeze3A_388, %add3A_389 : i32
        %get3A_391 = arith.index_cast %add3A_386 : i32 to index
        %get3A_392 = arith.index_cast %add3A_390 : i32 to index
        %get3A_393 = tpu.vector_load %arg9[%get3A_391, %get3A_392] {strides = array<i32>} : memref<128x128xf32, #tpu.memory_space<vmem>>, vector<1x16xf32>,
        %get3A_394 = vector.shape_cast %get3A_393 : vector<1x16xf32> to vector<16xf32>
        %swap3A_395 = arith.index_cast %add3A_386 : i32 to index
        %swap3A_396 = arith.constant 0 : index
        %swap3A_397 = tpu.vector_load %arg11[%swap3A_395, %swap3A_396] {strides = array<i32>} : memref<128x64xf32, #tpu.memory_space<vmem>>, vector<1x16xf32>,
        %swap3A_398 = vector.shape_cast %swap3A_397 : vector<1x16xf32> to vector<16xf32>
        %swap3A_399 = vector.shape_cast %get3A_394 : vector<16xf32> to vector<1x16xf32>
        tpu.vector_store %arg11[%swap3A_395, %swap3A_396], %swap3A_399 {strides = array<i32>} : memref<128x64xf32, #tpu.memory_space<vmem>>, vector<1x16xf32>,
        %add3A_400 = arith.constant 16 : i32
        %add3A_401 = arith.addi %squeeze3A_388, %add3A_400 : i32
        %get3A_402 = arith.index_cast %add3A_386 : i32 to index
        %get3A_403 = arith.index_cast %add3A_401 : i32 to index
        %get3A_404 = tpu.vector_load %arg9[%get3A_402, %get3A_403] {strides = array<i32>} : memref<128x128xf32, #tpu.memory_space<vmem>>, vector<1x16xf32>,
        %get3A_405 = vector.shape_cast %get3A_404 : vector<1x16xf32> to vector<16xf32>
        %swap3A_406 = arith.index_cast %add3A_386 : i32 to index
        %swap3A_407 = arith.constant 16 : index
        %swap3A_408 = tpu.vector_load %arg11[%swap3A_406, %swap3A_407] {strides = array<i32>} : memref<128x64xf32, #tpu.memory_space<vmem>>, vector<1x16xf32>,
        %swap3A_409 = vector.shape_cast %swap3A_408 : vector<1x16xf32> to vector<16xf32>
        %swap3A_410 = vector.shape_cast %get3A_405 : vector<16xf32> to vector<1x16xf32>
        tpu.vector_store %arg11[%swap3A_406, %swap3A_407], %swap3A_410 {strides = array<i32>} : memref<128x64xf32, #tpu.memory_space<vmem>>, vector<1x16xf32>,
        %add3A_411 = arith.constant 32 : i32
        %add3A_412 = arith.addi %squeeze3A_388, %add3A_411 : i32
        %get3A_413 = arith.index_cast %add3A_386 : i32 to index
        %get3A_414 = arith.index_cast %add3A_412 : i32 to index
        %get3A_415 = tpu.vector_load %arg9[%get3A_413, %get3A_414] {strides = array<i32>} : memref<128x128xf32, #tpu.memory_space<vmem>>, vector<1x16xf32>,
        %get3A_416 = vector.shape_cast %get3A_415 : vector<1x16xf32> to vector<16xf32>
        %swap3A_417 = arith.index_cast %add3A_386 : i32 to index
        %swap3A_418 = arith.constant 32 : index
        %swap3A_419 = tpu.vector_load %arg11[%swap3A_417, %swap3A_418] {strides = array<i32>} : memref<128x64xf32, #tpu.memory_space<vmem>>, vector<1x16xf32>,
        %swap3A_420 = vector.shape_cast %swap3A_419 : vector<1x16xf32> to vector<16xf32>
        %swap3A_421 = vector.shape_cast %get3A_416 : vector<16xf32> to vector<1x16xf32>
        tpu.vector_store %arg11[%swap3A_417, %swap3A_418], %swap3A_421 {strides = array<i32>} : memref<128x64xf32, #tpu.memory_space<vmem>>, vector<1x16xf32>,
        %add3A_422 = arith.constant 48 : i32
        %add3A_423 = arith.addi %squeeze3A_388, %add3A_422 : i32
        %get3A_424 = arith.index_cast %add3A_386 : i32 to index
        %get3A_425 = arith.index_cast %add3A_423 : i32 to index
        %get3A_426 = tpu.vector_load %arg9[%get3A_424, %get3A_425] {strides = array<i32>} : memref<128x128xf32, #tpu.memory_space<vmem>>, vector<1x16xf32>,
        %get3A_427 = vector.shape_cast %get3A_426 : vector<1x16xf32> to vector<16xf32>
        %swap3A_428 = arith.index_cast %add3A_386 : i32 to index
        %swap3A_429 = arith.constant 48 : index
        %swap3A_430 = tpu.vector_load %arg11[%swap3A_428, %swap3A_429] {strides = array<i32>} : memref<128x64xf32, #tpu.memory_space<vmem>>, vector<1x16xf32>,
        %swap3A_431 = vector.shape_cast %swap3A_430 : vector<1x16xf32> to vector<16xf32>
        %swap3A_432 = vector.shape_cast %get3A_427 : vector<16xf32> to vector<1x16xf32>
        tpu.vector_store %arg11[%swap3A_428, %swap3A_429], %swap3A_432 {strides = array<i32>} : memref<128x64xf32, #tpu.memory_space<vmem>>, vector<1x16xf32>,
        %add3A_433 = arith.constant 5 : i32
        %add3A_434 = arith.addi %mul3A_185, %add3A_433 : i32
        %slice3A_435 = vector.extract_strided_slice %mul3A_194 {offsets = [5], sizes = [1], strides = [1]} : vector<16xi32> to vector<1xi32>
        %squeeze3A_436 = vector.extract %slice3A_435[0] : i32 from vector<1xi32>
        %add3A_437 = arith.constant 0 : i32
        %add3A_438 = arith.addi %squeeze3A_436, %add3A_437 : i32
        %get3A_439 = arith.index_cast %add3A_434 : i32 to index
        %get3A_440 = arith.index_cast %add3A_438 : i32 to index
        %get3A_441 = tpu.vector_load %arg9[%get3A_439, %get3A_440] {strides = array<i32>} : memref<128x128xf32, #tpu.memory_space<vmem>>, vector<1x16xf32>,
        %get3A_442 = vector.shape_cast %get3A_441 : vector<1x16xf32> to vector<16xf32>
        %swap3A_443 = arith.index_cast %add3A_434 : i32 to index
        %swap3A_444 = arith.constant 0 : index
        %swap3A_445 = tpu.vector_load %arg11[%swap3A_443, %swap3A_444] {strides = array<i32>} : memref<128x64xf32, #tpu.memory_space<vmem>>, vector<1x16xf32>,
        %swap3A_446 = vector.shape_cast %swap3A_445 : vector<1x16xf32> to vector<16xf32>
        %swap3A_447 = vector.shape_cast %get3A_442 : vector<16xf32> to vector<1x16xf32>
        tpu.vector_store %arg11[%swap3A_443, %swap3A_444], %swap3A_447 {strides = array<i32>} : memref<128x64xf32, #tpu.memory_space<vmem>>, vector<1x16xf32>,
        %add3A_448 = arith.constant 16 : i32
        %add3A_449 = arith.addi %squeeze3A_436, %add3A_448 : i32
        %get3A_450 = arith.index_cast %add3A_434 : i32 to index
        %get3A_451 = arith.index_cast %add3A_449 : i32 to index
        %get3A_452 = tpu.vector_load %arg9[%get3A_450, %get3A_451] {strides = array<i32>} : memref<128x128xf32, #tpu.memory_space<vmem>>, vector<1x16xf32>,
        %get3A_453 = vector.shape_cast %get3A_452 : vector<1x16xf32> to vector<16xf32>
        %swap3A_454 = arith.index_cast %add3A_434 : i32 to index
        %swap3A_455 = arith.constant 16 : index
        %swap3A_456 = tpu.vector_load %arg11[%swap3A_454, %swap3A_455] {strides = array<i32>} : memref<128x64xf32, #tpu.memory_space<vmem>>, vector<1x16xf32>,
        %swap3A_457 = vector.shape_cast %swap3A_456 : vector<1x16xf32> to vector<16xf32>
        %swap3A_458 = vector.shape_cast %get3A_453 : vector<16xf32> to vector<1x16xf32>
        tpu.vector_store %arg11[%swap3A_454, %swap3A_455], %swap3A_458 {strides = array<i32>} : memref<128x64xf32, #tpu.memory_space<vmem>>, vector<1x16xf32>,
        %add3A_459 = arith.constant 32 : i32
        %add3A_460 = arith.addi %squeeze3A_436, %add3A_459 : i32
        %get3A_461 = arith.index_cast %add3A_434 : i32 to index
        %get3A_462 = arith.index_cast %add3A_460 : i32 to index
        %get3A_463 = tpu.vector_load %arg9[%get3A_461, %get3A_462] {strides = array<i32>} : memref<128x128xf32, #tpu.memory_space<vmem>>, vector<1x16xf32>,
        %get3A_464 = vector.shape_cast %get3A_463 : vector<1x16xf32> to vector<16xf32>
        %swap3A_465 = arith.index_cast %add3A_434 : i32 to index
        %swap3A_466 = arith.constant 32 : index
        %swap3A_467 = tpu.vector_load %arg11[%swap3A_465, %swap3A_466] {strides = array<i32>} : memref<128x64xf32, #tpu.memory_space<vmem>>, vector<1x16xf32>,
        %swap3A_468 = vector.shape_cast %swap3A_467 : vector<1x16xf32> to vector<16xf32>
        %swap3A_469 = vector.shape_cast %get3A_464 : vector<16xf32> to vector<1x16xf32>
        tpu.vector_store %arg11[%swap3A_465, %swap3A_466], %swap3A_469 {strides = array<i32>} : memref<128x64xf32, #tpu.memory_space<vmem>>, vector<1x16xf32>,
        %add3A_470 = arith.constant 48 : i32
        %add3A_471 = arith.addi %squeeze3A_436, %add3A_470 : i32
        %get3A_472 = arith.index_cast %add3A_434 : i32 to index
        %get3A_473 = arith.index_cast %add3A_471 : i32 to index
        %get3A_474 = tpu.vector_load %arg9[%get3A_472, %get3A_473] {strides = array<i32>} : memref<128x128xf32, #tpu.memory_space<vmem>>, vector<1x16xf32>,
        %get3A_475 = vector.shape_cast %get3A_474 : vector<1x16xf32> to vector<16xf32>
        %swap3A_476 = arith.index_cast %add3A_434 : i32 to index
        %swap3A_477 = arith.constant 48 : index
        %swap3A_478 = tpu.vector_load %arg11[%swap3A_476, %swap3A_477] {strides = array<i32>} : memref<128x64xf32, #tpu.memory_space<vmem>>, vector<1x16xf32>,
        %swap3A_479 = vector.shape_cast %swap3A_478 : vector<1x16xf32> to vector<16xf32>
        %swap3A_480 = vector.shape_cast %get3A_475 : vector<16xf32> to vector<1x16xf32>
        tpu.vector_store %arg11[%swap3A_476, %swap3A_477], %swap3A_480 {strides = array<i32>} : memref<128x64xf32, #tpu.memory_space<vmem>>, vector<1x16xf32>,
        %add3A_481 = arith.constant 6 : i32
        %add3A_482 = arith.addi %mul3A_185, %add3A_481 : i32
        %slice3A_483 = vector.extract_strided_slice %mul3A_194 {offsets = [6], sizes = [1], strides = [1]} : vector<16xi32> to vector<1xi32>
        %squeeze3A_484 = vector.extract %slice3A_483[0] : i32 from vector<1xi32>
        %add3A_485 = arith.constant 0 : i32
        %add3A_486 = arith.addi %squeeze3A_484, %add3A_485 : i32
        %get3A_487 = arith.index_cast %add3A_482 : i32 to index
        %get3A_488 = arith.index_cast %add3A_486 : i32 to index
        %get3A_489 = tpu.vector_load %arg9[%get3A_487, %get3A_488] {strides = array<i32>} : memref<128x128xf32, #tpu.memory_space<vmem>>, vector<1x16xf32>,
        %get3A_490 = vector.shape_cast %get3A_489 : vector<1x16xf32> to vector<16xf32>
        %swap3A_491 = arith.index_cast %add3A_482 : i32 to index
        %swap3A_492 = arith.constant 0 : index
        %swap3A_493 = tpu.vector_load %arg11[%swap3A_491, %swap3A_492] {strides = array<i32>} : memref<128x64xf32, #tpu.memory_space<vmem>>, vector<1x16xf32>,
        %swap3A_494 = vector.shape_cast %swap3A_493 : vector<1x16xf32> to vector<16xf32>
        %swap3A_495 = vector.shape_cast %get3A_490 : vector<16xf32> to vector<1x16xf32>
        tpu.vector_store %arg11[%swap3A_491, %swap3A_492], %swap3A_495 {strides = array<i32>} : memref<128x64xf32, #tpu.memory_space<vmem>>, vector<1x16xf32>,
        %add3A_496 = arith.constant 16 : i32
        %add3A_497 = arith.addi %squeeze3A_484, %add3A_496 : i32
        %get3A_498 = arith.index_cast %add3A_482 : i32 to index
        %get3A_499 = arith.index_cast %add3A_497 : i32 to index
        %get3A_500 = tpu.vector_load %arg9[%get3A_498, %get3A_499] {strides = array<i32>} : memref<128x128xf32, #tpu.memory_space<vmem>>, vector<1x16xf32>,
        %get3A_501 = vector.shape_cast %get3A_500 : vector<1x16xf32> to vector<16xf32>
        %swap3A_502 = arith.index_cast %add3A_482 : i32 to index
        %swap3A_503 = arith.constant 16 : index
        %swap3A_504 = tpu.vector_load %arg11[%swap3A_502, %swap3A_503] {strides = array<i32>} : memref<128x64xf32, #tpu.memory_space<vmem>>, vector<1x16xf32>,
        %swap3A_505 = vector.shape_cast %swap3A_504 : vector<1x16xf32> to vector<16xf32>
        %swap3A_506 = vector.shape_cast %get3A_501 : vector<16xf32> to vector<1x16xf32>
        tpu.vector_store %arg11[%swap3A_502, %swap3A_503], %swap3A_506 {strides = array<i32>} : memref<128x64xf32, #tpu.memory_space<vmem>>, vector<1x16xf32>,
        %add3A_507 = arith.constant 32 : i32
        %add3A_508 = arith.addi %squeeze3A_484, %add3A_507 : i32
        %get3A_509 = arith.index_cast %add3A_482 : i32 to index
        %get3A_510 = arith.index_cast %add3A_508 : i32 to index
        %get3A_511 = tpu.vector_load %arg9[%get3A_509, %get3A_510] {strides = array<i32>} : memref<128x128xf32, #tpu.memory_space<vmem>>, vector<1x16xf32>,
        %get3A_512 = vector.shape_cast %get3A_511 : vector<1x16xf32> to vector<16xf32>
        %swap3A_513 = arith.index_cast %add3A_482 : i32 to index
        %swap3A_514 = arith.constant 32 : index
        %swap3A_515 = tpu.vector_load %arg11[%swap3A_513, %swap3A_514] {strides = array<i32>} : memref<128x64xf32, #tpu.memory_space<vmem>>, vector<1x16xf32>,
        %swap3A_516 = vector.shape_cast %swap3A_515 : vector<1x16xf32> to vector<16xf32>
        %swap3A_517 = vector.shape_cast %get3A_512 : vector<16xf32> to vector<1x16xf32>
        tpu.vector_store %arg11[%swap3A_513, %swap3A_514], %swap3A_517 {strides = array<i32>} : memref<128x64xf32, #tpu.memory_space<vmem>>, vector<1x16xf32>,
        %add3A_518 = arith.constant 48 : i32
        %add3A_519 = arith.addi %squeeze3A_484, %add3A_518 : i32
        %get3A_520 = arith.index_cast %add3A_482 : i32 to index
        %get3A_521 = arith.index_cast %add3A_519 : i32 to index
        %get3A_522 = tpu.vector_load %arg9[%get3A_520, %get3A_521] {strides = array<i32>} : memref<128x128xf32, #tpu.memory_space<vmem>>, vector<1x16xf32>,
        %get3A_523 = vector.shape_cast %get3A_522 : vector<1x16xf32> to vector<16xf32>
        %swap3A_524 = arith.index_cast %add3A_482 : i32 to index
        %swap3A_525 = arith.constant 48 : index
        %swap3A_526 = tpu.vector_load %arg11[%swap3A_524, %swap3A_525] {strides = array<i32>} : memref<128x64xf32, #tpu.memory_space<vmem>>, vector<1x16xf32>,
        %swap3A_527 = vector.shape_cast %swap3A_526 : vector<1x16xf32> to vector<16xf32>
        %swap3A_528 = vector.shape_cast %get3A_523 : vector<16xf32> to vector<1x16xf32>
        tpu.vector_store %arg11[%swap3A_524, %swap3A_525], %swap3A_528 {strides = array<i32>} : memref<128x64xf32, #tpu.memory_space<vmem>>, vector<1x16xf32>,
        %add3A_529 = arith.constant 7 : i32
        %add3A_530 = arith.addi %mul3A_185, %add3A_529 : i32
        %slice3A_531 = vector.extract_strided_slice %mul3A_194 {offsets = [7], sizes = [1], strides = [1]} : vector<16xi32> to vector<1xi32>
        %squeeze3A_532 = vector.extract %slice3A_531[0] : i32 from vector<1xi32>
        %add3A_533 = arith.constant 0 : i32
        %add3A_534 = arith.addi %squeeze3A_532, %add3A_533 : i32
        %get3A_535 = arith.index_cast %add3A_530 : i32 to index
        %get3A_536 = arith.index_cast %add3A_534 : i32 to index
        %get3A_537 = tpu.vector_load %arg9[%get3A_535, %get3A_536] {strides = array<i32>} : memref<128x128xf32, #tpu.memory_space<vmem>>, vector<1x16xf32>,
        %get3A_538 = vector.shape_cast %get3A_537 : vector<1x16xf32> to vector<16xf32>
        %swap3A_539 = arith.index_cast %add3A_530 : i32 to index
        %swap3A_540 = arith.constant 0 : index
        %swap3A_541 = tpu.vector_load %arg11[%swap3A_539, %swap3A_540] {strides = array<i32>} : memref<128x64xf32, #tpu.memory_space<vmem>>, vector<1x16xf32>,
        %swap3A_542 = vector.shape_cast %swap3A_541 : vector<1x16xf32> to vector<16xf32>
        %swap3A_543 = vector.shape_cast %get3A_538 : vector<16xf32> to vector<1x16xf32>
        tpu.vector_store %arg11[%swap3A_539, %swap3A_540], %swap3A_543 {strides = array<i32>} : memref<128x64xf32, #tpu.memory_space<vmem>>, vector<1x16xf32>,
        %add3A_544 = arith.constant 16 : i32
        %add3A_545 = arith.addi %squeeze3A_532, %add3A_544 : i32
        %get3A_546 = arith.index_cast %add3A_530 : i32 to index
        %get3A_547 = arith.index_cast %add3A_545 : i32 to index
        %get3A_548 = tpu.vector_load %arg9[%get3A_546, %get3A_547] {strides = array<i32>} : memref<128x128xf32, #tpu.memory_space<vmem>>, vector<1x16xf32>,
        %get3A_549 = vector.shape_cast %get3A_548 : vector<1x16xf32> to vector<16xf32>
        %swap3A_550 = arith.index_cast %add3A_530 : i32 to index
        %swap3A_551 = arith.constant 16 : index
        %swap3A_552 = tpu.vector_load %arg11[%swap3A_550, %swap3A_551] {strides = array<i32>} : memref<128x64xf32, #tpu.memory_space<vmem>>, vector<1x16xf32>,
        %swap3A_553 = vector.shape_cast %swap3A_552 : vector<1x16xf32> to vector<16xf32>
        %swap3A_554 = vector.shape_cast %get3A_549 : vector<16xf32> to vector<1x16xf32>
        tpu.vector_store %arg11[%swap3A_550, %swap3A_551], %swap3A_554 {strides = array<i32>} : memref<128x64xf32, #tpu.memory_space<vmem>>, vector<1x16xf32>,
        %add3A_555 = arith.constant 32 : i32
        %add3A_556 = arith.addi %squeeze3A_532, %add3A_555 : i32
        %get3A_557 = arith.index_cast %add3A_530 : i32 to index
        %get3A_558 = arith.index_cast %add3A_556 : i32 to index
        %get3A_559 = tpu.vector_load %arg9[%get3A_557, %get3A_558] {strides = array<i32>} : memref<128x128xf32, #tpu.memory_space<vmem>>, vector<1x16xf32>,
        %get3A_560 = vector.shape_cast %get3A_559 : vector<1x16xf32> to vector<16xf32>
        %swap3A_561 = arith.index_cast %add3A_530 : i32 to index
        %swap3A_562 = arith.constant 32 : index
        %swap3A_563 = tpu.vector_load %arg11[%swap3A_561, %swap3A_562] {strides = array<i32>} : memref<128x64xf32, #tpu.memory_space<vmem>>, vector<1x16xf32>,
        %swap3A_564 = vector.shape_cast %swap3A_563 : vector<1x16xf32> to vector<16xf32>
        %swap3A_565 = vector.shape_cast %get3A_560 : vector<16xf32> to vector<1x16xf32>
        tpu.vector_store %arg11[%swap3A_561, %swap3A_562], %swap3A_565 {strides = array<i32>} : memref<128x64xf32, #tpu.memory_space<vmem>>, vector<1x16xf32>,
        %add3A_566 = arith.constant 48 : i32
        %add3A_567 = arith.addi %squeeze3A_532, %add3A_566 : i32
        %get3A_568 = arith.index_cast %add3A_530 : i32 to index
        %get3A_569 = arith.index_cast %add3A_567 : i32 to index
        %get3A_570 = tpu.vector_load %arg9[%get3A_568, %get3A_569] {strides = array<i32>} : memref<128x128xf32, #tpu.memory_space<vmem>>, vector<1x16xf32>,
        %get3A_571 = vector.shape_cast %get3A_570 : vector<1x16xf32> to vector<16xf32>
        %swap3A_572 = arith.index_cast %add3A_530 : i32 to index
        %swap3A_573 = arith.constant 48 : index
        %swap3A_574 = tpu.vector_load %arg11[%swap3A_572, %swap3A_573] {strides = array<i32>} : memref<128x64xf32, #tpu.memory_space<vmem>>, vector<1x16xf32>,
        %swap3A_575 = vector.shape_cast %swap3A_574 : vector<1x16xf32> to vector<16xf32>
        %swap3A_576 = vector.shape_cast %get3A_571 : vector<16xf32> to vector<1x16xf32>
        tpu.vector_store %arg11[%swap3A_572, %swap3A_573], %swap3A_576 {strides = array<i32>} : memref<128x64xf32, #tpu.memory_space<vmem>>, vector<1x16xf32>,
        %add3A_577 = arith.constant 8 : i32
        %add3A_578 = arith.addi %mul3A_185, %add3A_577 : i32
        %slice3A_579 = vector.extract_strided_slice %mul3A_194 {offsets = [8], sizes = [1], strides = [1]} : vector<16xi32> to vector<1xi32>
        %squeeze3A_580 = vector.extract %slice3A_579[0] : i32 from vector<1xi32>
        %add3A_581 = arith.constant 0 : i32
        %add3A_582 = arith.addi %squeeze3A_580, %add3A_581 : i32
        %get3A_583 = arith.index_cast %add3A_578 : i32 to index
        %get3A_584 = arith.index_cast %add3A_582 : i32 to index
        %get3A_585 = tpu.vector_load %arg9[%get3A_583, %get3A_584] {strides = array<i32>} : memref<128x128xf32, #tpu.memory_space<vmem>>, vector<1x16xf32>,
        %get3A_586 = vector.shape_cast %get3A_585 : vector<1x16xf32> to vector<16xf32>
        %swap3A_587 = arith.index_cast %add3A_578 : i32 to index
        %swap3A_588 = arith.constant 0 : index
        %swap3A_589 = tpu.vector_load %arg11[%swap3A_587, %swap3A_588] {strides = array<i32>} : memref<128x64xf32, #tpu.memory_space<vmem>>, vector<1x16xf32>,
        %swap3A_590 = vector.shape_cast %swap3A_589 : vector<1x16xf32> to vector<16xf32>
        %swap3A_591 = vector.shape_cast %get3A_586 : vector<16xf32> to vector<1x16xf32>
        tpu.vector_store %arg11[%swap3A_587, %swap3A_588], %swap3A_591 {strides = array<i32>} : memref<128x64xf32, #tpu.memory_space<vmem>>, vector<1x16xf32>,
        %add3A_592 = arith.constant 16 : i32
        %add3A_593 = arith.addi %squeeze3A_580, %add3A_592 : i32
        %get3A_594 = arith.index_cast %add3A_578 : i32 to index
        %get3A_595 = arith.index_cast %add3A_593 : i32 to index
        %get3A_596 = tpu.vector_load %arg9[%get3A_594, %get3A_595] {strides = array<i32>} : memref<128x128xf32, #tpu.memory_space<vmem>>, vector<1x16xf32>,
        %get3A_597 = vector.shape_cast %get3A_596 : vector<1x16xf32> to vector<16xf32>
        %swap3A_598 = arith.index_cast %add3A_578 : i32 to index
        %swap3A_599 = arith.constant 16 : index
        %swap3A_600 = tpu.vector_load %arg11[%swap3A_598, %swap3A_599] {strides = array<i32>} : memref<128x64xf32, #tpu.memory_space<vmem>>, vector<1x16xf32>,
        %swap3A_601 = vector.shape_cast %swap3A_600 : vector<1x16xf32> to vector<16xf32>
        %swap3A_602 = vector.shape_cast %get3A_597 : vector<16xf32> to vector<1x16xf32>
        tpu.vector_store %arg11[%swap3A_598, %swap3A_599], %swap3A_602 {strides = array<i32>} : memref<128x64xf32, #tpu.memory_space<vmem>>, vector<1x16xf32>,
        %add3A_603 = arith.constant 32 : i32
        %add3A_604 = arith.addi %squeeze3A_580, %add3A_603 : i32
        %get3A_605 = arith.index_cast %add3A_578 : i32 to index
        %get3A_606 = arith.index_cast %add3A_604 : i32 to index
        %get3A_607 = tpu.vector_load %arg9[%get3A_605, %get3A_606] {strides = array<i32>} : memref<128x128xf32, #tpu.memory_space<vmem>>, vector<1x16xf32>,
        %get3A_608 = vector.shape_cast %get3A_607 : vector<1x16xf32> to vector<16xf32>
        %swap3A_609 = arith.index_cast %add3A_578 : i32 to index
        %swap3A_610 = arith.constant 32 : index
        %swap3A_611 = tpu.vector_load %arg11[%swap3A_609, %swap3A_610] {strides = array<i32>} : memref<128x64xf32, #tpu.memory_space<vmem>>, vector<1x16xf32>,
        %swap3A_612 = vector.shape_cast %swap3A_611 : vector<1x16xf32> to vector<16xf32>
        %swap3A_613 = vector.shape_cast %get3A_608 : vector<16xf32> to vector<1x16xf32>
        tpu.vector_store %arg11[%swap3A_609, %swap3A_610], %swap3A_613 {strides = array<i32>} : memref<128x64xf32, #tpu.memory_space<vmem>>, vector<1x16xf32>,
        %add3A_614 = arith.constant 48 : i32
        %add3A_615 = arith.addi %squeeze3A_580, %add3A_614 : i32
        %get3A_616 = arith.index_cast %add3A_578 : i32 to index
        %get3A_617 = arith.index_cast %add3A_615 : i32 to index
        %get3A_618 = tpu.vector_load %arg9[%get3A_616, %get3A_617] {strides = array<i32>} : memref<128x128xf32, #tpu.memory_space<vmem>>, vector<1x16xf32>,
        %get3A_619 = vector.shape_cast %get3A_618 : vector<1x16xf32> to vector<16xf32>
        %swap3A_620 = arith.index_cast %add3A_578 : i32 to index
        %swap3A_621 = arith.constant 48 : index
        %swap3A_622 = tpu.vector_load %arg11[%swap3A_620, %swap3A_621] {strides = array<i32>} : memref<128x64xf32, #tpu.memory_space<vmem>>, vector<1x16xf32>,
        %swap3A_623 = vector.shape_cast %swap3A_622 : vector<1x16xf32> to vector<16xf32>
        %swap3A_624 = vector.shape_cast %get3A_619 : vector<16xf32> to vector<1x16xf32>
        tpu.vector_store %arg11[%swap3A_620, %swap3A_621], %swap3A_624 {strides = array<i32>} : memref<128x64xf32, #tpu.memory_space<vmem>>, vector<1x16xf32>,
        %add3A_625 = arith.constant 9 : i32
        %add3A_626 = arith.addi %mul3A_185, %add3A_625 : i32
        %slice3A_627 = vector.extract_strided_slice %mul3A_194 {offsets = [9], sizes = [1], strides = [1]} : vector<16xi32> to vector<1xi32>
        %squeeze3A_628 = vector.extract %slice3A_627[0] : i32 from vector<1xi32>
        %add3A_629 = arith.constant 0 : i32
        %add3A_630 = arith.addi %squeeze3A_628, %add3A_629 : i32
        %get3A_631 = arith.index_cast %add3A_626 : i32 to index
        %get3A_632 = arith.index_cast %add3A_630 : i32 to index
        %get3A_633 = tpu.vector_load %arg9[%get3A_631, %get3A_632] {strides = array<i32>} : memref<128x128xf32, #tpu.memory_space<vmem>>, vector<1x16xf32>,
        %get3A_634 = vector.shape_cast %get3A_633 : vector<1x16xf32> to vector<16xf32>
        %swap3A_635 = arith.index_cast %add3A_626 : i32 to index
        %swap3A_636 = arith.constant 0 : index
        %swap3A_637 = tpu.vector_load %arg11[%swap3A_635, %swap3A_636] {strides = array<i32>} : memref<128x64xf32, #tpu.memory_space<vmem>>, vector<1x16xf32>,
        %swap3A_638 = vector.shape_cast %swap3A_637 : vector<1x16xf32> to vector<16xf32>
        %swap3A_639 = vector.shape_cast %get3A_634 : vector<16xf32> to vector<1x16xf32>
        tpu.vector_store %arg11[%swap3A_635, %swap3A_636], %swap3A_639 {strides = array<i32>} : memref<128x64xf32, #tpu.memory_space<vmem>>, vector<1x16xf32>,
        %add3A_640 = arith.constant 16 : i32
        %add3A_641 = arith.addi %squeeze3A_628, %add3A_640 : i32
        %get3A_642 = arith.index_cast %add3A_626 : i32 to index
        %get3A_643 = arith.index_cast %add3A_641 : i32 to index
        %get3A_644 = tpu.vector_load %arg9[%get3A_642, %get3A_643] {strides = array<i32>} : memref<128x128xf32, #tpu.memory_space<vmem>>, vector<1x16xf32>,
        %get3A_645 = vector.shape_cast %get3A_644 : vector<1x16xf32> to vector<16xf32>
        %swap3A_646 = arith.index_cast %add3A_626 : i32 to index
        %swap3A_647 = arith.constant 16 : index
        %swap3A_648 = tpu.vector_load %arg11[%swap3A_646, %swap3A_647] {strides = array<i32>} : memref<128x64xf32, #tpu.memory_space<vmem>>, vector<1x16xf32>,
        %swap3A_649 = vector.shape_cast %swap3A_648 : vector<1x16xf32> to vector<16xf32>
        %swap3A_650 = vector.shape_cast %get3A_645 : vector<16xf32> to vector<1x16xf32>
        tpu.vector_store %arg11[%swap3A_646, %swap3A_647], %swap3A_650 {strides = array<i32>} : memref<128x64xf32, #tpu.memory_space<vmem>>, vector<1x16xf32>,
        %add3A_651 = arith.constant 32 : i32
        %add3A_652 = arith.addi %squeeze3A_628, %add3A_651 : i32
        %get3A_653 = arith.index_cast %add3A_626 : i32 to index
        %get3A_654 = arith.index_cast %add3A_652 : i32 to index
        %get3A_655 = tpu.vector_load %arg9[%get3A_653, %get3A_654] {strides = array<i32>} : memref<128x128xf32, #tpu.memory_space<vmem>>, vector<1x16xf32>,
        %get3A_656 = vector.shape_cast %get3A_655 : vector<1x16xf32> to vector<16xf32>
        %swap3A_657 = arith.index_cast %add3A_626 : i32 to index
        %swap3A_658 = arith.constant 32 : index
        %swap3A_659 = tpu.vector_load %arg11[%swap3A_657, %swap3A_658] {strides = array<i32>} : memref<128x64xf32, #tpu.memory_space<vmem>>, vector<1x16xf32>,
        %swap3A_660 = vector.shape_cast %swap3A_659 : vector<1x16xf32> to vector<16xf32>
        %swap3A_661 = vector.shape_cast %get3A_656 : vector<16xf32> to vector<1x16xf32>
        tpu.vector_store %arg11[%swap3A_657, %swap3A_658], %swap3A_661 {strides = array<i32>} : memref<128x64xf32, #tpu.memory_space<vmem>>, vector<1x16xf32>,
        %add3A_662 = arith.constant 48 : i32
        %add3A_663 = arith.addi %squeeze3A_628, %add3A_662 : i32
        %get3A_664 = arith.index_cast %add3A_626 : i32 to index
        %get3A_665 = arith.index_cast %add3A_663 : i32 to index
        %get3A_666 = tpu.vector_load %arg9[%get3A_664, %get3A_665] {strides = array<i32>} : memref<128x128xf32, #tpu.memory_space<vmem>>, vector<1x16xf32>,
        %get3A_667 = vector.shape_cast %get3A_666 : vector<1x16xf32> to vector<16xf32>
        %swap3A_668 = arith.index_cast %add3A_626 : i32 to index
        %swap3A_669 = arith.constant 48 : index
        %swap3A_670 = tpu.vector_load %arg11[%swap3A_668, %swap3A_669] {strides = array<i32>} : memref<128x64xf32, #tpu.memory_space<vmem>>, vector<1x16xf32>,
        %swap3A_671 = vector.shape_cast %swap3A_670 : vector<1x16xf32> to vector<16xf32>
        %swap3A_672 = vector.shape_cast %get3A_667 : vector<16xf32> to vector<1x16xf32>
        tpu.vector_store %arg11[%swap3A_668, %swap3A_669], %swap3A_672 {strides = array<i32>} : memref<128x64xf32, #tpu.memory_space<vmem>>, vector<1x16xf32>,
        %add3A_673 = arith.constant 10 : i32
        %add3A_674 = arith.addi %mul3A_185, %add3A_673 : i32
        %slice3A_675 = vector.extract_strided_slice %mul3A_194 {offsets = [10], sizes = [1], strides = [1]} : vector<16xi32> to vector<1xi32>
        %squeeze3A_676 = vector.extract %slice3A_675[0] : i32 from vector<1xi32>
        %add3A_677 = arith.constant 0 : i32
        %add3A_678 = arith.addi %squeeze3A_676, %add3A_677 : i32
        %get3A_679 = arith.index_cast %add3A_674 : i32 to index
        %get3A_680 = arith.index_cast %add3A_678 : i32 to index
        %get3A_681 = tpu.vector_load %arg9[%get3A_679, %get3A_680] {strides = array<i32>} : memref<128x128xf32, #tpu.memory_space<vmem>>, vector<1x16xf32>,
        %get3A_682 = vector.shape_cast %get3A_681 : vector<1x16xf32> to vector<16xf32>
        %swap3A_683 = arith.index_cast %add3A_674 : i32 to index
        %swap3A_684 = arith.constant 0 : index
        %swap3A_685 = tpu.vector_load %arg11[%swap3A_683, %swap3A_684] {strides = array<i32>} : memref<128x64xf32, #tpu.memory_space<vmem>>, vector<1x16xf32>,
        %swap3A_686 = vector.shape_cast %swap3A_685 : vector<1x16xf32> to vector<16xf32>
        %swap3A_687 = vector.shape_cast %get3A_682 : vector<16xf32> to vector<1x16xf32>
        tpu.vector_store %arg11[%swap3A_683, %swap3A_684], %swap3A_687 {strides = array<i32>} : memref<128x64xf32, #tpu.memory_space<vmem>>, vector<1x16xf32>,
        %add3A_688 = arith.constant 16 : i32
        %add3A_689 = arith.addi %squeeze3A_676, %add3A_688 : i32
        %get3A_690 = arith.index_cast %add3A_674 : i32 to index
        %get3A_691 = arith.index_cast %add3A_689 : i32 to index
        %get3A_692 = tpu.vector_load %arg9[%get3A_690, %get3A_691] {strides = array<i32>} : memref<128x128xf32, #tpu.memory_space<vmem>>, vector<1x16xf32>,
        %get3A_693 = vector.shape_cast %get3A_692 : vector<1x16xf32> to vector<16xf32>
        %swap3A_694 = arith.index_cast %add3A_674 : i32 to index
        %swap3A_695 = arith.constant 16 : index
        %swap3A_696 = tpu.vector_load %arg11[%swap3A_694, %swap3A_695] {strides = array<i32>} : memref<128x64xf32, #tpu.memory_space<vmem>>, vector<1x16xf32>,
        %swap3A_697 = vector.shape_cast %swap3A_696 : vector<1x16xf32> to vector<16xf32>
        %swap3A_698 = vector.shape_cast %get3A_693 : vector<16xf32> to vector<1x16xf32>
        tpu.vector_store %arg11[%swap3A_694, %swap3A_695], %swap3A_698 {strides = array<i32>} : memref<128x64xf32, #tpu.memory_space<vmem>>, vector<1x16xf32>,
        %add3A_699 = arith.constant 32 : i32
        %add3A_700 = arith.addi %squeeze3A_676, %add3A_699 : i32
        %get3A_701 = arith.index_cast %add3A_674 : i32 to index
        %get3A_702 = arith.index_cast %add3A_700 : i32 to index
        %get3A_703 = tpu.vector_load %arg9[%get3A_701, %get3A_702] {strides = array<i32>} : memref<128x128xf32, #tpu.memory_space<vmem>>, vector<1x16xf32>,
        %get3A_704 = vector.shape_cast %get3A_703 : vector<1x16xf32> to vector<16xf32>
        %swap3A_705 = arith.index_cast %add3A_674 : i32 to index
        %swap3A_706 = arith.constant 32 : index
        %swap3A_707 = tpu.vector_load %arg11[%swap3A_705, %swap3A_706] {strides = array<i32>} : memref<128x64xf32, #tpu.memory_space<vmem>>, vector<1x16xf32>,
        %swap3A_708 = vector.shape_cast %swap3A_707 : vector<1x16xf32> to vector<16xf32>
        %swap3A_709 = vector.shape_cast %get3A_704 : vector<16xf32> to vector<1x16xf32>
        tpu.vector_store %arg11[%swap3A_705, %swap3A_706], %swap3A_709 {strides = array<i32>} : memref<128x64xf32, #tpu.memory_space<vmem>>, vector<1x16xf32>,
        %add3A_710 = arith.constant 48 : i32
        %add3A_711 = arith.addi %squeeze3A_676, %add3A_710 : i32
        %get3A_712 = arith.index_cast %add3A_674 : i32 to index
        %get3A_713 = arith.index_cast %add3A_711 : i32 to index
        %get3A_714 = tpu.vector_load %arg9[%get3A_712, %get3A_713] {strides = array<i32>} : memref<128x128xf32, #tpu.memory_space<vmem>>, vector<1x16xf32>,
        %get3A_715 = vector.shape_cast %get3A_714 : vector<1x16xf32> to vector<16xf32>
        %swap3A_716 = arith.index_cast %add3A_674 : i32 to index
        %swap3A_717 = arith.constant 48 : index
        %swap3A_718 = tpu.vector_load %arg11[%swap3A_716, %swap3A_717] {strides = array<i32>} : memref<128x64xf32, #tpu.memory_space<vmem>>, vector<1x16xf32>,
        %swap3A_719 = vector.shape_cast %swap3A_718 : vector<1x16xf32> to vector<16xf32>
        %swap3A_720 = vector.shape_cast %get3A_715 : vector<16xf32> to vector<1x16xf32>
        tpu.vector_store %arg11[%swap3A_716, %swap3A_717], %swap3A_720 {strides = array<i32>} : memref<128x64xf32, #tpu.memory_space<vmem>>, vector<1x16xf32>,
        %add3A_721 = arith.constant 11 : i32
        %add3A_722 = arith.addi %mul3A_185, %add3A_721 : i32
        %slice3A_723 = vector.extract_strided_slice %mul3A_194 {offsets = [11], sizes = [1], strides = [1]} : vector<16xi32> to vector<1xi32>
        %squeeze3A_724 = vector.extract %slice3A_723[0] : i32 from vector<1xi32>
        %add3A_725 = arith.constant 0 : i32
        %add3A_726 = arith.addi %squeeze3A_724, %add3A_725 : i32
        %get3A_727 = arith.index_cast %add3A_722 : i32 to index
        %get3A_728 = arith.index_cast %add3A_726 : i32 to index
        %get3A_729 = tpu.vector_load %arg9[%get3A_727, %get3A_728] {strides = array<i32>} : memref<128x128xf32, #tpu.memory_space<vmem>>, vector<1x16xf32>,
        %get3A_730 = vector.shape_cast %get3A_729 : vector<1x16xf32> to vector<16xf32>
        %swap3A_731 = arith.index_cast %add3A_722 : i32 to index
        %swap3A_732 = arith.constant 0 : index
        %swap3A_733 = tpu.vector_load %arg11[%swap3A_731, %swap3A_732] {strides = array<i32>} : memref<128x64xf32, #tpu.memory_space<vmem>>, vector<1x16xf32>,
        %swap3A_734 = vector.shape_cast %swap3A_733 : vector<1x16xf32> to vector<16xf32>
        %swap3A_735 = vector.shape_cast %get3A_730 : vector<16xf32> to vector<1x16xf32>
        tpu.vector_store %arg11[%swap3A_731, %swap3A_732], %swap3A_735 {strides = array<i32>} : memref<128x64xf32, #tpu.memory_space<vmem>>, vector<1x16xf32>,
        %add3A_736 = arith.constant 16 : i32
        %add3A_737 = arith.addi %squeeze3A_724, %add3A_736 : i32
        %get3A_738 = arith.index_cast %add3A_722 : i32 to index
        %get3A_739 = arith.index_cast %add3A_737 : i32 to index
        %get3A_740 = tpu.vector_load %arg9[%get3A_738, %get3A_739] {strides = array<i32>} : memref<128x128xf32, #tpu.memory_space<vmem>>, vector<1x16xf32>,
        %get3A_741 = vector.shape_cast %get3A_740 : vector<1x16xf32> to vector<16xf32>
        %swap3A_742 = arith.index_cast %add3A_722 : i32 to index
        %swap3A_743 = arith.constant 16 : index
        %swap3A_744 = tpu.vector_load %arg11[%swap3A_742, %swap3A_743] {strides = array<i32>} : memref<128x64xf32, #tpu.memory_space<vmem>>, vector<1x16xf32>,
        %swap3A_745 = vector.shape_cast %swap3A_744 : vector<1x16xf32> to vector<16xf32>
        %swap3A_746 = vector.shape_cast %get3A_741 : vector<16xf32> to vector<1x16xf32>
        tpu.vector_store %arg11[%swap3A_742, %swap3A_743], %swap3A_746 {strides = array<i32>} : memref<128x64xf32, #tpu.memory_space<vmem>>, vector<1x16xf32>,
        %add3A_747 = arith.constant 32 : i32
        %add3A_748 = arith.addi %squeeze3A_724, %add3A_747 : i32
        %get3A_749 = arith.index_cast %add3A_722 : i32 to index
        %get3A_750 = arith.index_cast %add3A_748 : i32 to index
        %get3A_751 = tpu.vector_load %arg9[%get3A_749, %get3A_750] {strides = array<i32>} : memref<128x128xf32, #tpu.memory_space<vmem>>, vector<1x16xf32>,
        %get3A_752 = vector.shape_cast %get3A_751 : vector<1x16xf32> to vector<16xf32>
        %swap3A_753 = arith.index_cast %add3A_722 : i32 to index
        %swap3A_754 = arith.constant 32 : index
        %swap3A_755 = tpu.vector_load %arg11[%swap3A_753, %swap3A_754] {strides = array<i32>} : memref<128x64xf32, #tpu.memory_space<vmem>>, vector<1x16xf32>,
        %swap3A_756 = vector.shape_cast %swap3A_755 : vector<1x16xf32> to vector<16xf32>
        %swap3A_757 = vector.shape_cast %get3A_752 : vector<16xf32> to vector<1x16xf32>
        tpu.vector_store %arg11[%swap3A_753, %swap3A_754], %swap3A_757 {strides = array<i32>} : memref<128x64xf32, #tpu.memory_space<vmem>>, vector<1x16xf32>,
        %add3A_758 = arith.constant 48 : i32
        %add3A_759 = arith.addi %squeeze3A_724, %add3A_758 : i32
        %get3A_760 = arith.index_cast %add3A_722 : i32 to index
        %get3A_761 = arith.index_cast %add3A_759 : i32 to index
        %get3A_762 = tpu.vector_load %arg9[%get3A_760, %get3A_761] {strides = array<i32>} : memref<128x128xf32, #tpu.memory_space<vmem>>, vector<1x16xf32>,
        %get3A_763 = vector.shape_cast %get3A_762 : vector<1x16xf32> to vector<16xf32>
        %swap3A_764 = arith.index_cast %add3A_722 : i32 to index
        %swap3A_765 = arith.constant 48 : index
        %swap3A_766 = tpu.vector_load %arg11[%swap3A_764, %swap3A_765] {strides = array<i32>} : memref<128x64xf32, #tpu.memory_space<vmem>>, vector<1x16xf32>,
        %swap3A_767 = vector.shape_cast %swap3A_766 : vector<1x16xf32> to vector<16xf32>
        %swap3A_768 = vector.shape_cast %get3A_763 : vector<16xf32> to vector<1x16xf32>
        tpu.vector_store %arg11[%swap3A_764, %swap3A_765], %swap3A_768 {strides = array<i32>} : memref<128x64xf32, #tpu.memory_space<vmem>>, vector<1x16xf32>,
        %add3A_769 = arith.constant 12 : i32
        %add3A_770 = arith.addi %mul3A_185, %add3A_769 : i32
        %slice3A_771 = vector.extract_strided_slice %mul3A_194 {offsets = [12], sizes = [1], strides = [1]} : vector<16xi32> to vector<1xi32>
        %squeeze3A_772 = vector.extract %slice3A_771[0] : i32 from vector<1xi32>
        %add3A_773 = arith.constant 0 : i32
        %add3A_774 = arith.addi %squeeze3A_772, %add3A_773 : i32
        %get3A_775 = arith.index_cast %add3A_770 : i32 to index
        %get3A_776 = arith.index_cast %add3A_774 : i32 to index
        %get3A_777 = tpu.vector_load %arg9[%get3A_775, %get3A_776] {strides = array<i32>} : memref<128x128xf32, #tpu.memory_space<vmem>>, vector<1x16xf32>,
        %get3A_778 = vector.shape_cast %get3A_777 : vector<1x16xf32> to vector<16xf32>
        %swap3A_779 = arith.index_cast %add3A_770 : i32 to index
        %swap3A_780 = arith.constant 0 : index
        %swap3A_781 = tpu.vector_load %arg11[%swap3A_779, %swap3A_780] {strides = array<i32>} : memref<128x64xf32, #tpu.memory_space<vmem>>, vector<1x16xf32>,
        %swap3A_782 = vector.shape_cast %swap3A_781 : vector<1x16xf32> to vector<16xf32>
        %swap3A_783 = vector.shape_cast %get3A_778 : vector<16xf32> to vector<1x16xf32>
        tpu.vector_store %arg11[%swap3A_779, %swap3A_780], %swap3A_783 {strides = array<i32>} : memref<128x64xf32, #tpu.memory_space<vmem>>, vector<1x16xf32>,
        %add3A_784 = arith.constant 16 : i32
        %add3A_785 = arith.addi %squeeze3A_772, %add3A_784 : i32
        %get3A_786 = arith.index_cast %add3A_770 : i32 to index
        %get3A_787 = arith.index_cast %add3A_785 : i32 to index
        %get3A_788 = tpu.vector_load %arg9[%get3A_786, %get3A_787] {strides = array<i32>} : memref<128x128xf32, #tpu.memory_space<vmem>>, vector<1x16xf32>,
        %get3A_789 = vector.shape_cast %get3A_788 : vector<1x16xf32> to vector<16xf32>
        %swap3A_790 = arith.index_cast %add3A_770 : i32 to index
        %swap3A_791 = arith.constant 16 : index
        %swap3A_792 = tpu.vector_load %arg11[%swap3A_790, %swap3A_791] {strides = array<i32>} : memref<128x64xf32, #tpu.memory_space<vmem>>, vector<1x16xf32>,
        %swap3A_793 = vector.shape_cast %swap3A_792 : vector<1x16xf32> to vector<16xf32>
        %swap3A_794 = vector.shape_cast %get3A_789 : vector<16xf32> to vector<1x16xf32>
        tpu.vector_store %arg11[%swap3A_790, %swap3A_791], %swap3A_794 {strides = array<i32>} : memref<128x64xf32, #tpu.memory_space<vmem>>, vector<1x16xf32>,
        %add3A_795 = arith.constant 32 : i32
        %add3A_796 = arith.addi %squeeze3A_772, %add3A_795 : i32
        %get3A_797 = arith.index_cast %add3A_770 : i32 to index
        %get3A_798 = arith.index_cast %add3A_796 : i32 to index
        %get3A_799 = tpu.vector_load %arg9[%get3A_797, %get3A_798] {strides = array<i32>} : memref<128x128xf32, #tpu.memory_space<vmem>>, vector<1x16xf32>,
        %get3A_800 = vector.shape_cast %get3A_799 : vector<1x16xf32> to vector<16xf32>
        %swap3A_801 = arith.index_cast %add3A_770 : i32 to index
        %swap3A_802 = arith.constant 32 : index
        %swap3A_803 = tpu.vector_load %arg11[%swap3A_801, %swap3A_802] {strides = array<i32>} : memref<128x64xf32, #tpu.memory_space<vmem>>, vector<1x16xf32>,
        %swap3A_804 = vector.shape_cast %swap3A_803 : vector<1x16xf32> to vector<16xf32>
        %swap3A_805 = vector.shape_cast %get3A_800 : vector<16xf32> to vector<1x16xf32>
        tpu.vector_store %arg11[%swap3A_801, %swap3A_802], %swap3A_805 {strides = array<i32>} : memref<128x64xf32, #tpu.memory_space<vmem>>, vector<1x16xf32>,
        %add3A_806 = arith.constant 48 : i32
        %add3A_807 = arith.addi %squeeze3A_772, %add3A_806 : i32
        %get3A_808 = arith.index_cast %add3A_770 : i32 to index
        %get3A_809 = arith.index_cast %add3A_807 : i32 to index
        %get3A_810 = tpu.vector_load %arg9[%get3A_808, %get3A_809] {strides = array<i32>} : memref<128x128xf32, #tpu.memory_space<vmem>>, vector<1x16xf32>,
        %get3A_811 = vector.shape_cast %get3A_810 : vector<1x16xf32> to vector<16xf32>
        %swap3A_812 = arith.index_cast %add3A_770 : i32 to index
        %swap3A_813 = arith.constant 48 : index
        %swap3A_814 = tpu.vector_load %arg11[%swap3A_812, %swap3A_813] {strides = array<i32>} : memref<128x64xf32, #tpu.memory_space<vmem>>, vector<1x16xf32>,
        %swap3A_815 = vector.shape_cast %swap3A_814 : vector<1x16xf32> to vector<16xf32>
        %swap3A_816 = vector.shape_cast %get3A_811 : vector<16xf32> to vector<1x16xf32>
        tpu.vector_store %arg11[%swap3A_812, %swap3A_813], %swap3A_816 {strides = array<i32>} : memref<128x64xf32, #tpu.memory_space<vmem>>, vector<1x16xf32>,
        %add3A_817 = arith.constant 13 : i32
        %add3A_818 = arith.addi %mul3A_185, %add3A_817 : i32
        %slice3A_819 = vector.extract_strided_slice %mul3A_194 {offsets = [13], sizes = [1], strides = [1]} : vector<16xi32> to vector<1xi32>
        %squeeze3A_820 = vector.extract %slice3A_819[0] : i32 from vector<1xi32>
        %add3A_821 = arith.constant 0 : i32
        %add3A_822 = arith.addi %squeeze3A_820, %add3A_821 : i32
        %get3A_823 = arith.index_cast %add3A_818 : i32 to index
        %get3A_824 = arith.index_cast %add3A_822 : i32 to index
        %get3A_825 = tpu.vector_load %arg9[%get3A_823, %get3A_824] {strides = array<i32>} : memref<128x128xf32, #tpu.memory_space<vmem>>, vector<1x16xf32>,
        %get3A_826 = vector.shape_cast %get3A_825 : vector<1x16xf32> to vector<16xf32>
        %swap3A_827 = arith.index_cast %add3A_818 : i32 to index
        %swap3A_828 = arith.constant 0 : index
        %swap3A_829 = tpu.vector_load %arg11[%swap3A_827, %swap3A_828] {strides = array<i32>} : memref<128x64xf32, #tpu.memory_space<vmem>>, vector<1x16xf32>,
        %swap3A_830 = vector.shape_cast %swap3A_829 : vector<1x16xf32> to vector<16xf32>
        %swap3A_831 = vector.shape_cast %get3A_826 : vector<16xf32> to vector<1x16xf32>
        tpu.vector_store %arg11[%swap3A_827, %swap3A_828], %swap3A_831 {strides = array<i32>} : memref<128x64xf32, #tpu.memory_space<vmem>>, vector<1x16xf32>,
        %add3A_832 = arith.constant 16 : i32
        %add3A_833 = arith.addi %squeeze3A_820, %add3A_832 : i32
        %get3A_834 = arith.index_cast %add3A_818 : i32 to index
        %get3A_835 = arith.index_cast %add3A_833 : i32 to index
        %get3A_836 = tpu.vector_load %arg9[%get3A_834, %get3A_835] {strides = array<i32>} : memref<128x128xf32, #tpu.memory_space<vmem>>, vector<1x16xf32>,
        %get3A_837 = vector.shape_cast %get3A_836 : vector<1x16xf32> to vector<16xf32>
        %swap3A_838 = arith.index_cast %add3A_818 : i32 to index
        %swap3A_839 = arith.constant 16 : index
        %swap3A_840 = tpu.vector_load %arg11[%swap3A_838, %swap3A_839] {strides = array<i32>} : memref<128x64xf32, #tpu.memory_space<vmem>>, vector<1x16xf32>,
        %swap3A_841 = vector.shape_cast %swap3A_840 : vector<1x16xf32> to vector<16xf32>
        %swap3A_842 = vector.shape_cast %get3A_837 : vector<16xf32> to vector<1x16xf32>
        tpu.vector_store %arg11[%swap3A_838, %swap3A_839], %swap3A_842 {strides = array<i32>} : memref<128x64xf32, #tpu.memory_space<vmem>>, vector<1x16xf32>,
        %add3A_843 = arith.constant 32 : i32
        %add3A_844 = arith.addi %squeeze3A_820, %add3A_843 : i32
        %get3A_845 = arith.index_cast %add3A_818 : i32 to index
        %get3A_846 = arith.index_cast %add3A_844 : i32 to index
        %get3A_847 = tpu.vector_load %arg9[%get3A_845, %get3A_846] {strides = array<i32>} : memref<128x128xf32, #tpu.memory_space<vmem>>, vector<1x16xf32>,
        %get3A_848 = vector.shape_cast %get3A_847 : vector<1x16xf32> to vector<16xf32>
        %swap3A_849 = arith.index_cast %add3A_818 : i32 to index
        %swap3A_850 = arith.constant 32 : index
        %swap3A_851 = tpu.vector_load %arg11[%swap3A_849, %swap3A_850] {strides = array<i32>} : memref<128x64xf32, #tpu.memory_space<vmem>>, vector<1x16xf32>,
        %swap3A_852 = vector.shape_cast %swap3A_851 : vector<1x16xf32> to vector<16xf32>
        %swap3A_853 = vector.shape_cast %get3A_848 : vector<16xf32> to vector<1x16xf32>
        tpu.vector_store %arg11[%swap3A_849, %swap3A_850], %swap3A_853 {strides = array<i32>} : memref<128x64xf32, #tpu.memory_space<vmem>>, vector<1x16xf32>,
        %add3A_854 = arith.constant 48 : i32
        %add3A_855 = arith.addi %squeeze3A_820, %add3A_854 : i32
        %get3A_856 = arith.index_cast %add3A_818 : i32 to index
        %get3A_857 = arith.index_cast %add3A_855 : i32 to index
        %get3A_858 = tpu.vector_load %arg9[%get3A_856, %get3A_857] {strides = array<i32>} : memref<128x128xf32, #tpu.memory_space<vmem>>, vector<1x16xf32>,
        %get3A_859 = vector.shape_cast %get3A_858 : vector<1x16xf32> to vector<16xf32>
        %swap3A_860 = arith.index_cast %add3A_818 : i32 to index
        %swap3A_861 = arith.constant 48 : index
        %swap3A_862 = tpu.vector_load %arg11[%swap3A_860, %swap3A_861] {strides = array<i32>} : memref<128x64xf32, #tpu.memory_space<vmem>>, vector<1x16xf32>,
        %swap3A_863 = vector.shape_cast %swap3A_862 : vector<1x16xf32> to vector<16xf32>
        %swap3A_864 = vector.shape_cast %get3A_859 : vector<16xf32> to vector<1x16xf32>
        tpu.vector_store %arg11[%swap3A_860, %swap3A_861], %swap3A_864 {strides = array<i32>} : memref<128x64xf32, #tpu.memory_space<vmem>>, vector<1x16xf32>,
        %add3A_865 = arith.constant 14 : i32
        %add3A_866 = arith.addi %mul3A_185, %add3A_865 : i32
        %slice3A_867 = vector.extract_strided_slice %mul3A_194 {offsets = [14], sizes = [1], strides = [1]} : vector<16xi32> to vector<1xi32>
        %squeeze3A_868 = vector.extract %slice3A_867[0] : i32 from vector<1xi32>
        %add3A_869 = arith.constant 0 : i32
        %add3A_870 = arith.addi %squeeze3A_868, %add3A_869 : i32
        %get3A_871 = arith.index_cast %add3A_866 : i32 to index
        %get3A_872 = arith.index_cast %add3A_870 : i32 to index
        %get3A_873 = tpu.vector_load %arg9[%get3A_871, %get3A_872] {strides = array<i32>} : memref<128x128xf32, #tpu.memory_space<vmem>>, vector<1x16xf32>,
        %get3A_874 = vector.shape_cast %get3A_873 : vector<1x16xf32> to vector<16xf32>
        %swap3A_875 = arith.index_cast %add3A_866 : i32 to index
        %swap3A_876 = arith.constant 0 : index
        %swap3A_877 = tpu.vector_load %arg11[%swap3A_875, %swap3A_876] {strides = array<i32>} : memref<128x64xf32, #tpu.memory_space<vmem>>, vector<1x16xf32>,
        %swap3A_878 = vector.shape_cast %swap3A_877 : vector<1x16xf32> to vector<16xf32>
        %swap3A_879 = vector.shape_cast %get3A_874 : vector<16xf32> to vector<1x16xf32>
        tpu.vector_store %arg11[%swap3A_875, %swap3A_876], %swap3A_879 {strides = array<i32>} : memref<128x64xf32, #tpu.memory_space<vmem>>, vector<1x16xf32>,
        %add3A_880 = arith.constant 16 : i32
        %add3A_881 = arith.addi %squeeze3A_868, %add3A_880 : i32
        %get3A_882 = arith.index_cast %add3A_866 : i32 to index
        %get3A_883 = arith.index_cast %add3A_881 : i32 to index
        %get3A_884 = tpu.vector_load %arg9[%get3A_882, %get3A_883] {strides = array<i32>} : memref<128x128xf32, #tpu.memory_space<vmem>>, vector<1x16xf32>,
        %get3A_885 = vector.shape_cast %get3A_884 : vector<1x16xf32> to vector<16xf32>
        %swap3A_886 = arith.index_cast %add3A_866 : i32 to index
        %swap3A_887 = arith.constant 16 : index
        %swap3A_888 = tpu.vector_load %arg11[%swap3A_886, %swap3A_887] {strides = array<i32>} : memref<128x64xf32, #tpu.memory_space<vmem>>, vector<1x16xf32>,
        %swap3A_889 = vector.shape_cast %swap3A_888 : vector<1x16xf32> to vector<16xf32>
        %swap3A_890 = vector.shape_cast %get3A_885 : vector<16xf32> to vector<1x16xf32>
        tpu.vector_store %arg11[%swap3A_886, %swap3A_887], %swap3A_890 {strides = array<i32>} : memref<128x64xf32, #tpu.memory_space<vmem>>, vector<1x16xf32>,
        %add3A_891 = arith.constant 32 : i32
        %add3A_892 = arith.addi %squeeze3A_868, %add3A_891 : i32
        %get3A_893 = arith.index_cast %add3A_866 : i32 to index
        %get3A_894 = arith.index_cast %add3A_892 : i32 to index
        %get3A_895 = tpu.vector_load %arg9[%get3A_893, %get3A_894] {strides = array<i32>} : memref<128x128xf32, #tpu.memory_space<vmem>>, vector<1x16xf32>,
        %get3A_896 = vector.shape_cast %get3A_895 : vector<1x16xf32> to vector<16xf32>
        %swap3A_897 = arith.index_cast %add3A_866 : i32 to index
        %swap3A_898 = arith.constant 32 : index
        %swap3A_899 = tpu.vector_load %arg11[%swap3A_897, %swap3A_898] {strides = array<i32>} : memref<128x64xf32, #tpu.memory_space<vmem>>, vector<1x16xf32>,
        %swap3A_900 = vector.shape_cast %swap3A_899 : vector<1x16xf32> to vector<16xf32>
        %swap3A_901 = vector.shape_cast %get3A_896 : vector<16xf32> to vector<1x16xf32>
        tpu.vector_store %arg11[%swap3A_897, %swap3A_898], %swap3A_901 {strides = array<i32>} : memref<128x64xf32, #tpu.memory_space<vmem>>, vector<1x16xf32>,
        %add3A_902 = arith.constant 48 : i32
        %add3A_903 = arith.addi %squeeze3A_868, %add3A_902 : i32
        %get3A_904 = arith.index_cast %add3A_866 : i32 to index
        %get3A_905 = arith.index_cast %add3A_903 : i32 to index
        %get3A_906 = tpu.vector_load %arg9[%get3A_904, %get3A_905] {strides = array<i32>} : memref<128x128xf32, #tpu.memory_space<vmem>>, vector<1x16xf32>,
        %get3A_907 = vector.shape_cast %get3A_906 : vector<1x16xf32> to vector<16xf32>
        %swap3A_908 = arith.index_cast %add3A_866 : i32 to index
        %swap3A_909 = arith.constant 48 : index
        %swap3A_910 = tpu.vector_load %arg11[%swap3A_908, %swap3A_909] {strides = array<i32>} : memref<128x64xf32, #tpu.memory_space<vmem>>, vector<1x16xf32>,
        %swap3A_911 = vector.shape_cast %swap3A_910 : vector<1x16xf32> to vector<16xf32>
        %swap3A_912 = vector.shape_cast %get3A_907 : vector<16xf32> to vector<1x16xf32>
        tpu.vector_store %arg11[%swap3A_908, %swap3A_909], %swap3A_912 {strides = array<i32>} : memref<128x64xf32, #tpu.memory_space<vmem>>, vector<1x16xf32>,
        %add3A_913 = arith.constant 15 : i32
        %add3A_914 = arith.addi %mul3A_185, %add3A_913 : i32
        %slice3A_915 = vector.extract_strided_slice %mul3A_194 {offsets = [15], sizes = [1], strides = [1]} : vector<16xi32> to vector<1xi32>
        %squeeze3A_916 = vector.extract %slice3A_915[0] : i32 from vector<1xi32>
        %add3A_917 = arith.constant 0 : i32
        %add3A_918 = arith.addi %squeeze3A_916, %add3A_917 : i32
        %get3A_919 = arith.index_cast %add3A_914 : i32 to index
        %get3A_920 = arith.index_cast %add3A_918 : i32 to index
        %get3A_921 = tpu.vector_load %arg9[%get3A_919, %get3A_920] {strides = array<i32>} : memref<128x128xf32, #tpu.memory_space<vmem>>, vector<1x16xf32>,
        %get3A_922 = vector.shape_cast %get3A_921 : vector<1x16xf32> to vector<16xf32>
        %swap3A_923 = arith.index_cast %add3A_914 : i32 to index
        %swap3A_924 = arith.constant 0 : index
        %swap3A_925 = tpu.vector_load %arg11[%swap3A_923, %swap3A_924] {strides = array<i32>} : memref<128x64xf32, #tpu.memory_space<vmem>>, vector<1x16xf32>,
        %swap3A_926 = vector.shape_cast %swap3A_925 : vector<1x16xf32> to vector<16xf32>
        %swap3A_927 = vector.shape_cast %get3A_922 : vector<16xf32> to vector<1x16xf32>
        tpu.vector_store %arg11[%swap3A_923, %swap3A_924], %swap3A_927 {strides = array<i32>} : memref<128x64xf32, #tpu.memory_space<vmem>>, vector<1x16xf32>,
        %add3A_928 = arith.constant 16 : i32
        %add3A_929 = arith.addi %squeeze3A_916, %add3A_928 : i32
        %get3A_930 = arith.index_cast %add3A_914 : i32 to index
        %get3A_931 = arith.index_cast %add3A_929 : i32 to index
        %get3A_932 = tpu.vector_load %arg9[%get3A_930, %get3A_931] {strides = array<i32>} : memref<128x128xf32, #tpu.memory_space<vmem>>, vector<1x16xf32>,
        %get3A_933 = vector.shape_cast %get3A_932 : vector<1x16xf32> to vector<16xf32>
        %swap3A_934 = arith.index_cast %add3A_914 : i32 to index
        %swap3A_935 = arith.constant 16 : index
        %swap3A_936 = tpu.vector_load %arg11[%swap3A_934, %swap3A_935] {strides = array<i32>} : memref<128x64xf32, #tpu.memory_space<vmem>>, vector<1x16xf32>,
        %swap3A_937 = vector.shape_cast %swap3A_936 : vector<1x16xf32> to vector<16xf32>
        %swap3A_938 = vector.shape_cast %get3A_933 : vector<16xf32> to vector<1x16xf32>
        tpu.vector_store %arg11[%swap3A_934, %swap3A_935], %swap3A_938 {strides = array<i32>} : memref<128x64xf32, #tpu.memory_space<vmem>>, vector<1x16xf32>,
        %add3A_939 = arith.constant 32 : i32
        %add3A_940 = arith.addi %squeeze3A_916, %add3A_939 : i32
        %get3A_941 = arith.index_cast %add3A_914 : i32 to index
        %get3A_942 = arith.index_cast %add3A_940 : i32 to index
        %get3A_943 = tpu.vector_load %arg9[%get3A_941, %get3A_942] {strides = array<i32>} : memref<128x128xf32, #tpu.memory_space<vmem>>, vector<1x16xf32>,
        %get3A_944 = vector.shape_cast %get3A_943 : vector<1x16xf32> to vector<16xf32>
        %swap3A_945 = arith.index_cast %add3A_914 : i32 to index
        %swap3A_946 = arith.constant 32 : index
        %swap3A_947 = tpu.vector_load %arg11[%swap3A_945, %swap3A_946] {strides = array<i32>} : memref<128x64xf32, #tpu.memory_space<vmem>>, vector<1x16xf32>,
        %swap3A_948 = vector.shape_cast %swap3A_947 : vector<1x16xf32> to vector<16xf32>
        %swap3A_949 = vector.shape_cast %get3A_944 : vector<16xf32> to vector<1x16xf32>
        tpu.vector_store %arg11[%swap3A_945, %swap3A_946], %swap3A_949 {strides = array<i32>} : memref<128x64xf32, #tpu.memory_space<vmem>>, vector<1x16xf32>,
        %add3A_950 = arith.constant 48 : i32
        %add3A_951 = arith.addi %squeeze3A_916, %add3A_950 : i32
        %get3A_952 = arith.index_cast %add3A_914 : i32 to index
        %get3A_953 = arith.index_cast %add3A_951 : i32 to index
        %get3A_954 = tpu.vector_load %arg9[%get3A_952, %get3A_953] {strides = array<i32>} : memref<128x128xf32, #tpu.memory_space<vmem>>, vector<1x16xf32>,
        %get3A_955 = vector.shape_cast %get3A_954 : vector<1x16xf32> to vector<16xf32>
        %swap3A_956 = arith.index_cast %add3A_914 : i32 to index
        %swap3A_957 = arith.constant 48 : index
        %swap3A_958 = tpu.vector_load %arg11[%swap3A_956, %swap3A_957] {strides = array<i32>} : memref<128x64xf32, #tpu.memory_space<vmem>>, vector<1x16xf32>,
        %swap3A_959 = vector.shape_cast %swap3A_958 : vector<1x16xf32> to vector<16xf32>
        %swap3A_960 = vector.shape_cast %get3A_955 : vector<16xf32> to vector<1x16xf32>
        tpu.vector_store %arg11[%swap3A_956, %swap3A_957], %swap3A_960 {strides = array<i32>} : memref<128x64xf32, #tpu.memory_space<vmem>>, vector<1x16xf32>,
      }
      %scan3A_173 = arith.constant 8 : i32
      %mul3A_174 = arith.constant 200 : i32
      %mul3A_175 = arith.muli %add3A, %mul3A_174 : i32
      %add3A_176 = arith.addi %mul3A_175, %add3A_152 : i32
      %mul3A_177 = arith.constant 128 : i32
      %mul3A_178 = arith.muli %add3A_176, %mul3A_177 : i32
      %dma_start3A_179 = arith.constant 0 : i32
      %dma_start3A_180 = tpu.memref_slice %arg4[%mul3A_178, %dma_start3A_179] : memref<819200x64xf32, #tpu.memory_space<hbm>> -> memref<128x64xf32, #tpu.memory_space<hbm>>
      %dma_start3A_181 = arith.constant 0 : i32
      %dma_start3A_182 = tpu.memref_slice %arg4[%mul3A_178, %dma_start3A_181] : memref<819200x64xf32, #tpu.memory_space<hbm>> -> memref<128x64xf32, #tpu.memory_space<hbm>>
      tpu.enqueue_dma source(%arg11 : memref<128x64xf32, #tpu.memory_space<vmem>>) target(%dma_start3A_182 : memref<128x64xf32, #tpu.memory_space<hbm>>) target_semaphore(%arg15 : memref<!tpu.dma_semaphore, #tpu.memory_space<semaphore_mem>>)
    }
    %scan3A_100 = arith.constant 100 : i32
    %mul3A_101 = arith.constant 200 : i32
    %mul3A_102 = arith.muli %add3A, %mul3A_101 : i32
    %add3A_103 = arith.constant 198 : i32
    %add3A_104 = arith.addi %mul3A_102, %add3A_103 : i32
    %mul3A_105 = arith.constant 128 : i32
    %mul3A_106 = arith.muli %add3A_104, %mul3A_105 : i32
    %dma_wait3A = arith.constant 0 : i32
    %dma_wait3A_107 = tpu.memref_slice %arg4[%mul3A_106, %dma_wait3A] : memref<819200x64xf32, #tpu.memory_space<hbm>> -> memref<128x64xf32, #tpu.memory_space<hbm>>
    %dma_wait3A_108 = arith.constant 0 : i32
    %dma_wait3A_109 = tpu.memref_slice %arg4[%mul3A_106, %dma_wait3A_108] : memref<819200x64xf32, #tpu.memory_space<hbm>> -> memref<128x64xf32, #tpu.memory_space<hbm>>
    tpu.wait_dma2 semaphore(%arg14 : memref<!tpu.dma_semaphore, #tpu.memory_space<semaphore_mem>>) src(%arg10 : memref<128x64xf32, #tpu.memory_space<vmem>>) dst(%dma_wait3A_109 : memref<128x64xf32, #tpu.memory_space<hbm>>)
    %mul3A_110 = arith.constant 200 : i32
    %mul3A_111 = arith.muli %add3A, %mul3A_110 : i32
    %add3A_112 = arith.constant 199 : i32
    %add3A_113 = arith.addi %mul3A_111, %add3A_112 : i32
    %mul3A_114 = arith.constant 128 : i32
    %mul3A_115 = arith.muli %add3A_113, %mul3A_114 : i32
    %dma_wait3A_116 = arith.constant 0 : i32
    %dma_wait3A_117 = tpu.memref_slice %arg4[%mul3A_115, %dma_wait3A_116] : memref<819200x64xf32, #tpu.memory_space<hbm>> -> memref<128x64xf32, #tpu.memory_space<hbm>>
    %dma_wait3A_118 = arith.constant 0 : i32
    %dma_wait3A_119 = tpu.memref_slice %arg4[%mul3A_115, %dma_wait3A_118] : memref<819200x64xf32, #tpu.memory_space<hbm>> -> memref<128x64xf32, #tpu.memory_space<hbm>>
    tpu.wait_dma2 semaphore(%arg15 : memref<!tpu.dma_semaphore, #tpu.memory_space<semaphore_mem>>) src(%arg11 : memref<128x64xf32, #tpu.memory_space<vmem>>) dst(%dma_wait3A_119 : memref<128x64xf32, #tpu.memory_space<hbm>>)
    return
  }
}

</mosaic_0001>

<sc_bundles>
// kernel: kernel.3.cloned.1.call-start
scs
__scs_entry_jumppad:
0x0: {  	(pc) =	sbr.rel $0x88, $3  }
0x1: {  	(tag) =	ssettag $0x0;
	lr =	simm.s32 $0x1  }
0x2: {  	[smem:$0x3F9F] =	sst lr;
	_ =	strace $0xD0000000  }
0x3: {  	_ = 	snop  }
0x4: {  	_ = 	snop  }
0x5: {  	_ = 	snop  }
0x6: {  	_ = 	snop  }
0x7: {  	_ = 	snop  }
__scs_overlays_trampoline_lowered:
0x8: {  	[smem:$0x3FAE] =	sst s0  }
0x9: {  	[smem:$0x3FAF] =	sst s1  }
0xa: {  	[smem:$0x3FB0] =	sst s2  }
0xb: {  	[smem:$0x3FB1] =	sst s3  }
0xc: {  	[smem:$0x3FB2] =	sst s4  }
0xd: {  	[smem:$0x3FB3] =	sst s5  }
0xe: {  	[smem:$0x3FB4] =	sst s6  }
0xf: {  	[smem:$0x3FB5] =	sst s7  }
0x10: {  	[smem:$0x3FB6] =	sst s8  }
0x11: {  	[smem:$0x3FB7] =	sst s9;
	s0 =	simm.s32 @!p0 $0x0  }
0x12: {  	s1 =	sld [smem:$0x3F9D];
	s0 =	simm.s32 @p0 $0x1  }
0x13: {  	[smem:$0x3FB8] =	sst s0;
	s0 =	simm.s32 @!p1 $0x0  }
0x14: {  	s2 =	sld [smem:$0x3F9C];
	s0 =	simm.s32 @p1 $0x1  }
0x15: {  	[smem:$0x3FB9] =	sst s0;
	s0 =	simm.s32 @!p2 $0x0  }
0x16: {  	s3 =	sld [smem:$0x3FDB];
	s0 =	simm.s32 @p2 $0x1  }
0x17: {  	s4 =	simm.s32 $0x1BF5;
	[smem:$0x3FBB] =	sst s0  }
0x18: {  	s0 =	sld [smem:$0x3F9E];
	_ =	swait.ge [sflag:s4], $0x0  }
0x19: {  	s7 =	sld [smem:$0x3F9F]  }
0x1a: {  	s8 =	sadd.s32 $0xFFFFE003, lr  }
0x1b: {  	s9 =	sadd.s32 $0xFFFFFEF7, lr;
	s5 =	simm.s32 $0xFFFFFFFF;
	p2 =	slt.u32 s8, $0xFFFFF086  }
0x1c: {  	p1 =	slt.u32 s9, $0xF7A;
	s5 =	simm.s32 @!p2 $0x0  }
0x1d: {  	s5 =	simm.s32 @p1 $0x1;
	p0 =	seq.s32 s7, s2  }
0x1e: {  	s7 =	smul.u32 @!p0 $0xF7A, s2;
	p2 =	seq.s32 @!p0 s5, $0x0  }
0x1f: {  	s9 =	smul.u32 $0xF7A, s1;
	s8 =	simm.s32 @!p0 $0x1BF5;
	p2 =	por !p2, p0  }
0x20: {  	[sflag:s8] =	ssyncset.s32 @!p0 $0xFFFFF086;
	s6 =	sadd.s32 @!p0 s3, s7;
	s7 =	simm.s32 @!p0 $0x108  }
0x21: {  	s3 =	sadd.s32 s3, s9;
	s6 =	sadd.s32 @!p0 $0x88, s6;
	s7 =	simm.s32 @p2 $0x1082  }
0x22: {  	[simem:s7], [sflag:s8] =	dma.local @!p0 [hbm:s6], $0xF7A  }
0x23: {  	s9 =	sor.u32 $0xD0000000, s2;
	s6 =	simm.s32 $0x108;
	_ =	swait.ge @!p0 [sflag:s8], $0x0  }
0x24: {  	s3 =	sadd.s32 $0x88, s3;
	s6 =	simm.s32 @!p1 $0x1082;
	[sflag:s4] =	ssyncset.s32 $0xFFFFF086  }
0x25: {  	[simem:s6], [sflag:s4] =	dma.local [hbm:s3], $0xF7A  }
0x26: {  	[smem:$0x3F9F] =	sst s1;
	(tag) =	ssettag s2;
	_ =	strace s9  }
0x27: {  	s1 =	sld [smem:$0x3FAF]  }
0x28: {  	s2 =	sld [smem:$0x3FB0]  }
0x29: {  	s4 =	sld [smem:$0x3FB2]  }
0x2a: {  	p0 =	seq.s32 s5, $0x0;
	s5 =	sld [smem:$0x3FB3]  }
0x2b: {  	s6 =	sld [smem:$0x3FB4]  }
0x2c: {  	s7 =	sld [smem:$0x3FB5]  }
0x2d: {  	s3 =	simm.s32 $0x108;
	s8 =	sld [smem:$0x3FB6]  }
0x2e: {  	s3 =	simm.s32 @!p0 $0x1082;
	s9 =	sld [smem:$0x3FB7]  }
0x2f: {  	lr =	sadd.s32 s0, s3;
	s0 =	sld [smem:$0x3FAE]  }
0x30: {  	s3 =	sld [smem:$0x3FB1]  }
0x31: {  	[smem:$0x3FBA] =	sst s10  }
0x32: {  	s10 =	sld [smem:$0x3FB8];
	_ =	sdelay $0x3  }
0x33: {  	p0 =	seq.s32 s10, $0x1;
	s10 =	sld [smem:$0x3FBA];
	_ =	sdelay $0x3  }
0x34: {  	[smem:$0x3FBA] =	sst s10  }
0x35: {  	s10 =	sld [smem:$0x3FB9];
	_ =	sdelay $0x3  }
0x36: {  	p1 =	seq.s32 s10, $0x1;
	s10 =	sld [smem:$0x3FBA];
	_ =	sdelay $0x3  }
0x37: {  	[smem:$0x3FBA] =	sst s10  }
0x38: {  	s10 =	sld [smem:$0x3FBB]  }
0x39: {  	_ = 	snop;
	(pc) =	sbr.ind lr, $3  }
0x3a: {  	_ = 	snop  }
0x3b: {  	_ = 	snop  }
0x3c: {  	p2 =	seq.s32 s10, $0x1;
	s10 =	sld [smem:$0x3FBA]  }
0x3d: {  	_ =	shalt  }
0x3e: {  	_ =	shalt  }
0x3f: {  	_ =	shalt  }
0x40: {  	_ =	shalt  }
0x41: {  	_ =	shalt  }
0x42: {  	_ =	shalt  }
0x43: {  	_ =	shalt  }
0x44: {  	_ =	shalt  }
0x45: {  	_ =	shalt  }
0x46: {  	_ =	shalt  }
0x47: {  	_ =	shalt  }
0x48: {  	_ =	shalt  }
0x49: {  	_ =	shalt  }
0x4a: {  	_ =	shalt  }
0x4b: {  	_ =	shalt  }
0x4c: {  	_ =	shalt  }
0x4d: {  	_ =	shalt  }
0x4e: {  	_ =	shalt  }
0x4f: {  	_ =	shalt  }
0x50: {  	_ =	shalt  }
0x51: {  	_ =	shalt  }
0x52: {  	_ =	shalt  }
0x53: {  	_ =	shalt  }
0x54: {  	_ =	shalt  }
0x55: {  	_ =	shalt  }
0x56: {  	_ =	shalt  }
0x57: {  	_ =	shalt  }
0x58: {  	_ =	shalt  }
0x59: {  	_ =	shalt  }
0x5a: {  	_ =	shalt  }
0x5b: {  	_ =	shalt  }
0x5c: {  	_ =	shalt  }
0x5d: {  	_ =	shalt  }
0x5e: {  	_ =	shalt  }
0x5f: {  	_ =	shalt  }
0x60: {  	_ =	shalt  }
0x61: {  	_ =	shalt  }
0x62: {  	_ =	shalt  }
0x63: {  	_ =	shalt  }
0x64: {  	_ =	shalt  }
0x65: {  	_ =	shalt  }
0x66: {  	_ =	shalt  }
0x67: {  	_ =	shalt  }
0x68: {  	_ =	shalt  }
0x69: {  	_ =	shalt  }
0x6a: {  	_ =	shalt  }
0x6b: {  	_ =	shalt  }
0x6c: {  	_ =	shalt  }
0x6d: {  	_ =	shalt  }
0x6e: {  	_ =	shalt  }
0x6f: {  	_ =	shalt  }
0x70: {  	_ =	shalt  }
0x71: {  	_ =	shalt  }
0x72: {  	_ =	shalt  }
0x73: {  	_ =	shalt  }
0x74: {  	_ =	shalt  }
0x75: {  	_ =	shalt  }
0x76: {  	_ =	shalt  }
0x77: {  	_ =	shalt  }
0x78: {  	_ =	shalt  }
0x79: {  	_ =	shalt  }
0x7a: {  	_ =	shalt  }
0x7b: {  	_ =	shalt  }
0x7c: {  	_ =	shalt  }
0x7d: {  	_ =	shalt  }
0x7e: {  	_ =	shalt  }
0x7f: {  	_ =	shalt  }
0x80: {  	_ =	shalt  }
0x81: {  	_ =	shalt  }
0x82: {  	_ =	shalt  }
0x83: {  	_ =	shalt  }
0x84: {  	_ =	shalt  }
0x85: {  	_ =	shalt  }
0x86: {  	_ =	shalt  }
0x87: {  	_ =	shalt  }
.Lfunc_end0:
.L_simem_size_0:
called_computation.1_lowered:
.L_overlay_start_0:
0x88: {  	s2 =	sld [smem:$0x3FD9]  }
0x89: {  	s3 =	sld [smem:$0x3FFE];
	_ =	sdelay $0x1  }
0x8a: {  	s1 =	srdreg.scid  }
0x8b: {  	s0 =	sand.u32 $0x1, s1  }
0x8c: {  	s17 =	sshll.u32 s0, $0xA;
	s2 =	sadd.s32 s3, s2  }
0x8d: {  	s2 =	sadd.s32 s2, s17  }
0x8e: {  	[smem:$0x3FC6] =	sst s2  }
0x8f: {  	_ = 	snop  }
0x90: {  	s2 =	sld [smem:$0x3FD0];
	(tm) =	ssettm $0x1  }
0x91: {  	s18 =	sld [smem:$0x3FFB];
	_ =	sdelay $0x3  }
0x92: {  	_ =	strace s18  }
0x93: {  	s3 =	sld [smem:$0x3FFC];
	_ =	sdelay $0x3  }
0x94: {  	_ =	strace s3  }
0x95: {  	s3 =	sld [smem:$0x3FFD];
	_ =	sdelay $0x3  }
0x96: {  	_ =	strace s3  }
0x97: {  	_ =	strace $0x8FFFFFFF  }
0x98: {  	s19 =	sld [smem:$0x3FDB];
	_ =	sdelay $0x1  }
0x99: {  	s4 =	simm.s32 $_scs_section_size  }
0x9a: {  	s5 =	simm.s32 $_size__tile_overlayer_lowered;
	s6 =	simm.s32 $_tile_overlayer_lowered  }
0x9b: {  	s22 =	simm.s32 $0x1BFF;
	s21 =	sshll.u32 s6, $0x1;
	s3 =	sadd.s32 s4, s19  }
0x9c: {  	s7 =	simm.s32 $0x0;
	s20 =	sshll.u32 s5, $0x1;
	s5 =	sadd.s32 s21, s3  }
0x9d: {  	[timem:s7], [sflag:s22] =	dma.local [hbm:s5], s20  }
0x9e: {  	_ =	swait.ge [sflag:s22], s20  }
0x9f: {  	s4 =	ssub.s32 $0x0, s20;
	[sflag:s22] =	ssyncset.done $0x0  }
0xa0: {  	[sflag:s22] =	ssyncadd.s32 s4;
	_ =	sdelay $0x1  }
0xa1: {  	s23 =	simm.s32 $0x1B8B  }
0xa2: {  	_ =	swait.ge [sflag:s23], $0x1  }
0xa3: {  	[sflag:s23] =	ssyncset.done $0x0  }
0xa4: {  	s25 =	simm.s32 $0x1B8E;
	s24 =	sld [smem:$0x3FFE];
	[sflag:s23] =	ssyncadd.s32 $0xFFFFFFFF  }
0xa5: {  	s26 =	simm.s32 $execute0_lowered;
	[smem:$0x3FD2] =	sst s25  }
0xa6: {  	s5 =	sshll.u32 s26, $0x1;
	_ =	strace $0x80000046;
	[dreg:$0x1] =	wrdreg $0xFFFFFFFF  }
0xa7: {  	s28 =	simm.s32 $_size_execute0_lowered;
	s3 =	sadd.s32 s3, s5;
	[dreg:$0x0] =	wrdreg $0x0  }
0xa8: {  	s5 =	sshll.u32 s28, $0x1;
	[dreg:$0x2] =	wrdreg s3  }
0xa9: {  	[dreg:$0x3] =	wrdreg s5  }
0xaa: {  	[dreg:$0x4] =	wrdreg $0xC0  }
0xab: {  	_ =	task [dreg:s7], $0x5FFFF  }
0xac: {  	[dreg:$0x1] =	wrdreg $0xFFFFFFFF  }
0xad: {  	[dreg:$0x0] =	wrdreg $0x60  }
0xae: {  	[dreg:$0x2] =	wrdreg s2  }
0xaf: {  	[dreg:$0x3] =	wrdreg s24  }
0xb0: {  	[dreg:$0x4] =	wrdreg $0x9  }
0xb1: {  	_ =	task.clear_ibuf [dreg:s7], $0x5FFFF;
	_ =	strace $0x90000046  }
0xb2: {  	s29 =	simm.s32 $0x9;
	_ =	strace $0x80000048  }
0xb3: {  	_ =	swait.ge [sflag:s29], $0x1  }
0xb4: {  	[sflag:s29] =	ssyncadd.s32 $0xFFFFFFFF  }
0xb5: {  	_ =	strace $0x90000048  }
0xb6: {  	_ =	sfence  }
0xb7: {  	s30 =	sld [smem:$0x0];
	_ =	sdelay $0x2  }
0xb8: {  	s31 =	sshll.u32 s1, $0xD;
	s1 =	sshrl.u32 s1, $0x2  }
0xb9: {  	s3 =	sand.u32 $0x4000, s31;
	s1 =	sadd.s32 s1, s30  }
0xba: {  	s0 =	sor.u32 s3, s0;
	s1 =	sshll.u32 s1, $0x11  }
0xbb: {  	s0 =	sor.u32 s1, s0  }
0xbc: {  	s0 =	sadd.s32 $0x8F2B, s0  }
0xbd: {  	[sflag:s0] =	ssyncadd.remote.s32 $0x1  }
0xbe: {  	_ =	sfence.sel $0xFFFF  }
0xbf: {  	[dreg:$0x0] =	wrdreg $0xFFFFFFFF;
	(pc) =	sbr.abs _section_cstart, $3  }
0xc0: {  	[dreg:$0x1] =	wrdreg $0xFFFFFFFF  }
0xc1: {  	_ =	task.clear_ibuf [dreg:s7], $0x2FFFF;
	_ =	strace $0x9FFFFFFF  }
0xc2: {  	(tm) =	ssettm $0x7FFFFFFF  }
0xc3: {  	_ =	shalt  }
tec
execute0_lowered:
.L_overlay_start_1:
0x0: {  	(tag) =	ssettag $0x1  }
0x1: {  	s5 =	rddreg [dreg:$0x0];
	s1 =	srdreg.scid  }
0x2: {  	s0 =	stileid.u32;
	s4 =	rddreg [dreg:$0x1];
	s2 =	simm.s32 $0x0  }
0x3: {  	s10 =	simm.s32 $0x6500;
	s11 =	simm.s32 $0x80;
	s12 =	simm.s32 $0x6480  }
0x4: {  	s13 =	simm.s32 $0xA500;
	s14 =	simm.s32 $0x1;
	s15 =	simm.s32 $0xE500  }
0x5: {  	s16 =	simm.s32 $0x2;
	s17 =	simm.s32 $0x4;
	s18 =	simm.s32 $0x12500  }
0x6: {  	s19 =	simm.s32 $0x3;
	s3 =	sand.u32 $0x1, s1;
	s6 =	sshll.u32 s0, $0x1  }
0x7: {  	s20 =	simm.s32 $0x0;
	[smem:$0x7FF] =	sst s2;
	s6 =	sor.u32 s3, s6  }
0x8: {  	s7 =	ssub.s32 $0x2, s3;
	_ =	strace $0x80000047;
	s3 =	sadd.s32 $0xF42E00, s4  }
0x9: {  	s4 =	sadd.s32 $0xA00, s4;
	s8 =	smul.u32 $0xC80, s6;
	s9 =	sshrl.u32 s7, $0x1  }
0xa: {  	s6 =	smul.u32 $0xC8, s6;
	s7 =	ssub.s32 s7, s9;
	s9 =	simm.s32 $0x6400  }
0xb: {  	s5 =	sadd.s32 s5, s8;
	s7 =	smax.u32 s7, $0x1;
	s8 =	simm.s32 $0x5  }
.LBB2_1:
0xc: {  	[tilespmem:s2], [sflag:$0x5] =	stream.linear.gather [hbm4b:s5+s2], $0x6400, $0x38;
	[tilespmem:$0x16500] =	vst v63  }
0xd: {  	_ =	swait.ge [sflag:s8], $0x6400  }
0xe: {  	[sflag:s8] =	ssyncset.done $0x0  }
0xf: {  	[sflag:s8] =	ssyncadd.s32 $0xFFFF9C00  }
0x10: {  	v0 =	vld [tilespmem:$0x0]  }
0x11: {  	v1 =	vld [tilespmem:$0x10]  }
0x12: {  	v2 =	vld [tilespmem:$0x20]  }
0x13: {  	v3 =	vld [tilespmem:$0x30]  }
0x14: {  	v4 =	vld [tilespmem:$0x40]  }
0x15: {  	v5 =	vld [tilespmem:$0x50];
	v0 =	vshra.s32 v0, $0x1  }
0x16: {  	v56 =	vld [tilespmem:$0x60];
	v55 =	vshra.s32 v1, $0x1;
	[tilespmem:$0x6400] =	vst v0  }
0x17: {  	v58 =	vld [tilespmem:$0x70];
	v57 =	vshra.s32 v2, $0x1;
	[tilespmem:$0x6410] =	vst v55  }
0x18: {  	v59 =	vshra.s32 v3, $0x1;
	[tilespmem:$0x6420] =	vst v57  }
0x19: {  	v60 =	vshra.s32 v4, $0x1;
	[tilespmem:$0x6430] =	vst v59  }
0x1a: {  	v61 =	vshra.s32 v5, $0x1;
	[tilespmem:$0x6440] =	vst v60  }
0x1b: {  	v62 =	vshra.s32 v56, $0x1;
	[tilespmem:$0x6450] =	vst v61  }
0x1c: {  	v63 =	vshra.s32 v58, $0x1;
	[tilespmem:$0x6460] =	vst v62  }
0x1d: {  	s21 =	simm.s32 $0x80;
	s22 =	simm.s32 $0x0;
	s23 =	simm.s32 $0x0;
	[tilespmem:$0x6470] =	vst v63  }
0x1e: {  	[tilespmem:s10], [sflag:$0x1] =	stream.indirect.gather [hbm4b:s3+s11], $0x80, s9, s11, $0xb8;
	[tilespmem:$0x16500] =	vst v63  }
.LBB2_2:
0x1f: {  	s24 =	sshllo.u32 s23, $0x1  }
0x20: {  	s25 =	sshll.u32 s24, $0x7  }
0x21: {  	s25 =	sand.u32 $0x3FFFFF80, s25  }
0x22: {  	v0 =	vld [tilespmem:s25+$0x0];
	_ =	sdelay $0x4  }
0x23: {  	v0 =	vshra.s32 v0, $0x1  }
0x24: {  	[tilespmem:$0x6480] =	vst v0  }
0x25: {  	v0 =	vld [tilespmem:s25+$0x10];
	_ =	sdelay $0x4  }
0x26: {  	v0 =	vshra.s32 v0, $0x1  }
0x27: {  	[tilespmem:$0x6490] =	vst v0  }
0x28: {  	v0 =	vld [tilespmem:s25+$0x20];
	_ =	sdelay $0x4  }
0x29: {  	v0 =	vshra.s32 v0, $0x1  }
0x2a: {  	[tilespmem:$0x64A0] =	vst v0  }
0x2b: {  	v0 =	vld [tilespmem:s25+$0x30];
	_ =	sdelay $0x4  }
0x2c: {  	v0 =	vshra.s32 v0, $0x1  }
0x2d: {  	[tilespmem:$0x64B0] =	vst v0  }
0x2e: {  	v0 =	vld [tilespmem:s25+$0x40];
	_ =	sdelay $0x4  }
0x2f: {  	v0 =	vshra.s32 v0, $0x1  }
0x30: {  	[tilespmem:$0x64C0] =	vst v0  }
0x31: {  	v0 =	vld [tilespmem:s25+$0x50];
	_ =	sdelay $0x4  }
0x32: {  	v0 =	vshra.s32 v0, $0x1  }
0x33: {  	[tilespmem:$0x64D0] =	vst v0  }
0x34: {  	v0 =	vld [tilespmem:s25+$0x60];
	_ =	sdelay $0x4  }
0x35: {  	v0 =	vshra.s32 v0, $0x1  }
0x36: {  	[tilespmem:$0x64E0] =	vst v0  }
0x37: {  	v0 =	vld [tilespmem:s25+$0x70];
	_ =	sdelay $0x4  }
0x38: {  	v0 =	vshra.s32 v0, $0x1  }
0x39: {  	[tilespmem:$0x64F0] =	vst v0  }
0x3a: {  	[tilespmem:s13], [sflag:$0x2] =	stream.indirect.gather [hbm4b:s3+s11], $0x80, s12, s11, $0xb8;
	[tilespmem:$0x16500] =	vst v63  }
0x3b: {  	_ =	swait.ge [sflag:s14], $0x4000  }
0x3c: {  	p0 =	seq.s32 s23, $0x0;
	[sflag:s14] =	ssyncset.done $0x0  }
0x3d: {  	s25 =	simm.s32 @!p0 $0x3;
	[sflag:s14] =	ssyncadd.s32 $0xFFFFC000  }
0x3e: {  	s26 =	sshll.u32 s23, $0x1;
	_ =	swait.ge @!p0 [sflag:s25], $0x4000  }
0x3f: {  	s28 =	sshll.u32 s23, $0x8;
	s29 =	smov.u32 s22;
	[sflag:s25] =	ssyncset.done @!p0 $0x0  }
0x40: {  	[sflag:s25] =	ssyncadd.s32 @!p0 $0xFFFFC000;
	s25 =	sand.u32 $0x3FFFFF00, s28;
	s28 =	simm.s32 $0x0  }
.LBB2_3:
0x41: {  	v0 =	vld [tilespmem:s29+$0x0];
	_ =	sdelay $0x4  }
0x42: {  	v0 =	vshll.u32 v0, $0x6  }
0x43: {  	s30 =	sshra.s32 s28, $0x2;
	v0 =	vand.u32 $0x40, v0  }
0x44: {  	v0 =	vadd.s32 s30, v0  }
0x45: {  	(v2sf) =	vpush v0, $0x1  }
0x46: {  	(v2sf) =	vpush v0, $0x0;
	_ =	sdelay $0xd  }
0x47: {  	s31 =	spop (v2sf)  }
0x48: {  	s1 =	spop (v2sf)  }
0x49: {  	v1 =	vld [tilespmem:s1+$0x6500];
	_ =	sdelay $0x4  }
0x4a: {  	[tilespmem:s30+$0xE500] =	vst v1  }
0x4b: {  	v1 =	vld [tilespmem:s1+$0x6510];
	_ =	sdelay $0x4  }
0x4c: {  	[tilespmem:s30+$0xE510] =	vst v1  }
0x4d: {  	v1 =	vld [tilespmem:s1+$0x6520];
	_ =	sdelay $0x4  }
0x4e: {  	[tilespmem:s30+$0xE520] =	vst v1  }
0x4f: {  	v1 =	vld [tilespmem:s1+$0x6530];
	_ =	sdelay $0x4  }
0x50: {  	[tilespmem:s30+$0xE530] =	vst v1  }
0x51: {  	v1 =	vld [tilespmem:s31+$0x6580];
	_ =	sdelay $0x4  }
0x52: {  	[tilespmem:s30+$0xE580] =	vst v1  }
0x53: {  	v1 =	vld [tilespmem:s31+$0x6590]  }
0x54: {  	(v2sf) =	vpush v0, $0x3  }
0x55: {  	(v2sf) =	vpush v0, $0x2;
	_ =	sdelay $0x2  }
0x56: {  	[tilespmem:s30+$0xE590] =	vst v1  }
0x57: {  	v1 =	vld [tilespmem:s31+$0x65A0];
	_ =	sdelay $0x4  }
0x58: {  	[tilespmem:s30+$0xE5A0] =	vst v1  }
0x59: {  	v1 =	vld [tilespmem:s31+$0x65B0];
	_ =	sdelay $0x3  }
0x5a: {  	s1 =	spop (v2sf)  }
0x5b: {  	s31 =	spop (v2sf);
	[tilespmem:s30+$0xE5B0] =	vst v1  }
0x5c: {  	v1 =	vld [tilespmem:s31+$0x6600];
	_ =	sdelay $0x4  }
0x5d: {  	[tilespmem:s30+$0xE600] =	vst v1  }
0x5e: {  	v1 =	vld [tilespmem:s31+$0x6610];
	_ =	sdelay $0x4  }
0x5f: {  	[tilespmem:s30+$0xE610] =	vst v1  }
0x60: {  	v1 =	vld [tilespmem:s31+$0x6620];
	_ =	sdelay $0x4  }
0x61: {  	[tilespmem:s30+$0xE620] =	vst v1  }
0x62: {  	v1 =	vld [tilespmem:s31+$0x6630];
	_ =	sdelay $0x4  }
0x63: {  	[tilespmem:s30+$0xE630] =	vst v1  }
0x64: {  	v1 =	vld [tilespmem:s1+$0x6680];
	_ =	sdelay $0x4  }
0x65: {  	[tilespmem:s30+$0xE680] =	vst v1  }
0x66: {  	v1 =	vld [tilespmem:s1+$0x6690]  }
0x67: {  	(v2sf) =	vpush v0, $0x5  }
0x68: {  	(v2sf) =	vpush v0, $0x4;
	_ =	sdelay $0x2  }
0x69: {  	[tilespmem:s30+$0xE690] =	vst v1  }
0x6a: {  	v1 =	vld [tilespmem:s1+$0x66A0];
	_ =	sdelay $0x4  }
0x6b: {  	[tilespmem:s30+$0xE6A0] =	vst v1  }
0x6c: {  	v1 =	vld [tilespmem:s1+$0x66B0];
	_ =	sdelay $0x3  }
0x6d: {  	s1 =	spop (v2sf)  }
0x6e: {  	s31 =	spop (v2sf);
	[tilespmem:s30+$0xE6B0] =	vst v1  }
0x6f: {  	v1 =	vld [tilespmem:s31+$0x6700];
	_ =	sdelay $0x4  }
0x70: {  	[tilespmem:s30+$0xE700] =	vst v1  }
0x71: {  	v1 =	vld [tilespmem:s31+$0x6710];
	_ =	sdelay $0x4  }
0x72: {  	[tilespmem:s30+$0xE710] =	vst v1  }
0x73: {  	v1 =	vld [tilespmem:s31+$0x6720];
	_ =	sdelay $0x4  }
0x74: {  	[tilespmem:s30+$0xE720] =	vst v1  }
0x75: {  	v1 =	vld [tilespmem:s31+$0x6730];
	_ =	sdelay $0x4  }
0x76: {  	[tilespmem:s30+$0xE730] =	vst v1  }
0x77: {  	v1 =	vld [tilespmem:s1+$0x6780];
	_ =	sdelay $0x4  }
0x78: {  	[tilespmem:s30+$0xE780] =	vst v1  }
0x79: {  	v1 =	vld [tilespmem:s1+$0x6790]  }
0x7a: {  	(v2sf) =	vpush v0, $0x7  }
0x7b: {  	(v2sf) =	vpush v0, $0x6;
	_ =	sdelay $0x2  }
0x7c: {  	[tilespmem:s30+$0xE790] =	vst v1  }
0x7d: {  	v1 =	vld [tilespmem:s1+$0x67A0];
	_ =	sdelay $0x4  }
0x7e: {  	[tilespmem:s30+$0xE7A0] =	vst v1  }
0x7f: {  	v1 =	vld [tilespmem:s1+$0x67B0];
	_ =	sdelay $0x3  }
0x80: {  	s1 =	spop (v2sf)  }
0x81: {  	s31 =	spop (v2sf);
	[tilespmem:s30+$0xE7B0] =	vst v1  }
0x82: {  	v1 =	vld [tilespmem:s31+$0x6800];
	_ =	sdelay $0x4  }
0x83: {  	[tilespmem:s30+$0xE800] =	vst v1  }
0x84: {  	v1 =	vld [tilespmem:s31+$0x6810];
	_ =	sdelay $0x4  }
0x85: {  	[tilespmem:s30+$0xE810] =	vst v1  }
0x86: {  	v1 =	vld [tilespmem:s31+$0x6820];
	_ =	sdelay $0x4  }
0x87: {  	[tilespmem:s30+$0xE820] =	vst v1  }
0x88: {  	v1 =	vld [tilespmem:s31+$0x6830];
	_ =	sdelay $0x4  }
0x89: {  	[tilespmem:s30+$0xE830] =	vst v1  }
0x8a: {  	v1 =	vld [tilespmem:s1+$0x6880];
	_ =	sdelay $0x4  }
0x8b: {  	[tilespmem:s30+$0xE880] =	vst v1  }
0x8c: {  	v1 =	vld [tilespmem:s1+$0x6890]  }
0x8d: {  	(v2sf) =	vpush v0, $0x9  }
0x8e: {  	(v2sf) =	vpush v0, $0x8;
	_ =	sdelay $0x2  }
0x8f: {  	[tilespmem:s30+$0xE890] =	vst v1  }
0x90: {  	v1 =	vld [tilespmem:s1+$0x68A0];
	_ =	sdelay $0x4  }
0x91: {  	[tilespmem:s30+$0xE8A0] =	vst v1  }
0x92: {  	v1 =	vld [tilespmem:s1+$0x68B0];
	_ =	sdelay $0x3  }
0x93: {  	s1 =	spop (v2sf)  }
0x94: {  	s31 =	spop (v2sf);
	[tilespmem:s30+$0xE8B0] =	vst v1  }
0x95: {  	v1 =	vld [tilespmem:s31+$0x6900];
	_ =	sdelay $0x4  }
0x96: {  	[tilespmem:s30+$0xE900] =	vst v1  }
0x97: {  	v1 =	vld [tilespmem:s31+$0x6910];
	_ =	sdelay $0x4  }
0x98: {  	[tilespmem:s30+$0xE910] =	vst v1  }
0x99: {  	v1 =	vld [tilespmem:s31+$0x6920];
	_ =	sdelay $0x4  }
0x9a: {  	[tilespmem:s30+$0xE920] =	vst v1  }
0x9b: {  	v1 =	vld [tilespmem:s31+$0x6930];
	_ =	sdelay $0x4  }
0x9c: {  	[tilespmem:s30+$0xE930] =	vst v1  }
0x9d: {  	v1 =	vld [tilespmem:s1+$0x6980];
	_ =	sdelay $0x4  }
0x9e: {  	[tilespmem:s30+$0xE980] =	vst v1  }
0x9f: {  	v1 =	vld [tilespmem:s1+$0x6990]  }
0xa0: {  	(v2sf) =	vpush v0, $0xB  }
0xa1: {  	(v2sf) =	vpush v0, $0xA;
	_ =	sdelay $0x2  }
0xa2: {  	[tilespmem:s30+$0xE990] =	vst v1  }
0xa3: {  	v1 =	vld [tilespmem:s1+$0x69A0];
	_ =	sdelay $0x4  }
0xa4: {  	[tilespmem:s30+$0xE9A0] =	vst v1  }
0xa5: {  	v1 =	vld [tilespmem:s1+$0x69B0];
	_ =	sdelay $0x3  }
0xa6: {  	s1 =	spop (v2sf)  }
0xa7: {  	s31 =	spop (v2sf);
	[tilespmem:s30+$0xE9B0] =	vst v1  }
0xa8: {  	v1 =	vld [tilespmem:s31+$0x6A00];
	_ =	sdelay $0x4  }
0xa9: {  	[tilespmem:s30+$0xEA00] =	vst v1  }
0xaa: {  	v1 =	vld [tilespmem:s31+$0x6A10];
	_ =	sdelay $0x4  }
0xab: {  	[tilespmem:s30+$0xEA10] =	vst v1  }
0xac: {  	v1 =	vld [tilespmem:s31+$0x6A20];
	_ =	sdelay $0x4  }
0xad: {  	[tilespmem:s30+$0xEA20] =	vst v1  }
0xae: {  	v1 =	vld [tilespmem:s31+$0x6A30];
	_ =	sdelay $0x4  }
0xaf: {  	[tilespmem:s30+$0xEA30] =	vst v1  }
0xb0: {  	v1 =	vld [tilespmem:s1+$0x6A80];
	_ =	sdelay $0x4  }
0xb1: {  	[tilespmem:s30+$0xEA80] =	vst v1  }
0xb2: {  	v1 =	vld [tilespmem:s1+$0x6A90]  }
0xb3: {  	(v2sf) =	vpush v0, $0xD  }
0xb4: {  	(v2sf) =	vpush v0, $0xC;
	_ =	sdelay $0x2  }
0xb5: {  	[tilespmem:s30+$0xEA90] =	vst v1  }
0xb6: {  	v1 =	vld [tilespmem:s1+$0x6AA0];
	_ =	sdelay $0x4  }
0xb7: {  	[tilespmem:s30+$0xEAA0] =	vst v1  }
0xb8: {  	v1 =	vld [tilespmem:s1+$0x6AB0];
	_ =	sdelay $0x3  }
0xb9: {  	s1 =	spop (v2sf)  }
0xba: {  	s31 =	spop (v2sf);
	[tilespmem:s30+$0xEAB0] =	vst v1  }
0xbb: {  	v1 =	vld [tilespmem:s31+$0x6B00];
	_ =	sdelay $0x4  }
0xbc: {  	[tilespmem:s30+$0xEB00] =	vst v1  }
0xbd: {  	v1 =	vld [tilespmem:s31+$0x6B10];
	_ =	sdelay $0x4  }
0xbe: {  	[tilespmem:s30+$0xEB10] =	vst v1  }
0xbf: {  	v1 =	vld [tilespmem:s31+$0x6B20];
	_ =	sdelay $0x4  }
0xc0: {  	[tilespmem:s30+$0xEB20] =	vst v1  }
0xc1: {  	v1 =	vld [tilespmem:s31+$0x6B30];
	_ =	sdelay $0x4  }
0xc2: {  	[tilespmem:s30+$0xEB30] =	vst v1  }
0xc3: {  	v1 =	vld [tilespmem:s1+$0x6B80];
	_ =	sdelay $0x4  }
0xc4: {  	[tilespmem:s30+$0xEB80] =	vst v1  }
0xc5: {  	v1 =	vld [tilespmem:s1+$0x6B90]  }
0xc6: {  	(v2sf) =	vpush v0, $0xF  }
0xc7: {  	(v2sf) =	vpush v0, $0xE;
	_ =	sdelay $0x2  }
0xc8: {  	[tilespmem:s30+$0xEB90] =	vst v1  }
0xc9: {  	v63 =	vld [tilespmem:s1+$0x6BA0];
	_ =	sdelay $0x4  }
0xca: {  	[tilespmem:s30+$0xEBA0] =	vst v63  }
0xcb: {  	v0 =	vld [tilespmem:s1+$0x6BB0];
	_ =	sdelay $0x3  }
0xcc: {  	s1 =	spop (v2sf)  }
0xcd: {  	s31 =	spop (v2sf);
	[tilespmem:s30+$0xEBB0] =	vst v0  }
0xce: {  	v0 =	vld [tilespmem:s31+$0x6C00];
	_ =	sdelay $0x4  }
0xcf: {  	[tilespmem:s30+$0xEC00] =	vst v0  }
0xd0: {  	v0 =	vld [tilespmem:s31+$0x6C10];
	_ =	sdelay $0x4  }
0xd1: {  	[tilespmem:s30+$0xEC10] =	vst v0  }
0xd2: {  	v0 =	vld [tilespmem:s31+$0x6C20];
	_ =	sdelay $0x4  }
0xd3: {  	[tilespmem:s30+$0xEC20] =	vst v0  }
0xd4: {  	v0 =	vld [tilespmem:s31+$0x6C30];
	_ =	sdelay $0x4  }
0xd5: {  	[tilespmem:s30+$0xEC30] =	vst v0  }
0xd6: {  	v0 =	vld [tilespmem:s1+$0x6C80];
	_ =	sdelay $0x4  }
0xd7: {  	[tilespmem:s30+$0xEC80] =	vst v0  }
0xd8: {  	v0 =	vld [tilespmem:s1+$0x6C90];
	_ =	sdelay $0x4  }
0xd9: {  	[tilespmem:s30+$0xEC90] =	vst v0  }
0xda: {  	v0 =	vld [tilespmem:s1+$0x6CA0];
	_ =	sdelay $0x4  }
0xdb: {  	[tilespmem:s30+$0xECA0] =	vst v0  }
0xdc: {  	p1 =	sne.s32 s28, $0xE000;
	v0 =	vld [tilespmem:s1+$0x6CB0]  }
.Ltmp0:
0xdd: {  	_ = 	snop;
	(pc) =	sbr.rel @p1 .LBB2_3-.Ltmp0, $2  }
0xde: {  	_ =	sdelay $0x2  }
0xdf: {  	s29 =	sadd.s32 $0x10, s29;
	s28 =	sadd.s32 $0x2000, s28;
	[tilespmem:s30+$0xECB0] =	vst v0  }
0xe0: {  	p1 =	sne.s32 s23, $0x63  }
.Ltmp1:
0xe1: {  	_ = 	snop;
	(pc) =	sbr.rel @p1 .LBB2_6-.Ltmp1, $4  }
0xe2: {  	s1 =	sadd.s32 s6, s26  }
0xe3: {  	s1 =	sshll.u32 s1, $0xB  }
0xe4: {  	s1 =	sadd.s32 s4, s1  }
0xe5: {  	[hbm4b:s1+s2] =	stream.linear.scatter [tilespmem:s15], [sflag:$0x3], $0x4000, $0x38;
	[tilespmem:$0x16500] =	vst v63  }
.Ltmp2:
0xe6: {  	(pc) =	sbr.rel .LBB2_7-.Ltmp2, $4  }
0xe7: {  	_ = 	snop  }
0xe8: {  	_ =	swait.ge [sflag:s16], $0x4000  }
0xe9: {  	[sflag:s16] =	ssyncset.done $0x0  }
0xea: {  	[sflag:s16] =	ssyncadd.s32 $0xFFFFC000  }
.LBB2_6:
0xeb: {  	v0 =	vld [tilespmem:s25+$0x100];
	_ =	sdelay $0x4  }
0xec: {  	v0 =	vshra.s32 v0, $0x1  }
0xed: {  	[tilespmem:$0x6400] =	vst v0  }
0xee: {  	v0 =	vld [tilespmem:s25+$0x110];
	_ =	sdelay $0x4  }
0xef: {  	v0 =	vshra.s32 v0, $0x1  }
0xf0: {  	[tilespmem:$0x6410] =	vst v0  }
0xf1: {  	v0 =	vld [tilespmem:s25+$0x120];
	_ =	sdelay $0x4  }
0xf2: {  	v0 =	vshra.s32 v0, $0x1  }
0xf3: {  	[tilespmem:$0x6420] =	vst v0  }
0xf4: {  	v0 =	vld [tilespmem:s25+$0x130];
	_ =	sdelay $0x4  }
0xf5: {  	v0 =	vshra.s32 v0, $0x1  }
0xf6: {  	[tilespmem:$0x6430] =	vst v0  }
0xf7: {  	v0 =	vld [tilespmem:s25+$0x140];
	_ =	sdelay $0x4  }
0xf8: {  	v0 =	vshra.s32 v0, $0x1  }
0xf9: {  	[tilespmem:$0x6440] =	vst v0  }
0xfa: {  	v0 =	vld [tilespmem:s25+$0x150];
	_ =	sdelay $0x4  }
0xfb: {  	v0 =	vshra.s32 v0, $0x1  }
0xfc: {  	[tilespmem:$0x6450] =	vst v0  }
0xfd: {  	v0 =	vld [tilespmem:s25+$0x160];
	_ =	sdelay $0x4  }
0xfe: {  	v0 =	vshra.s32 v0, $0x1  }
0xff: {  	[tilespmem:$0x6460] =	vst v0  }
0x100: {  	v0 =	vld [tilespmem:s25+$0x170];
	_ =	sdelay $0x4  }
0x101: {  	v0 =	vshra.s32 v0, $0x1  }
.Ltmp3:
0x102: {  	[tilespmem:$0x6470] =	vst v0;
	(pc) =	sbr.rel @p0 .LBB2_8-.Ltmp3, $4  }
0x103: {  	[tilespmem:s10], [sflag:$0x1] =	stream.indirect.gather [hbm4b:s3+s11], $0x80, s9, s11, $0xb8;
	[tilespmem:$0x16500] =	vst v63  }
0x104: {  	_ =	swait.ge [sflag:s16], $0x4000  }
0x105: {  	[sflag:s16] =	ssyncset.done $0x0  }
0x106: {  	[sflag:s16] =	ssyncadd.s32 $0xFFFFC000  }
.LBB2_7:
0x107: {  	_ =	swait.ge [sflag:s17], $0x4000  }
0x108: {  	[sflag:s17] =	ssyncset.done $0x0  }
0x109: {  	[sflag:s17] =	ssyncadd.s32 $0xFFFFC000  }
.LBB2_8:
0x10a: {  	s25 =	simm.s32 $0x0;
	s26 =	smov.u32 s21  }
.LBB2_9:
0x10b: {  	v0 =	vld [tilespmem:s26+$0x0];
	_ =	sdelay $0x4  }
0x10c: {  	v0 =	vshll.u32 v0, $0x6  }
0x10d: {  	s28 =	sshra.s32 s25, $0x2;
	v0 =	vand.u32 $0x40, v0  }
0x10e: {  	v0 =	vadd.s32 s28, v0  }
0x10f: {  	(v2sf) =	vpush v0, $0x1  }
0x110: {  	(v2sf) =	vpush v0, $0x0;
	_ =	sdelay $0xd  }
0x111: {  	s1 =	spop (v2sf)  }
0x112: {  	s29 =	spop (v2sf)  }
0x113: {  	v1 =	vld [tilespmem:s29+$0xA500];
	_ =	sdelay $0x4  }
0x114: {  	[tilespmem:s28+$0x12500] =	vst v1  }
0x115: {  	v1 =	vld [tilespmem:s29+$0xA510];
	_ =	sdelay $0x4  }
0x116: {  	[tilespmem:s28+$0x12510] =	vst v1  }
0x117: {  	v1 =	vld [tilespmem:s29+$0xA520];
	_ =	sdelay $0x4  }
0x118: {  	[tilespmem:s28+$0x12520] =	vst v1  }
0x119: {  	v1 =	vld [tilespmem:s29+$0xA530];
	_ =	sdelay $0x4  }
0x11a: {  	[tilespmem:s28+$0x12530] =	vst v1  }
0x11b: {  	v1 =	vld [tilespmem:s1+$0xA580];
	_ =	sdelay $0x4  }
0x11c: {  	[tilespmem:s28+$0x12580] =	vst v1  }
0x11d: {  	v1 =	vld [tilespmem:s1+$0xA590]  }
0x11e: {  	(v2sf) =	vpush v0, $0x3  }
0x11f: {  	(v2sf) =	vpush v0, $0x2;
	_ =	sdelay $0x2  }
0x120: {  	[tilespmem:s28+$0x12590] =	vst v1  }
0x121: {  	v1 =	vld [tilespmem:s1+$0xA5A0];
	_ =	sdelay $0x4  }
0x122: {  	[tilespmem:s28+$0x125A0] =	vst v1  }
0x123: {  	v1 =	vld [tilespmem:s1+$0xA5B0];
	_ =	sdelay $0x3  }
0x124: {  	s30 =	spop (v2sf)  }
0x125: {  	s31 =	spop (v2sf);
	[tilespmem:s28+$0x125B0] =	vst v1  }
0x126: {  	v1 =	vld [tilespmem:s31+$0xA600];
	_ =	sdelay $0x4  }
0x127: {  	[tilespmem:s28+$0x12600] =	vst v1  }
0x128: {  	v1 =	vld [tilespmem:s31+$0xA610];
	_ =	sdelay $0x4  }
0x129: {  	[tilespmem:s28+$0x12610] =	vst v1  }
0x12a: {  	v1 =	vld [tilespmem:s31+$0xA620];
	_ =	sdelay $0x4  }
0x12b: {  	[tilespmem:s28+$0x12620] =	vst v1  }
0x12c: {  	v1 =	vld [tilespmem:s31+$0xA630];
	_ =	sdelay $0x4  }
0x12d: {  	[tilespmem:s28+$0x12630] =	vst v1  }
0x12e: {  	v1 =	vld [tilespmem:s30+$0xA680];
	_ =	sdelay $0x4  }
0x12f: {  	[tilespmem:s28+$0x12680] =	vst v1  }
0x130: {  	v1 =	vld [tilespmem:s30+$0xA690]  }
0x131: {  	(v2sf) =	vpush v0, $0x5  }
0x132: {  	(v2sf) =	vpush v0, $0x4;
	_ =	sdelay $0x2  }
0x133: {  	[tilespmem:s28+$0x12690] =	vst v1  }
0x134: {  	v1 =	vld [tilespmem:s30+$0xA6A0];
	_ =	sdelay $0x4  }
0x135: {  	[tilespmem:s28+$0x126A0] =	vst v1  }
0x136: {  	v1 =	vld [tilespmem:s30+$0xA6B0];
	_ =	sdelay $0x3  }
0x137: {  	s30 =	spop (v2sf)  }
0x138: {  	s31 =	spop (v2sf);
	[tilespmem:s28+$0x126B0] =	vst v1  }
0x139: {  	v1 =	vld [tilespmem:s31+$0xA700];
	_ =	sdelay $0x4  }
0x13a: {  	[tilespmem:s28+$0x12700] =	vst v1  }
0x13b: {  	v1 =	vld [tilespmem:s31+$0xA710];
	_ =	sdelay $0x4  }
0x13c: {  	[tilespmem:s28+$0x12710] =	vst v1  }
0x13d: {  	v1 =	vld [tilespmem:s31+$0xA720];
	_ =	sdelay $0x4  }
0x13e: {  	[tilespmem:s28+$0x12720] =	vst v1  }
0x13f: {  	v1 =	vld [tilespmem:s31+$0xA730];
	_ =	sdelay $0x4  }
0x140: {  	[tilespmem:s28+$0x12730] =	vst v1  }
0x141: {  	v1 =	vld [tilespmem:s30+$0xA780];
	_ =	sdelay $0x4  }
0x142: {  	[tilespmem:s28+$0x12780] =	vst v1  }
0x143: {  	v1 =	vld [tilespmem:s30+$0xA790]  }
0x144: {  	(v2sf) =	vpush v0, $0x7  }
0x145: {  	(v2sf) =	vpush v0, $0x6;
	_ =	sdelay $0x2  }
0x146: {  	[tilespmem:s28+$0x12790] =	vst v1  }
0x147: {  	v1 =	vld [tilespmem:s30+$0xA7A0];
	_ =	sdelay $0x4  }
0x148: {  	[tilespmem:s28+$0x127A0] =	vst v1  }
0x149: {  	v1 =	vld [tilespmem:s30+$0xA7B0];
	_ =	sdelay $0x3  }
0x14a: {  	s30 =	spop (v2sf)  }
0x14b: {  	s31 =	spop (v2sf);
	[tilespmem:s28+$0x127B0] =	vst v1  }
0x14c: {  	v1 =	vld [tilespmem:s31+$0xA800];
	_ =	sdelay $0x4  }
0x14d: {  	[tilespmem:s28+$0x12800] =	vst v1  }
0x14e: {  	v1 =	vld [tilespmem:s31+$0xA810];
	_ =	sdelay $0x4  }
0x14f: {  	[tilespmem:s28+$0x12810] =	vst v1  }
0x150: {  	v1 =	vld [tilespmem:s31+$0xA820];
	_ =	sdelay $0x4  }
0x151: {  	[tilespmem:s28+$0x12820] =	vst v1  }
0x152: {  	v1 =	vld [tilespmem:s31+$0xA830];
	_ =	sdelay $0x4  }
0x153: {  	[tilespmem:s28+$0x12830] =	vst v1  }
0x154: {  	v1 =	vld [tilespmem:s30+$0xA880];
	_ =	sdelay $0x4  }
0x155: {  	[tilespmem:s28+$0x12880] =	vst v1  }
0x156: {  	v1 =	vld [tilespmem:s30+$0xA890]  }
0x157: {  	(v2sf) =	vpush v0, $0x9  }
0x158: {  	(v2sf) =	vpush v0, $0x8;
	_ =	sdelay $0x2  }
0x159: {  	[tilespmem:s28+$0x12890] =	vst v1  }
0x15a: {  	v1 =	vld [tilespmem:s30+$0xA8A0];
	_ =	sdelay $0x4  }
0x15b: {  	[tilespmem:s28+$0x128A0] =	vst v1  }
0x15c: {  	v1 =	vld [tilespmem:s30+$0xA8B0];
	_ =	sdelay $0x3  }
0x15d: {  	s30 =	spop (v2sf)  }
0x15e: {  	s31 =	spop (v2sf);
	[tilespmem:s28+$0x128B0] =	vst v1  }
0x15f: {  	v1 =	vld [tilespmem:s31+$0xA900];
	_ =	sdelay $0x4  }
0x160: {  	[tilespmem:s28+$0x12900] =	vst v1  }
0x161: {  	v1 =	vld [tilespmem:s31+$0xA910];
	_ =	sdelay $0x4  }
0x162: {  	[tilespmem:s28+$0x12910] =	vst v1  }
0x163: {  	v1 =	vld [tilespmem:s31+$0xA920];
	_ =	sdelay $0x4  }
0x164: {  	[tilespmem:s28+$0x12920] =	vst v1  }
0x165: {  	v1 =	vld [tilespmem:s31+$0xA930];
	_ =	sdelay $0x4  }
0x166: {  	[tilespmem:s28+$0x12930] =	vst v1  }
0x167: {  	v1 =	vld [tilespmem:s30+$0xA980];
	_ =	sdelay $0x4  }
0x168: {  	[tilespmem:s28+$0x12980] =	vst v1  }
0x169: {  	v1 =	vld [tilespmem:s30+$0xA990]  }
0x16a: {  	(v2sf) =	vpush v0, $0xB  }
0x16b: {  	(v2sf) =	vpush v0, $0xA;
	_ =	sdelay $0x2  }
0x16c: {  	[tilespmem:s28+$0x12990] =	vst v1  }
0x16d: {  	v1 =	vld [tilespmem:s30+$0xA9A0];
	_ =	sdelay $0x4  }
0x16e: {  	[tilespmem:s28+$0x129A0] =	vst v1  }
0x16f: {  	v1 =	vld [tilespmem:s30+$0xA9B0];
	_ =	sdelay $0x3  }
0x170: {  	s30 =	spop (v2sf)  }
0x171: {  	s31 =	spop (v2sf);
	[tilespmem:s28+$0x129B0] =	vst v1  }
0x172: {  	v1 =	vld [tilespmem:s31+$0xAA00];
	_ =	sdelay $0x4  }
0x173: {  	[tilespmem:s28+$0x12A00] =	vst v1  }
0x174: {  	v1 =	vld [tilespmem:s31+$0xAA10];
	_ =	sdelay $0x4  }
0x175: {  	[tilespmem:s28+$0x12A10] =	vst v1  }
0x176: {  	v1 =	vld [tilespmem:s31+$0xAA20];
	_ =	sdelay $0x4  }
0x177: {  	[tilespmem:s28+$0x12A20] =	vst v1  }
0x178: {  	v1 =	vld [tilespmem:s31+$0xAA30];
	_ =	sdelay $0x4  }
0x179: {  	[tilespmem:s28+$0x12A30] =	vst v1  }
0x17a: {  	v1 =	vld [tilespmem:s30+$0xAA80];
	_ =	sdelay $0x4  }
0x17b: {  	[tilespmem:s28+$0x12A80] =	vst v1  }
0x17c: {  	v1 =	vld [tilespmem:s30+$0xAA90]  }
0x17d: {  	(v2sf) =	vpush v0, $0xD  }
0x17e: {  	(v2sf) =	vpush v0, $0xC;
	_ =	sdelay $0x2  }
0x17f: {  	[tilespmem:s28+$0x12A90] =	vst v1  }
0x180: {  	v1 =	vld [tilespmem:s30+$0xAAA0];
	_ =	sdelay $0x4  }
0x181: {  	[tilespmem:s28+$0x12AA0] =	vst v1  }
0x182: {  	v1 =	vld [tilespmem:s30+$0xAAB0];
	_ =	sdelay $0x3  }
0x183: {  	s30 =	spop (v2sf)  }
0x184: {  	s31 =	spop (v2sf);
	[tilespmem:s28+$0x12AB0] =	vst v1  }
0x185: {  	v1 =	vld [tilespmem:s31+$0xAB00];
	_ =	sdelay $0x4  }
0x186: {  	[tilespmem:s28+$0x12B00] =	vst v1  }
0x187: {  	v1 =	vld [tilespmem:s31+$0xAB10];
	_ =	sdelay $0x4  }
0x188: {  	[tilespmem:s28+$0x12B10] =	vst v1  }
0x189: {  	v1 =	vld [tilespmem:s31+$0xAB20];
	_ =	sdelay $0x4  }
0x18a: {  	[tilespmem:s28+$0x12B20] =	vst v1  }
0x18b: {  	v1 =	vld [tilespmem:s31+$0xAB30];
	_ =	sdelay $0x4  }
0x18c: {  	[tilespmem:s28+$0x12B30] =	vst v1  }
0x18d: {  	v1 =	vld [tilespmem:s30+$0xAB80];
	_ =	sdelay $0x4  }
0x18e: {  	[tilespmem:s28+$0x12B80] =	vst v1  }
0x18f: {  	v1 =	vld [tilespmem:s30+$0xAB90]  }
0x190: {  	(v2sf) =	vpush v0, $0xF  }
0x191: {  	(v2sf) =	vpush v0, $0xE;
	_ =	sdelay $0x2  }
0x192: {  	[tilespmem:s28+$0x12B90] =	vst v1  }
0x193: {  	v63 =	vld [tilespmem:s30+$0xABA0];
	_ =	sdelay $0x4  }
0x194: {  	[tilespmem:s28+$0x12BA0] =	vst v63  }
0x195: {  	v0 =	vld [tilespmem:s30+$0xABB0];
	_ =	sdelay $0x3  }
0x196: {  	s30 =	spop (v2sf)  }
0x197: {  	s31 =	spop (v2sf);
	[tilespmem:s28+$0x12BB0] =	vst v0  }
0x198: {  	v0 =	vld [tilespmem:s31+$0xAC00];
	_ =	sdelay $0x4  }
0x199: {  	[tilespmem:s28+$0x12C00] =	vst v0  }
0x19a: {  	v0 =	vld [tilespmem:s31+$0xAC10];
	_ =	sdelay $0x4  }
0x19b: {  	[tilespmem:s28+$0x12C10] =	vst v0  }
0x19c: {  	v0 =	vld [tilespmem:s31+$0xAC20];
	_ =	sdelay $0x4  }
0x19d: {  	[tilespmem:s28+$0x12C20] =	vst v0  }
0x19e: {  	v0 =	vld [tilespmem:s31+$0xAC30];
	_ =	sdelay $0x4  }
0x19f: {  	[tilespmem:s28+$0x12C30] =	vst v0  }
0x1a0: {  	v0 =	vld [tilespmem:s30+$0xAC80];
	_ =	sdelay $0x4  }
0x1a1: {  	[tilespmem:s28+$0x12C80] =	vst v0  }
0x1a2: {  	v0 =	vld [tilespmem:s30+$0xAC90];
	_ =	sdelay $0x4  }
0x1a3: {  	[tilespmem:s28+$0x12C90] =	vst v0  }
0x1a4: {  	v0 =	vld [tilespmem:s30+$0xACA0];
	_ =	sdelay $0x4  }
0x1a5: {  	[tilespmem:s28+$0x12CA0] =	vst v0  }
0x1a6: {  	p0 =	sne.s32 s25, $0xE000;
	v0 =	vld [tilespmem:s30+$0xACB0]  }
.Ltmp4:
0x1a7: {  	_ = 	snop;
	(pc) =	sbr.rel @p0 .LBB2_9-.Ltmp4, $2  }
0x1a8: {  	_ =	sdelay $0x2  }
0x1a9: {  	s26 =	sadd.s32 $0x10, s26;
	s25 =	sadd.s32 $0x2000, s25;
	[tilespmem:s28+$0x12CB0] =	vst v0  }
0x1aa: {  	s23 =	sadd.s32 $0x1, s23  }
0x1ab: {  	p0 =	sne.s32 s23, $0x64  }
.Ltmp5:
0x1ac: {  	s1 =	sadd.s32 s6, s24;
	(pc) =	sbr.rel @p0 .LBB2_2-.Ltmp5, $4  }
0x1ad: {  	s1 =	sshll.u32 s1, $0xB  }
0x1ae: {  	s1 =	sand.u32 $0x1FFFF800, s1  }
0x1af: {  	s22 =	sadd.s32 $0x100, s22;
	s21 =	sadd.s32 $0x100, s21;
	s1 =	sadd.s32 s4, s1  }
0x1b0: {  	[hbm4b:s1+s2] =	stream.linear.scatter [tilespmem:s18], [sflag:$0x4], $0x4000, $0x38;
	[tilespmem:$0x16500] =	vst v63  }
0x1b1: {  	s20 =	sadd.s32 $0x1, s20  }
0x1b2: {  	_ =	swait.ge [sflag:s19], $0x4000;
	p0 =	sne.s32 s20, s7  }
.Ltmp6:
0x1b3: {  	[sflag:s19] =	ssyncset.done $0x0;
	(pc) =	sbr.rel @p0 .LBB2_1-.Ltmp6, $4  }
0x1b4: {  	[sflag:s19] =	ssyncadd.s32 $0xFFFFC000  }
0x1b5: {  	_ =	swait.ge [sflag:s17], $0x4000  }
0x1b6: {  	[sflag:s17] =	ssyncset.done $0x0  }
0x1b7: {  	[sflag:s17] =	ssyncadd.s32 $0xFFFFC000  }
0x1b8: {  	_ =	sfence.sel $0x180000  }
0x1b9: {  	[bflag:$0x0] =	sbarrier.arrive $0xFFFF  }
0x1ba: {  	_ =	strace $0x90000047  }
0x1bb: {  	[bflag:$0x2] =	sbarrier.arrive $0xFFFF  }
0x1bc: {  	p0 =	sne.s32 s0, $0x0;
	s0 =	rddreg [dreg:$0x2]  }
0x1bd: {  	s0 =	sadd.s32 @!p0 $0x100000, s0  }
0x1be: {  	[sflag:s0] =	ssyncadd.tile.s32 @!p0 $0x1;
	_ =	shalt  }
.Lfunc_end2:
_tile_overlayer_lowered:
.L_overlay_start_2:
0x1bf: {  	(tag) =	ssettag $0x2  }
0x1c0: {  	s0 =	rddreg [dreg:$0x0];
	s2 =	stileid.u32  }
0x1c1: {  	s1 =	rddreg [dreg:$0x1];
	p0 =	sne.s32 s2, $0x0  }
0x1c2: {  	s3 =	rddreg [dreg:$0x2];
	[bflag:$0x3] =	sbarrier.arrive $0xFFFF;
	s2 =	simm.s32 @!p0 $0x1C05  }
0x1c3: {  	[timem:s3], [sflag:s2] =	dma.local @!p0 [hbm:s0], s1  }
0x1c4: {  	s0 =	simm.s32 @!p0 $0x5  }
0x1c5: {  	_ =	swait.ge @!p0 [sflag:s0], s1  }
0x1c6: {  	s1 =	ssub.s32 @!p0 $0x0, s1;
	[sflag:s0] =	ssyncset.done @!p0 $0x0  }
0x1c7: {  	[sflag:s0] =	ssyncadd.s32 @!p0 s1  }
0x1c8: {  	[bflag:$0x3] =	sbarrier.arrive $0xFFFF  }
0x1c9: {  	_ =	shalt  }

// kernel: sparse-core-data-format-call.cloned.1.call-start
scs
called_computation_lowered:
.L_overlay_start_0:
0x0: {  	s2 =	sld [smem:$0x3FD9]  }
0x1: {  	s3 =	sld [smem:$0x3FFE];
	_ =	sdelay $0x1  }
0x2: {  	s1 =	srdreg.scid  }
0x3: {  	s0 =	sand.u32 $0x1, s1  }
0x4: {  	s18 =	sshll.u32 s0, $0xA;
	s2 =	sadd.s32 s3, s2  }
0x5: {  	s2 =	sadd.s32 s2, s18  }
0x6: {  	[smem:$0x3FC6] =	sst s2  }
0x7: {  	_ = 	snop  }
0x8: {  	s2 =	sld [smem:$0x3FD0];
	(tm) =	ssettm $0x1  }
0x9: {  	s19 =	sld [smem:$0x3FFB];
	_ =	sdelay $0x3  }
0xa: {  	_ =	strace s19  }
0xb: {  	s3 =	sld [smem:$0x3FFC];
	_ =	sdelay $0x3  }
0xc: {  	_ =	strace s3  }
0xd: {  	s3 =	sld [smem:$0x3FFD];
	_ =	sdelay $0x3  }
0xe: {  	_ =	strace s3  }
0xf: {  	_ =	strace $0x8FFFFFFF  }
0x10: {  	s20 =	sld [smem:$0x3FDB];
	_ =	sdelay $0x1  }
0x11: {  	s4 =	simm.s32 $_scs_section_size  }
0x12: {  	s5 =	simm.s32 $_size__tile_overlayer_lowered;
	s6 =	simm.s32 $_tile_overlayer_lowered  }
0x13: {  	s23 =	simm.s32 $0x1BFF;
	s22 =	sshll.u32 s6, $0x1;
	s3 =	sadd.s32 s4, s20  }
0x14: {  	s7 =	simm.s32 $0x0;
	s21 =	sshll.u32 s5, $0x1;
	s5 =	sadd.s32 s22, s3  }
0x15: {  	[timem:s7], [sflag:s23] =	dma.local [hbm:s5], s21  }
0x16: {  	_ =	swait.ge [sflag:s23], s21  }
0x17: {  	s4 =	ssub.s32 $0x0, s21;
	[sflag:s23] =	ssyncset.done $0x0  }
0x18: {  	[sflag:s23] =	ssyncadd.s32 s4;
	_ =	sdelay $0x1  }
0x19: {  	s24 =	simm.s32 $0x1B8B  }
0x1a: {  	_ =	swait.ge [sflag:s24], $0x1  }
0x1b: {  	[sflag:s24] =	ssyncset.done $0x0  }
0x1c: {  	s26 =	simm.s32 $0x1B8E;
	s25 =	sld [smem:$0x3FFE];
	[sflag:s24] =	ssyncadd.s32 $0xFFFFFFFF  }
0x1d: {  	s27 =	simm.s32 $execute0_lowered;
	[smem:$0x3FD2] =	sst s26  }
0x1e: {  	s5 =	sshll.u32 s27, $0x1;
	_ =	strace $0x80000049;
	[dreg:$0x1] =	wrdreg $0xFFFFFFFF  }
0x1f: {  	s28 =	simm.s32 $_size_execute0_lowered;
	s3 =	sadd.s32 s3, s5;
	[dreg:$0x0] =	wrdreg $0x0  }
0x20: {  	s5 =	sshll.u32 s28, $0x1;
	[dreg:$0x2] =	wrdreg s3  }
0x21: {  	[dreg:$0x3] =	wrdreg s5  }
0x22: {  	[dreg:$0x4] =	wrdreg $0xC0  }
0x23: {  	_ =	task [dreg:s7], $0x5FFFF  }
0x24: {  	[dreg:$0x1] =	wrdreg $0xFFFFFFFF  }
0x25: {  	[dreg:$0x0] =	wrdreg $0x60  }
0x26: {  	[dreg:$0x2] =	wrdreg s25  }
0x27: {  	[dreg:$0x3] =	wrdreg s2  }
0x28: {  	[dreg:$0x4] =	wrdreg $0x9  }
0x29: {  	_ =	task.clear_ibuf [dreg:s7], $0x5FFFF;
	_ =	strace $0x90000049  }
0x2a: {  	s29 =	simm.s32 $0x9;
	_ =	strace $0x8000004B  }
0x2b: {  	_ =	swait.ge [sflag:s29], $0x1  }
0x2c: {  	[sflag:s29] =	ssyncadd.s32 $0xFFFFFFFF  }
0x2d: {  	_ =	strace $0x9000004B  }
0x2e: {  	_ =	sfence  }
0x2f: {  	s30 =	sld [smem:$0x0];
	_ =	sdelay $0x2  }
0x30: {  	s31 =	sshll.u32 s1, $0xD;
	s1 =	sshrl.u32 s1, $0x2  }
0x31: {  	s3 =	sand.u32 $0x4000, s31;
	s1 =	sadd.s32 s1, s30  }
0x32: {  	s0 =	sor.u32 s3, s0;
	s1 =	sshll.u32 s1, $0x11  }
0x33: {  	s0 =	sor.u32 s1, s0  }
0x34: {  	s0 =	sadd.s32 $0x8F2B, s0  }
0x35: {  	[sflag:s0] =	ssyncadd.remote.s32 $0x1  }
0x36: {  	_ =	sfence.sel $0xFFFF  }
0x37: {  	[dreg:$0x0] =	wrdreg $0xFFFFFFFF;
	(pc) =	sbr.abs _section_cstart, $3  }
0x38: {  	[dreg:$0x1] =	wrdreg $0xFFFFFFFF  }
0x39: {  	_ =	task.clear_ibuf [dreg:s7], $0x2FFFF;
	_ =	strace $0x9FFFFFFF  }
0x3a: {  	(tm) =	ssettm $0x7FFFFFFF  }
0x3b: {  	_ =	shalt  }
tec
execute0_lowered:
.L_overlay_start_1:
0x0: {  	(tag) =	ssettag $0x1  }
0x1: {  	s0 =	srdreg.scid  }
0x2: {  	s1 =	sshll.u32 s0, $0x4  }
0x3: {  	s4 =	rddreg [dreg:$0x0];
	s0 =	stileid.u32;
	s1 =	sand.u32 $0x10, s1  }
0x4: {  	s2 =	rddreg [dreg:$0x1];
	s7 =	simm.s32 $0x1;
	s1 =	sor.u32 s0, s1  }
0x5: {  	s8 =	simm.s32 $0x2;
	s11 =	simm.s32 $0x0;
	s3 =	sshll.u32 s1, $0x7  }
0x6: {  	s10 =	simm.s32 $0x0;
	s4 =	sadd.s32 $0xA00, s4;
	s6 =	ssub.s32 $0xC8000, s3  }
.Ltmp0:
0x7: {  	s1 =	rddreg [dreg:$0x2];
	s5 =	sand.u32 $0xF80, s6;
	(pc) =	sbr.rel .LBB1_1-.Ltmp0, $4  }
0x8: {  	_ =	strace $0x8000004A;
	s9 =	smov.u32 s3;
	p0 =	sne.s32 s5, $0x0  }
0x9: {  	s6 =	sshrl.u32 s6, $0xC;
	s5 =	simm.s32 $0x1;
	s7 =	simm.s32 @!p0 $0x0  }
0xa: {  	[sflag:s5] =	ssyncpa.u1 $0x0;
	p0 =	por $0x0, $0x0;
	s6 =	sadd.s32 s7, s6  }
0xb: {  	[sflag:s8] =	ssyncpa.u1 $0x0;
	s8 =	simm.s32 $0xC8000;
	s7 =	sadd.s32 $0x1, s6  }
.LBB1_4:
0xc: {  	s14 =	smulhi.u32 $0x51EB851F, s11;
	_ =	sdelay $0x1  }
0xd: {  	s14 =	sshrl.u32 s14, $0x12  }
0xe: {  	s14 =	smul.u32 $0xC8000, s14;
	_ =	sdelay $0x1  }
0xf: {  	s30 =	ssub.s32 s11, s14  }
0x10: {  	[tilespmem:s13+$0x810 ss:$0x81] =	vst.msk $0xffff, v2;
	s14 =	sand.u32 $0x7, s30  }
0x11: {  	[tilespmem:s13+$0x1020 ss:$0x81] =	vst.msk $0xffff, v0;
	s11 =	sshrl.u32 s30, $0x3;
	s14 =	sshll.u32 s14, $0x12  }
0x12: {  	[tilespmem:s13+$0x0 ss:$0x81] =	vst.msk $0xffff, v1;
	s11 =	sadd.s32 s2, s11;
	s31 =	sor.u32 $0x80, s14  }
0x13: {  	[hbm4b:s11+s31] =	stream.strided.scatter [tilespmem:s12], [sflag:$0x2], $0x2000, s8, s31, $0x20;
	[tilespmem:$0x8080] =	vst v63  }
.LBB1_5:
0x14: {  	s13 =	sadd.s32 $0x1000, s9  }
0x15: {  	p2 =	sgt.s32 s13, $0xC7FFF  }
0x16: {  	s13 =	smov.u32 @p2 s3;
	p2 =	sne.s32 s10, s7  }
.Ltmp1:
0x17: {  	p1 =	slt.u32 s10, $0x2;
	(pc) =	sbr.rel @!p2 .LBB1_6-.Ltmp1, $4  }
0x18: {  	s12 =	simm.s32 @!p1 $0x2  }
0x19: {  	s14 =	sadd.s32 $0x1, s10;
	_ =	swait.ge @!p1 [sflag:s12], $0x2000  }
0x1a: {  	s11 =	smov.u32 s9;
	p0 =	por !p0, !p0;
	[sflag:s12] =	ssyncset.done @!p1 $0x0  }
0x1b: {  	s10 =	smov.u32 s14;
	s9 =	smov.u32 s13;
	[sflag:s12] =	ssyncadd.s32 @!p1 $0xFFFFE000  }
.LBB1_1:
0x1c: {  	p1 =	sge.u32 s10, s6  }
0x1d: {  	s12 =	sand.u32 @!p1 $0x1FFFFFF, s9  }
0x1e: {  	s13 =	smulhi.u32 @!p1 $0x147AE15, s12;
	_ =	sdelay $0x1  }
0x1f: {  	s13 =	sshrl.u32 @!p1 s13, $0xC  }
0x20: {  	s13 =	smul.u32 @!p1 $0xC8000, s13;
	_ =	sdelay $0x1  }
0x21: {  	s31 =	sadd.s32 $0xFFFFFFFF, s10;
	s14 =	sxor.u32 @!p1 $0xFFFFFFFF, s10;
	s12 =	ssub.s32 @!p1 s12, s13  }
0x22: {  	s15 =	simm.s32 @!p1 $0x80;
	s14 =	sshll.u32 @!p1 s14, $0xD;
	s12 =	sshll.u32 @!p1 s12, $0x4  }
0x23: {  	s13 =	sand.u32 @!p1 $0x2000, s14;
	s14 =	simm.s32 @!p1 $0x40;
	s12 =	sadd.s32 @!p1 s4, s12  }
0x24: {  	[tilespmem:s13], [sflag:$0x1] =	stream.strided.gather @!p1 [hbm4b:s12+s14], $0x2000, s15, s14, $0x38;
	[tilespmem:$0x8080] =	vst v63  }
0x25: {  	p1 =	sge.u32 s31, s6  }
.Ltmp2:
0x26: {  	_ = 	snop;
	(pc) =	sbr.rel @p1 .LBB1_5-.Ltmp2, $1  }
0x27: {  	_ =	sdelay $0x3  }
0x28: {  	s12 =	simm.s32 $0x1  }
0x29: {  	_ =	swait.ge [sflag:s5], $0x2000;
	s12 =	simm.s32 @!p0 $0x0  }
0x2a: {  	[sflag:s5] =	ssyncset.done $0x0;
	s13 =	sshll.u32 s12, $0xD  }
0x2b: {  	[sflag:s5] =	ssyncadd.s32 $0xFFFFE000;
	s16 =	sor.u32 $0x20, s13  }
0x2c: {  	s12 =	smul.u32 $0x8100, s12;
	v3 =	vld [tilespmem:s16+$0x10]  }
0x2d: {  	s30 =	sand.u32 $0x1, s10;
	v2 =	vld [tilespmem:s16+$0xFFFFFFF0]  }
0x2e: {  	s13 =	smul.u32 $0x8100, s30;
	s12 =	sshrl.u32 s12, $0x2;
	v0 =	vld [tilespmem:s16+$0x0]  }
0x2f: {  	v1 =	vld [tilespmem:s16+$0xFFFFFFE0];
	s14 =	sor.u32 $0x4000, s12  }
0x30: {  	s31 =	sshrl.u32 s13, $0x2;
	s13 =	sadd.s32 $0x0, s14  }
0x31: {  	s15 =	simm.s32 $0x4;
	s16 =	sadd.s32 $0x40, s16;
	s12 =	sor.u32 $0x4000, s31;
	[tilespmem:s13+$0x1830 ss:$0x81] =	vst.msk $0xffff, v3  }
.LBB1_3:
0x32: {  	v3 =	vld [tilespmem:s16+$0x10];
	p1 =	sne.s32 s15, $0x1FC;
	[tilespmem:s13+$0x810 ss:$0x81] =	vst.msk $0xffff, v2;
	s17 =	smov.u32 s15;
	s15 =	sadd.s32 $0x4, s15  }
.Ltmp3:
0x33: {  	v2 =	vld [tilespmem:s16+$0xFFFFFFF0];
	[tilespmem:s13+$0x1020 ss:$0x81] =	vst.msk $0xffff, v0;
	(pc) =	sbr.rel @p1 .LBB1_3-.Ltmp3, $4  }
0x34: {  	v0 =	vld [tilespmem:s16+$0x0];
	[tilespmem:s13+$0x0 ss:$0x81] =	vst.msk $0xffff, v1  }
0x35: {  	s13 =	sshra.s32 s17, $0x2;
	v1 =	vld [tilespmem:s16+$0xFFFFFFE0]  }
0x36: {  	s13 =	sadd.s32 s13, s14  }
0x37: {  	s16 =	sadd.s32 $0x40, s16;
	[tilespmem:s13+$0x1830 ss:$0x81] =	vst.msk $0xffff, v3  }
.Ltmp4:
0x38: {  	_ = 	snop;
	(pc) =	sbr.rel .LBB1_4-.Ltmp4, $1  }
0x39: {  	_ =	sdelay $0x3  }
.LBB1_6:
0x3a: {  	_ =	sfence.sel $0x180000  }
0x3b: {  	s2 =	simm.s32 $0x1;
	[bflag:$0x0] =	sbarrier.arrive $0xFFFF  }
0x3c: {  	s31 =	simm.s32 $0x2;
	[sflag:s2] =	ssyncpa.u1 $0x1  }
0x3d: {  	[sflag:s31] =	ssyncpa.u1 $0x1  }
0x3e: {  	p0 =	sne.s32 s0, $0x0;
	_ =	strace $0x9000004A  }
0x3f: {  	s0 =	sadd.s32 @!p0 $0x100000, s1;
	[bflag:$0x2] =	sbarrier.arrive $0xFFFF  }
0x40: {  	[sflag:s0] =	ssyncadd.tile.s32 @!p0 $0x1;
	_ =	shalt  }
.Lfunc_end1:
_tile_overlayer_lowered:
.L_overlay_start_2:
0x41: {  	(tag) =	ssettag $0x2  }
0x42: {  	s0 =	rddreg [dreg:$0x0];
	s2 =	stileid.u32  }
0x43: {  	s1 =	rddreg [dreg:$0x1];
	p0 =	sne.s32 s2, $0x0  }
0x44: {  	s3 =	rddreg [dreg:$0x2];
	[bflag:$0x3] =	sbarrier.arrive $0xFFFF;
	s2 =	simm.s32 @!p0 $0x1C01  }
0x45: {  	[timem:s3], [sflag:s2] =	dma.local @!p0 [hbm:s0], s1  }
0x46: {  	s0 =	simm.s32 @!p0 $0x1  }
0x47: {  	_ =	swait.ge @!p0 [sflag:s0], s1  }
0x48: {  	s1 =	ssub.s32 @!p0 $0x0, s1;
	[sflag:s0] =	ssyncset.done @!p0 $0x0  }
0x49: {  	[sflag:s0] =	ssyncadd.s32 @!p0 s1  }
0x4a: {  	[bflag:$0x3] =	sbarrier.arrive $0xFFFF  }
0x4b: {  	_ =	shalt  }

</sc_bundles>
